<compile_context>
chip_gen: v7x
topology: tpu7x:2x2x1
jax: 0.10.2.dev20260603
libtpu: 0.0.44.dev20260713+nightly
codegen_flags: <defaults>
</compile_context>

<pallas_src>
import functools

import numpy as np
import jax
import jax.numpy as jnp
from jax import lax
from jax.experimental import pallas as pl
from jax.experimental.pallas import tpu as pltpu
from jax.experimental.pallas import tpu_sc as plsc

N_ATOMS = 128
N_EDGES = 4096
NK = 8
NO = 8
NORB = N_ATOMS * NO
FEAT = 42
ROWS_PER_SC = NORB * NORB * 2 // 8 // 2
TRASH = ROWS_PER_SC
N_TILES = 16
E_PER_TILE = N_EDGES // N_TILES


def _build_constants():
    norbs = [1, 1, 3, 3]
    offs = np.concatenate([[0], np.cumsum(norbs)]).astype(int)
    sel = np.zeros((FEAT, 64), np.float32)
    st = 0
    for i in range(4):
        for j in range(4):
            if i <= j:
                ni, nj = norbs[i], norbs[j]
                fac = 0.5 if i == j else 1.0
                for ai in range(ni):
                    for bj in range(nj):
                        sel[st + ai * nj + bj,
                            (offs[i] + ai) * NO + (offs[j] + bj)] = fac
                st += ni * nj
    permt = np.zeros((64, 64), np.float32)
    for a in range(NO):
        for b in range(NO):
            permt[a * NO + b, b * NO + a] = 1.0
    mre = np.zeros((64, 128), np.float32)
    mim = np.zeros((64, 128), np.float32)
    for ab in range(64):
        a, b = divmod(ab, NO)
        mre[ab, a * 16 + b] = 1.0
        mim[ab, a * 16 + 8 + b] = 1.0
    selre = sel @ mre
    selim = sel @ mim
    seltre = sel @ permt @ mre
    seltim = sel @ permt @ mim
    onssel = (sel + sel @ permt) @ mre
    return selre, selim, seltre, seltim, onssel


_SELRE, _SELIM, _SELTRE, _SELTIM, _ONSSEL = _build_constants()


def _prep_body(perm_ref, ef_ref, ecs_ref, kpt_ref, sre_ref, sim_ref,
               stre_ref, stim_ref, out_ref):
    hp = lax.Precision.HIGHEST
    ohT = (lax.broadcasted_iota(jnp.int32, (N_EDGES, 512), 0)
           == perm_ref[pl.program_id(0)][None, :]).astype(jnp.float32)
    ef = lax.dot_general(ohT, ef_ref[...], (((0,), (0,)), ((), ())),
                         precision=hp)
    ecs = lax.dot_general(ohT, ecs_ref[...], (((0,), (0,)), ((), ())),
                          precision=hp)
    hre = jnp.dot(ef, sre_ref[...], precision=hp)
    him = jnp.dot(ef, sim_ref[...], precision=hp)
    hret = jnp.dot(ef, stre_ref[...], precision=hp)
    himt = jnp.dot(ef, stim_ref[...], precision=hp)
    kb = kpt_ref[...].astype(jnp.bfloat16).astype(jnp.float32)
    eb = ecs.astype(jnp.bfloat16).astype(jnp.float32)
    ang = (2.0 * np.pi) * lax.dot_general(
        kb, eb, (((1,), (1,)), ((), ())),
        precision=hp)
    n = jnp.round(ang * np.float32(2.0 / np.pi))
    hi = np.float32(1.5703125)
    mid = np.float32(np.pi / 2 - 1.5703125)
    lo = np.float32(np.pi / 2 - 1.5703125 - float(np.float32(np.pi / 2 - 1.5703125)))
    r = ((ang - n * hi) - n * mid) - n * lo
    r2 = r * r
    sinp = r * (1.0 + r2 * (np.float32(-1 / 6) + r2 * (
        np.float32(1 / 120) + r2 * np.float32(-1 / 5040))))
    cosp = 1.0 + r2 * (np.float32(-0.5) + r2 * (np.float32(1 / 24) + r2 * (
        np.float32(-1 / 720) + r2 * np.float32(1 / 40320))))
    q = n.astype(jnp.int32) & 3
    cosa = jnp.where(q == 0, cosp, jnp.where(q == 1, -sinp,
                     jnp.where(q == 2, -cosp, sinp)))
    sina = jnp.where(q == 0, sinp, jnp.where(q == 1, cosp,
                     jnp.where(q == 2, -sinp, -cosp)))
    pr = cosa[:, :, None]
    pi = -sina[:, :, None]
    out_ref[:, 0] = pr * hre[None] + pi * him[None]
    out_ref[:, 1] = pr * hret[None] - pi * himt[None]


def _prep_payload(ef, ecs, kpt, perm):
    ch = 512
    nch = N_EDGES // ch
    return pl.pallas_call(
        _prep_body,
        grid=(nch,),
        in_specs=[
            pl.BlockSpec((N_EDGES // ch, ch), lambda c: (0, 0)),
            pl.BlockSpec((N_EDGES, FEAT), lambda c: (0, 0)),
            pl.BlockSpec((N_EDGES, 3), lambda c: (0, 0)),
            pl.BlockSpec((NK, 3), lambda c: (0, 0)),
            pl.BlockSpec((FEAT, 128), lambda c: (0, 0)),
            pl.BlockSpec((FEAT, 128), lambda c: (0, 0)),
            pl.BlockSpec((FEAT, 128), lambda c: (0, 0)),
            pl.BlockSpec((FEAT, 128), lambda c: (0, 0)),
        ],
        out_specs=pl.BlockSpec((NK, 2, ch, 128), lambda c: (0, 0, c, 0)),
        out_shape=jax.ShapeDtypeStruct((NK, 2, N_EDGES, 128), jnp.float32),
    )(perm, ef, ecs, kpt, jnp.asarray(_SELRE), jnp.asarray(_SELIM),
      jnp.asarray(_SELTRE), jnp.asarray(_SELTIM))


def _onsite_body(nf_ref, osel_ref, out_ref):
    out_ref[...] = jnp.dot(nf_ref[...], osel_ref[...],
                           precision=lax.Precision.HIGHEST)


def _prep_onsite(nf):
    return pl.pallas_call(
        _onsite_body,
        out_shape=jax.ShapeDtypeStruct((N_ATOMS, 128), jnp.float32),
    )(nf, jnp.asarray(_ONSSEL))


def _sc_scatter(p_hbm, idx_hbm, pon_hbm, idxon_hbm, zeros_hbm):
    mesh = plsc.VectorSubcoreMesh(core_axis_name="c", subcore_axis_name="s")

    @functools.partial(
        pl.kernel,
        out_type=jax.ShapeDtypeStruct((NK, 32, 8192, 8), jnp.float32),
        mesh=mesh,
        compiler_params=pltpu.CompilerParams(use_tc_tiling_on_sc=False),
        scratch_types=[
            pltpu.VMEM_SHARED((ROWS_PER_SC + 8, 8), jnp.float32),
            pltpu.VMEM((4096, 8), jnp.float32),
            pltpu.VMEM((16, 256), jnp.int32),
            pltpu.VMEM((128, 8), jnp.float32),
            pltpu.VMEM((128,), jnp.int32),
        ],
    )
    def scatter(p_ref, idx_ref, pon_ref, idxon_ref, z_ref, out_ref,
                acc, pdata, idxb, ponb, idxonb):
        c = lax.axis_index("c")
        s = lax.axis_index("s")
        w = c * N_TILES + s
        pltpu.sync_copy(pon_ref.at[s], ponb)
        pltpu.sync_copy(idxon_ref.at[c, s], idxonb)

        def kbody(kk, carry):
            pltpu.sync_copy(z_ref, acc.at[pl.ds(s * 8192, 8192)])
            plsc.subcore_barrier()
            for d in range(2):
                pltpu.sync_copy(p_ref.at[kk, d, s], pdata)
                pltpu.sync_copy(idx_ref.at[c, d, s], idxb)
                for j in range(16):
                    pltpu.sync_copy(pdata.at[pl.ds(j * 256, 256)],
                                    acc.at[idxb.at[j]], add=True)
            pltpu.sync_copy(ponb, acc.at[idxonb], add=True)
            plsc.subcore_barrier()
            pltpu.sync_copy(acc.at[pl.ds(s * 8192, 8192)], out_ref.at[kk, w])
            plsc.subcore_barrier()
            return carry

        lax.fori_loop(0, NK, kbody, 0)

    return scatter(p_hbm, idx_hbm, pon_hbm, idxon_hbm, zeros_hbm)


def _row_indices(src, dst):
    a = jnp.arange(NO, dtype=jnp.int32)[None, :, None]
    pln = jnp.arange(2, dtype=jnp.int32)[None, None, :]
    rown = src[:, None, None] * 2048 + a * 256 + pln * 128 + dst[:, None, None]
    rowt = dst[:, None, None] * 2048 + a * 256 + pln * 128 + src[:, None, None]
    rows = jnp.stack([rown, rowt])
    i = jnp.arange(N_ATOMS, dtype=jnp.int32)[:, None, None]
    rowo = i * 2048 + a * 256 + pln * 128 + i

    def clamp(r, c):
        local = r - c * ROWS_PER_SC
        ok = (local >= 0) & (local < ROWS_PER_SC)
        return jnp.where(ok, local, TRASH + (r & 7))

    idx = jnp.stack([clamp(rows, 0), clamp(rows, 1)])
    idxon = jnp.stack([clamp(rowo, 0), clamp(rowo, 1)])
    return (idx.reshape(2, 2, N_TILES, 16, 256),
            idxon.reshape(2, N_TILES, 128))


def kernel(edge_features, node_features, atom_type, kpoint, edge_index,
           edge_cell_shift):
    src = edge_index[0].astype(jnp.int32)
    dst = edge_index[1].astype(jnp.int32)
    sp = jnp.argsort(src * N_ATOMS + dst).astype(jnp.int32)
    placeperm = sp.reshape(N_TILES, 256).T.reshape(N_EDGES)
    p = _prep_payload(edge_features, edge_cell_shift, kpoint,
                      placeperm.reshape(8, 512))
    p = p.reshape(NK, 2, N_TILES, E_PER_TILE * NO * 2, 8)
    pon = _prep_onsite(node_features).reshape(N_TILES, 128, 8)
    idx, idxon = _row_indices(jnp.take(src, placeperm),
                              jnp.take(dst, placeperm))
    zeros = jnp.zeros((8192, 8), jnp.float32)
    out = _sc_scatter(p, idx, pon, idxon, zeros)
    f = out.reshape(NK, NORB, 2, NORB)
    return lax.complex(f[:, :, 0, :], f[:, :, 1, :])

# --- scband reference (transcript-rebuilt; emitter-appended) ---
"""Pipeline reference for scband-hr2-hk-20538533609907 (READ-ONLY COPY).

The authoritative reference and input builder live on the scoring server;
editing this copy changes nothing except your own understanding.
"""

import jax, jax.numpy as jnp
import numpy as np

# Fixed e3tb orbital mapping for single atom type with basis '2s2p':
# full_basis = [1s, 2s, 1p, 2p]; norb per atom = 1+1+3+3 = 8; mask_to_basis all-True.
FULL_BASIS = ["1s", "2s", "1p", "2p"]
_ANGL = {"s": 0, "p": 1}
_NORBS = [2 * _ANGL[o[-1]] + 1 for o in FULL_BASIS]
_OFFS = np.concatenate([[0], np.cumsum(_NORBS)]).astype(int)
NORB_PER_ATOM = int(_OFFS[-1])

def _make_pairs():
    pairs = []
    st = 0
    for i in range(len(FULL_BASIS)):
        for j in range(len(FULL_BASIS)):
            if i <= j:
                ln = _NORBS[i] * _NORBS[j]
                fac = 0.5 if i == j else 1.0
                pairs.append((i, j, st, ln, fac))
                st += ln
    return pairs, st

PAIRS, FEAT_DIM = _make_pairs()  # FEAT_DIM == 42


def _build_blocks(feat):
    # feat: [n, 42] reduced orbpair features -> [n, 8, 8] upper-triangular-filled blocks
    n = feat.shape[0]
    B = jnp.zeros((n, NORB_PER_ATOM, NORB_PER_ATOM), dtype=feat.dtype)
    for (i, j, st, ln, fac) in PAIRS:
        ni, nj = _NORBS[i], _NORBS[j]
        blk = fac * feat[:, st:st + ln].reshape(n, ni, nj)
        B = B.at[:, int(_OFFS[i]):int(_OFFS[i]) + ni, int(_OFFS[j]):int(_OFFS[j]) + nj].set(blk)
    return B


def _hr2hk(edge_features, node_features, kpoint, edge_index, edge_cell_shift):
    N = node_features.shape[0]
    no = NORB_PER_ATOM
    nk = kpoint.shape[0]
    hop = _build_blocks(edge_features)    # [E, 8, 8]
    ons = _build_blocks(node_features)    # [N, 8, 8]
    norb = N * no
    block = jnp.zeros((nk, norb, norb), dtype=jnp.complex64)
    ar = jnp.arange(no)
    # onsite: place each atom's block on the diagonal (overwrite, as in original)
    rows_o = jnp.arange(N)[:, None] * no + ar[None, :]  # [N, 8]
    ons_c = jnp.broadcast_to(ons.astype(jnp.complex64)[None], (nk, N, no, no))
    block = block.at[:, rows_o[:, :, None], rows_o[:, None, :]].set(ons_c)
    # hopping: scatter-add with bloch phases exp(-2*pi*i * k . R)
    phase = jnp.exp(-1j * 2.0 * jnp.pi * (kpoint @ edge_cell_shift.T)).astype(jnp.complex64)  # [nk, E]
    src = edge_index[0]
    dst = edge_index[1]
    rows_e = src[:, None] * no + ar[None, :]  # [E, 8]
    cols_e = dst[:, None] * no + ar[None, :]  # [E, 8]
    contrib = phase[:, :, None, None] * hop.astype(jnp.complex64)[None]  # [nk, E, 8, 8]
    block = block.at[:, rows_e[:, :, None], cols_e[:, None, :]].add(contrib)
    # hermitianize
    block = block + jnp.conj(jnp.swapaxes(block, 1, 2))
    return block


def setup_inputs(seed: int = 0):
    key = jax.random.key(seed)
    k1, k2, k3, k4, k5 = jax.random.split(key, 5)
    N, E, NK = 128, 4096, 8
    edge_features = jax.random.normal(k1, (E, FEAT_DIM), dtype=jnp.float32)
    node_features = jax.random.normal(k2, (N, FEAT_DIM), dtype=jnp.float32)
    atom_type = jnp.zeros((N,), dtype=jnp.int32)
    kpoint = jax.random.uniform(k3, (NK, 3), dtype=jnp.float32)
    edge_index = jax.random.randint(k4, (2, E), 0, N, dtype=jnp.int32)
    edge_cell_shift = jax.random.normal(k5, (E, 3), dtype=jnp.float32)
    return {
        "edge_features": edge_features,
        "node_features": node_features,
        "atom_type": atom_type,
        "kpoint": kpoint,
        "edge_index": edge_index,
        "edge_cell_shift": edge_cell_shift,
    }


def reference(edge_features, node_features, atom_type, kpoint, edge_index, edge_cell_shift):
    # atom_type unused beyond defining N (single species, all-True basis mask)
    return _hr2hk(edge_features, node_features, kpoint, edge_index, edge_cell_shift)

if __name__ == "__main__":
    import jax
    _d = setup_inputs()
    print(jax.jit(kernel)(*tuple(_d.values())))

</pallas_src>

<mosaic_0001>
#map = affine_map<(d0, d1) -> (0, 0, 0, 0, 0)>
#map1 = affine_map<(d0, d1) -> (0, 0, 0)>
#map2 = affine_map<(d0, d1) -> (0, 0)>
#map3 = affine_map<(d0, d1) -> (0, 0, 0, 0)>
module attributes {stable_mosaic.version = 14 : i64} {
  func.func @scatter(%arg0: i32, %arg1: i32, %arg2: memref<8x2x16x4096x8xf32, #tpu.memory_space<hbm>>, %arg3: memref<2x2x16x16x256xi32, #tpu.memory_space<hbm>>, %arg4: memref<16x128x8xf32, #tpu.memory_space<hbm>>, %arg5: memref<2x16x128xi32, #tpu.memory_space<hbm>>, %arg6: memref<8192x8xf32, #tpu.memory_space<hbm>>, %arg7: memref<8x32x8192x8xf32, #tpu.memory_space<hbm>>, %arg8: memref<131080x8xf32, #tpu.memory_space<vmem_shared>>, %arg9: memref<4096x8xf32, #tpu.memory_space<vmem>>, %arg10: memref<16x256xi32, #tpu.memory_space<vmem>>, %arg11: memref<128x8xf32, #tpu.memory_space<vmem>>, %arg12: memref<128xi32, #tpu.memory_space<vmem>>) attributes {dimension_semantics = [#tpu.dimension_semantics<core_parallel>, #tpu.dimension_semantics<subcore_parallel>], iteration_bounds = array<i64: 2, 16>, scalar_prefetch = 0 : i64, scratch_operands = 5 : i64, tpu.core_type = #tpu.core_type<sc_vector_subcore>, window_params = [{transform_indices = #map}, {transform_indices = #map}, {transform_indices = #map1}, {transform_indices = #map1}, {transform_indices = #map2}, {transform_indices = #map3}]} {
    %mul3A = arith.constant 16 : i32
    %mul3A_0 = arith.muli %arg0, %mul3A : i32
    %add3A = arith.addi %mul3A_0, %arg1 : i32
    "tpu.region"() ({
      %run_scoped3A = tpu.sem_alloc : memref<!tpu.dma_semaphore, #tpu.memory_space<semaphore_mem>>
      %dma_start3A = arith.constant 0 : i32
      %dma_start3A_6 = arith.constant 0 : i32
      %dma_start3A_7 = tpu.memref_slice %arg4[%arg1, %dma_start3A, %dma_start3A_6] : memref<16x128x8xf32, #tpu.memory_space<hbm>> -> memref<1x128x8xf32, #tpu.memory_space<hbm>>
      %dma_start3A_8 = tpu.memref_squeeze %dma_start3A_7 : memref<1x128x8xf32, #tpu.memory_space<hbm>> -> memref<128x8xf32, #tpu.memory_space<hbm>>
      %dma_start3A_9 = arith.constant 0 : i32
      %dma_start3A_10 = arith.constant 0 : i32
      %dma_start3A_11 = tpu.memref_slice %arg4[%arg1, %dma_start3A_9, %dma_start3A_10] : memref<16x128x8xf32, #tpu.memory_space<hbm>> -> memref<1x128x8xf32, #tpu.memory_space<hbm>>
      %dma_start3A_12 = tpu.memref_squeeze %dma_start3A_11 : memref<1x128x8xf32, #tpu.memory_space<hbm>> -> memref<128x8xf32, #tpu.memory_space<hbm>>
      tpu.enqueue_dma source(%dma_start3A_12 : memref<128x8xf32, #tpu.memory_space<hbm>>) target(%arg11 : memref<128x8xf32, #tpu.memory_space<vmem>>) target_semaphore(%run_scoped3A : memref<!tpu.dma_semaphore, #tpu.memory_space<semaphore_mem>>)
      %dma_wait3A = arith.constant 0 : i32
      %dma_wait3A_13 = arith.constant 0 : i32
      %dma_wait3A_14 = tpu.memref_slice %arg4[%arg1, %dma_wait3A, %dma_wait3A_13] : memref<16x128x8xf32, #tpu.memory_space<hbm>> -> memref<1x128x8xf32, #tpu.memory_space<hbm>>
      %dma_wait3A_15 = tpu.memref_squeeze %dma_wait3A_14 : memref<1x128x8xf32, #tpu.memory_space<hbm>> -> memref<128x8xf32, #tpu.memory_space<hbm>>
      %dma_wait3A_16 = arith.constant 0 : i32
      %dma_wait3A_17 = arith.constant 0 : i32
      %dma_wait3A_18 = tpu.memref_slice %arg4[%arg1, %dma_wait3A_16, %dma_wait3A_17] : memref<16x128x8xf32, #tpu.memory_space<hbm>> -> memref<1x128x8xf32, #tpu.memory_space<hbm>>
      %dma_wait3A_19 = tpu.memref_squeeze %dma_wait3A_18 : memref<1x128x8xf32, #tpu.memory_space<hbm>> -> memref<128x8xf32, #tpu.memory_space<hbm>>
      tpu.wait_dma2 semaphore(%run_scoped3A : memref<!tpu.dma_semaphore, #tpu.memory_space<semaphore_mem>>) src(%dma_wait3A_19 : memref<128x8xf32, #tpu.memory_space<hbm>>) dst(%arg11 : memref<128x8xf32, #tpu.memory_space<vmem>>)
      tpu.yield
    }) : () -> ()
    "tpu.region"() ({
      %run_scoped3A = tpu.sem_alloc : memref<!tpu.dma_semaphore, #tpu.memory_space<semaphore_mem>>
      %dma_start3A = arith.constant 0 : i32
      %dma_start3A_6 = tpu.memref_slice %arg5[%arg0, %arg1, %dma_start3A] : memref<2x16x128xi32, #tpu.memory_space<hbm>> -> memref<1x1x128xi32, #tpu.memory_space<hbm>>
      %dma_start3A_7 = tpu.memref_squeeze %dma_start3A_6 : memref<1x1x128xi32, #tpu.memory_space<hbm>> -> memref<128xi32, #tpu.memory_space<hbm>>
      %dma_start3A_8 = arith.constant 0 : i32
      %dma_start3A_9 = tpu.memref_slice %arg5[%arg0, %arg1, %dma_start3A_8] : memref<2x16x128xi32, #tpu.memory_space<hbm>> -> memref<1x1x128xi32, #tpu.memory_space<hbm>>
      %dma_start3A_10 = tpu.memref_squeeze %dma_start3A_9 : memref<1x1x128xi32, #tpu.memory_space<hbm>> -> memref<128xi32, #tpu.memory_space<hbm>>
      tpu.enqueue_dma source(%dma_start3A_10 : memref<128xi32, #tpu.memory_space<hbm>>) target(%arg12 : memref<128xi32, #tpu.memory_space<vmem>>) target_semaphore(%run_scoped3A : memref<!tpu.dma_semaphore, #tpu.memory_space<semaphore_mem>>)
      %dma_wait3A = arith.constant 0 : i32
      %dma_wait3A_11 = tpu.memref_slice %arg5[%arg0, %arg1, %dma_wait3A] : memref<2x16x128xi32, #tpu.memory_space<hbm>> -> memref<1x1x128xi32, #tpu.memory_space<hbm>>
      %dma_wait3A_12 = tpu.memref_squeeze %dma_wait3A_11 : memref<1x1x128xi32, #tpu.memory_space<hbm>> -> memref<128xi32, #tpu.memory_space<hbm>>
      %dma_wait3A_13 = arith.constant 0 : i32
      %dma_wait3A_14 = tpu.memref_slice %arg5[%arg0, %arg1, %dma_wait3A_13] : memref<2x16x128xi32, #tpu.memory_space<hbm>> -> memref<1x1x128xi32, #tpu.memory_space<hbm>>
      %dma_wait3A_15 = tpu.memref_squeeze %dma_wait3A_14 : memref<1x1x128xi32, #tpu.memory_space<hbm>> -> memref<128xi32, #tpu.memory_space<hbm>>
      tpu.wait_dma2 semaphore(%run_scoped3A : memref<!tpu.dma_semaphore, #tpu.memory_space<semaphore_mem>>) src(%dma_wait3A_15 : memref<128xi32, #tpu.memory_space<hbm>>) dst(%arg12 : memref<128xi32, #tpu.memory_space<vmem>>)
      tpu.yield
    }) : () -> ()
    %scan3A = arith.constant 0 : i32
    %scan3A_1 = arith.constant 0 : i32
    %scan3A_2 = arith.constant 8 : i32
    %scan3A_3 = arith.addi %scan3A_1, %scan3A_2 : i32
    %scan3A_4 = arith.constant 1 : i32
    scf.for %scan3A_6 = %scan3A_1 to %scan3A_3 step %scan3A_4  : i32 {
      %mul3A_7 = arith.constant 8192 : i32
      %mul3A_8 = arith.muli %arg1, %mul3A_7 : i32
      "tpu.region"() ({
        %run_scoped3A_48 = tpu.sem_alloc : memref<!tpu.dma_semaphore, #tpu.memory_space<semaphore_mem>>
        %dma_start3A = arith.constant 0 : i32
        %dma_start3A_49 = tpu.memref_slice %arg8[%mul3A_8, %dma_start3A] : memref<131080x8xf32, #tpu.memory_space<vmem_shared>> -> memref<8192x8xf32, #tpu.memory_space<vmem_shared>>
        tpu.enqueue_dma source(%arg6 : memref<8192x8xf32, #tpu.memory_space<hbm>>) target(%dma_start3A_49 : memref<8192x8xf32, #tpu.memory_space<vmem_shared>>) target_semaphore(%run_scoped3A_48 : memref<!tpu.dma_semaphore, #tpu.memory_space<semaphore_mem>>)
        %dma_wait3A = arith.constant 0 : i32
        %dma_wait3A_50 = tpu.memref_slice %arg8[%mul3A_8, %dma_wait3A] : memref<131080x8xf32, #tpu.memory_space<vmem_shared>> -> memref<8192x8xf32, #tpu.memory_space<vmem_shared>>
        tpu.wait_dma2 semaphore(%run_scoped3A_48 : memref<!tpu.dma_semaphore, #tpu.memory_space<semaphore_mem>>) src(%arg6 : memref<8192x8xf32, #tpu.memory_space<hbm>>) dst(%dma_wait3A_50 : memref<8192x8xf32, #tpu.memory_space<vmem_shared>>)
        tpu.yield
      }) : () -> ()
      %barrier3A = arith.constant 0 : index
      tpu.barrier barrier_id(%barrier3A)
      %run_scoped3A = arith.constant 0 : i32
      "tpu.region"() ({
        %run_scoped3A_48 = tpu.sem_alloc : memref<!tpu.dma_semaphore, #tpu.memory_space<semaphore_mem>>
        %dma_start3A = arith.constant 0 : i32
        %dma_start3A_49 = arith.constant 0 : i32
        %dma_start3A_50 = tpu.memref_slice %arg2[%scan3A_6, %run_scoped3A, %arg1, %dma_start3A, %dma_start3A_49] : memref<8x2x16x4096x8xf32, #tpu.memory_space<hbm>> -> memref<1x1x1x4096x8xf32, #tpu.memory_space<hbm>>
        %dma_start3A_51 = tpu.memref_squeeze %dma_start3A_50 : memref<1x1x1x4096x8xf32, #tpu.memory_space<hbm>> -> memref<4096x8xf32, #tpu.memory_space<hbm>>
        %dma_start3A_52 = arith.constant 0 : i32
        %dma_start3A_53 = arith.constant 0 : i32
        %dma_start3A_54 = tpu.memref_slice %arg2[%scan3A_6, %run_scoped3A, %arg1, %dma_start3A_52, %dma_start3A_53] : memref<8x2x16x4096x8xf32, #tpu.memory_space<hbm>> -> memref<1x1x1x4096x8xf32, #tpu.memory_space<hbm>>
        %dma_start3A_55 = tpu.memref_squeeze %dma_start3A_54 : memref<1x1x1x4096x8xf32, #tpu.memory_space<hbm>> -> memref<4096x8xf32, #tpu.memory_space<hbm>>
        tpu.enqueue_dma source(%dma_start3A_55 : memref<4096x8xf32, #tpu.memory_space<hbm>>) target(%arg9 : memref<4096x8xf32, #tpu.memory_space<vmem>>) target_semaphore(%run_scoped3A_48 : memref<!tpu.dma_semaphore, #tpu.memory_space<semaphore_mem>>)
        %dma_wait3A = arith.constant 0 : i32
        %dma_wait3A_56 = arith.constant 0 : i32
        %dma_wait3A_57 = tpu.memref_slice %arg2[%scan3A_6, %run_scoped3A, %arg1, %dma_wait3A, %dma_wait3A_56] : memref<8x2x16x4096x8xf32, #tpu.memory_space<hbm>> -> memref<1x1x1x4096x8xf32, #tpu.memory_space<hbm>>
        %dma_wait3A_58 = tpu.memref_squeeze %dma_wait3A_57 : memref<1x1x1x4096x8xf32, #tpu.memory_space<hbm>> -> memref<4096x8xf32, #tpu.memory_space<hbm>>
        %dma_wait3A_59 = arith.constant 0 : i32
        %dma_wait3A_60 = arith.constant 0 : i32
        %dma_wait3A_61 = tpu.memref_slice %arg2[%scan3A_6, %run_scoped3A, %arg1, %dma_wait3A_59, %dma_wait3A_60] : memref<8x2x16x4096x8xf32, #tpu.memory_space<hbm>> -> memref<1x1x1x4096x8xf32, #tpu.memory_space<hbm>>
        %dma_wait3A_62 = tpu.memref_squeeze %dma_wait3A_61 : memref<1x1x1x4096x8xf32, #tpu.memory_space<hbm>> -> memref<4096x8xf32, #tpu.memory_space<hbm>>
        tpu.wait_dma2 semaphore(%run_scoped3A_48 : memref<!tpu.dma_semaphore, #tpu.memory_space<semaphore_mem>>) src(%dma_wait3A_62 : memref<4096x8xf32, #tpu.memory_space<hbm>>) dst(%arg9 : memref<4096x8xf32, #tpu.memory_space<vmem>>)
        tpu.yield
      }) : () -> ()
      %run_scoped3A_9 = arith.constant 0 : i32
      "tpu.region"() ({
        %run_scoped3A_48 = tpu.sem_alloc : memref<!tpu.dma_semaphore, #tpu.memory_space<semaphore_mem>>
        %dma_start3A = arith.constant 0 : i32
        %dma_start3A_49 = arith.constant 0 : i32
        %dma_start3A_50 = tpu.memref_slice %arg3[%arg0, %run_scoped3A_9, %arg1, %dma_start3A, %dma_start3A_49] : memref<2x2x16x16x256xi32, #tpu.memory_space<hbm>> -> memref<1x1x1x16x256xi32, #tpu.memory_space<hbm>>
        %dma_start3A_51 = tpu.memref_squeeze %dma_start3A_50 : memref<1x1x1x16x256xi32, #tpu.memory_space<hbm>> -> memref<16x256xi32, #tpu.memory_space<hbm>>
        %dma_start3A_52 = arith.constant 0 : i32
        %dma_start3A_53 = arith.constant 0 : i32
        %dma_start3A_54 = tpu.memref_slice %arg3[%arg0, %run_scoped3A_9, %arg1, %dma_start3A_52, %dma_start3A_53] : memref<2x2x16x16x256xi32, #tpu.memory_space<hbm>> -> memref<1x1x1x16x256xi32, #tpu.memory_space<hbm>>
        %dma_start3A_55 = tpu.memref_squeeze %dma_start3A_54 : memref<1x1x1x16x256xi32, #tpu.memory_space<hbm>> -> memref<16x256xi32, #tpu.memory_space<hbm>>
        tpu.enqueue_dma source(%dma_start3A_55 : memref<16x256xi32, #tpu.memory_space<hbm>>) target(%arg10 : memref<16x256xi32, #tpu.memory_space<vmem>>) target_semaphore(%run_scoped3A_48 : memref<!tpu.dma_semaphore, #tpu.memory_space<semaphore_mem>>)
        %dma_wait3A = arith.constant 0 : i32
        %dma_wait3A_56 = arith.constant 0 : i32
        %dma_wait3A_57 = tpu.memref_slice %arg3[%arg0, %run_scoped3A_9, %arg1, %dma_wait3A, %dma_wait3A_56] : memref<2x2x16x16x256xi32, #tpu.memory_space<hbm>> -> memref<1x1x1x16x256xi32, #tpu.memory_space<hbm>>
        %dma_wait3A_58 = tpu.memref_squeeze %dma_wait3A_57 : memref<1x1x1x16x256xi32, #tpu.memory_space<hbm>> -> memref<16x256xi32, #tpu.memory_space<hbm>>
        %dma_wait3A_59 = arith.constant 0 : i32
        %dma_wait3A_60 = arith.constant 0 : i32
        %dma_wait3A_61 = tpu.memref_slice %arg3[%arg0, %run_scoped3A_9, %arg1, %dma_wait3A_59, %dma_wait3A_60] : memref<2x2x16x16x256xi32, #tpu.memory_space<hbm>> -> memref<1x1x1x16x256xi32, #tpu.memory_space<hbm>>
        %dma_wait3A_62 = tpu.memref_squeeze %dma_wait3A_61 : memref<1x1x1x16x256xi32, #tpu.memory_space<hbm>> -> memref<16x256xi32, #tpu.memory_space<hbm>>
        tpu.wait_dma2 semaphore(%run_scoped3A_48 : memref<!tpu.dma_semaphore, #tpu.memory_space<semaphore_mem>>) src(%dma_wait3A_62 : memref<16x256xi32, #tpu.memory_space<hbm>>) dst(%arg10 : memref<16x256xi32, #tpu.memory_space<vmem>>)
        tpu.yield
      }) : () -> ()
      %run_scoped3A_10 = arith.constant 0 : i32
      "tpu.region"() ({
        %run_scoped3A_48 = tpu.sem_alloc : memref<!tpu.dma_semaphore, #tpu.memory_space<semaphore_mem>>
        %dma_start3A = arith.constant 0 : i32
        %dma_start3A_49 = arith.constant 0 : i32
        %dma_start3A_50 = tpu.memref_slice %arg9[%dma_start3A, %dma_start3A_49] : memref<4096x8xf32, #tpu.memory_space<vmem>> -> memref<256x8xf32, #tpu.memory_space<vmem>>
        %dma_start3A_51 = arith.constant 0 : i32
        %dma_start3A_52 = tpu.memref_slice %arg10[%run_scoped3A_10, %dma_start3A_51] : memref<16x256xi32, #tpu.memory_space<vmem>> -> memref<1x256xi32, #tpu.memory_space<vmem>>
        %dma_start3A_53 = tpu.memref_squeeze %dma_start3A_52 : memref<1x256xi32, #tpu.memory_space<vmem>> -> memref<256xi32, #tpu.memory_space<vmem>>
        %dma_start3A_54 = arith.constant 0 : i32
        %dma_start3A_55 = arith.constant 0 : i32
        %dma_start3A_56 = tpu.memref_slice %arg8[%dma_start3A_54, %dma_start3A_55] : memref<131080x8xf32, #tpu.memory_space<vmem_shared>> -> memref<131080x8xf32, #tpu.memory_space<vmem_shared>>
        tpu.enqueue_indirect_dma source(%dma_start3A_50 : memref<256x8xf32, #tpu.memory_space<vmem>>) target(%dma_start3A_56 : memref<131080x8xf32, #tpu.memory_space<vmem_shared>>) offsets(%dma_start3A_53 : memref<256xi32, #tpu.memory_space<vmem>>) semaphore(%run_scoped3A_48 : memref<!tpu.dma_semaphore, #tpu.memory_space<semaphore_mem>>) {add = true}
        %dma_wait3A = arith.constant 0 : i32
        %dma_wait3A_57 = arith.constant 0 : i32
        %dma_wait3A_58 = tpu.memref_slice %arg9[%dma_wait3A, %dma_wait3A_57] : memref<4096x8xf32, #tpu.memory_space<vmem>> -> memref<256x8xf32, #tpu.memory_space<vmem>>
        %dma_wait3A_59 = arith.constant 0 : i32
        %dma_wait3A_60 = tpu.memref_slice %arg10[%run_scoped3A_10, %dma_wait3A_59] : memref<16x256xi32, #tpu.memory_space<vmem>> -> memref<1x256xi32, #tpu.memory_space<vmem>>
        %dma_wait3A_61 = tpu.memref_squeeze %dma_wait3A_60 : memref<1x256xi32, #tpu.memory_space<vmem>> -> memref<256xi32, #tpu.memory_space<vmem>>
        %dma_wait3A_62 = arith.constant 0 : i32
        %dma_wait3A_63 = arith.constant 0 : i32
        %dma_wait3A_64 = tpu.memref_slice %arg8[%dma_wait3A_62, %dma_wait3A_63] : memref<131080x8xf32, #tpu.memory_space<vmem_shared>> -> memref<131080x8xf32, #tpu.memory_space<vmem_shared>>
        tpu.wait_indirect_dma semaphore(%run_scoped3A_48 : memref<!tpu.dma_semaphore, #tpu.memory_space<semaphore_mem>>) src(%dma_wait3A_58 : memref<256x8xf32, #tpu.memory_space<vmem>>) dst(%dma_wait3A_64 : memref<131080x8xf32, #tpu.memory_space<vmem_shared>>)
        tpu.yield
      }) : () -> ()
      %run_scoped3A_11 = arith.constant 1 : i32
      "tpu.region"() ({
        %run_scoped3A_48 = tpu.sem_alloc : memref<!tpu.dma_semaphore, #tpu.memory_space<semaphore_mem>>
        %dma_start3A = arith.constant 256 : i32
        %dma_start3A_49 = arith.constant 0 : i32
        %dma_start3A_50 = tpu.memref_slice %arg9[%dma_start3A, %dma_start3A_49] : memref<4096x8xf32, #tpu.memory_space<vmem>> -> memref<256x8xf32, #tpu.memory_space<vmem>>
        %dma_start3A_51 = arith.constant 0 : i32
        %dma_start3A_52 = tpu.memref_slice %arg10[%run_scoped3A_11, %dma_start3A_51] : memref<16x256xi32, #tpu.memory_space<vmem>> -> memref<1x256xi32, #tpu.memory_space<vmem>>
        %dma_start3A_53 = tpu.memref_squeeze %dma_start3A_52 : memref<1x256xi32, #tpu.memory_space<vmem>> -> memref<256xi32, #tpu.memory_space<vmem>>
        %dma_start3A_54 = arith.constant 0 : i32
        %dma_start3A_55 = arith.constant 0 : i32
        %dma_start3A_56 = tpu.memref_slice %arg8[%dma_start3A_54, %dma_start3A_55] : memref<131080x8xf32, #tpu.memory_space<vmem_shared>> -> memref<131080x8xf32, #tpu.memory_space<vmem_shared>>
        tpu.enqueue_indirect_dma source(%dma_start3A_50 : memref<256x8xf32, #tpu.memory_space<vmem>>) target(%dma_start3A_56 : memref<131080x8xf32, #tpu.memory_space<vmem_shared>>) offsets(%dma_start3A_53 : memref<256xi32, #tpu.memory_space<vmem>>) semaphore(%run_scoped3A_48 : memref<!tpu.dma_semaphore, #tpu.memory_space<semaphore_mem>>) {add = true}
        %dma_wait3A = arith.constant 256 : i32
        %dma_wait3A_57 = arith.constant 0 : i32
        %dma_wait3A_58 = tpu.memref_slice %arg9[%dma_wait3A, %dma_wait3A_57] : memref<4096x8xf32, #tpu.memory_space<vmem>> -> memref<256x8xf32, #tpu.memory_space<vmem>>
        %dma_wait3A_59 = arith.constant 0 : i32
        %dma_wait3A_60 = tpu.memref_slice %arg10[%run_scoped3A_11, %dma_wait3A_59] : memref<16x256xi32, #tpu.memory_space<vmem>> -> memref<1x256xi32, #tpu.memory_space<vmem>>
        %dma_wait3A_61 = tpu.memref_squeeze %dma_wait3A_60 : memref<1x256xi32, #tpu.memory_space<vmem>> -> memref<256xi32, #tpu.memory_space<vmem>>
        %dma_wait3A_62 = arith.constant 0 : i32
        %dma_wait3A_63 = arith.constant 0 : i32
        %dma_wait3A_64 = tpu.memref_slice %arg8[%dma_wait3A_62, %dma_wait3A_63] : memref<131080x8xf32, #tpu.memory_space<vmem_shared>> -> memref<131080x8xf32, #tpu.memory_space<vmem_shared>>
        tpu.wait_indirect_dma semaphore(%run_scoped3A_48 : memref<!tpu.dma_semaphore, #tpu.memory_space<semaphore_mem>>) src(%dma_wait3A_58 : memref<256x8xf32, #tpu.memory_space<vmem>>) dst(%dma_wait3A_64 : memref<131080x8xf32, #tpu.memory_space<vmem_shared>>)
        tpu.yield
      }) : () -> ()
      %run_scoped3A_12 = arith.constant 2 : i32
      "tpu.region"() ({
        %run_scoped3A_48 = tpu.sem_alloc : memref<!tpu.dma_semaphore, #tpu.memory_space<semaphore_mem>>
        %dma_start3A = arith.constant 512 : i32
        %dma_start3A_49 = arith.constant 0 : i32
        %dma_start3A_50 = tpu.memref_slice %arg9[%dma_start3A, %dma_start3A_49] : memref<4096x8xf32, #tpu.memory_space<vmem>> -> memref<256x8xf32, #tpu.memory_space<vmem>>
        %dma_start3A_51 = arith.constant 0 : i32
        %dma_start3A_52 = tpu.memref_slice %arg10[%run_scoped3A_12, %dma_start3A_51] : memref<16x256xi32, #tpu.memory_space<vmem>> -> memref<1x256xi32, #tpu.memory_space<vmem>>
        %dma_start3A_53 = tpu.memref_squeeze %dma_start3A_52 : memref<1x256xi32, #tpu.memory_space<vmem>> -> memref<256xi32, #tpu.memory_space<vmem>>
        %dma_start3A_54 = arith.constant 0 : i32
        %dma_start3A_55 = arith.constant 0 : i32
        %dma_start3A_56 = tpu.memref_slice %arg8[%dma_start3A_54, %dma_start3A_55] : memref<131080x8xf32, #tpu.memory_space<vmem_shared>> -> memref<131080x8xf32, #tpu.memory_space<vmem_shared>>
        tpu.enqueue_indirect_dma source(%dma_start3A_50 : memref<256x8xf32, #tpu.memory_space<vmem>>) target(%dma_start3A_56 : memref<131080x8xf32, #tpu.memory_space<vmem_shared>>) offsets(%dma_start3A_53 : memref<256xi32, #tpu.memory_space<vmem>>) semaphore(%run_scoped3A_48 : memref<!tpu.dma_semaphore, #tpu.memory_space<semaphore_mem>>) {add = true}
        %dma_wait3A = arith.constant 512 : i32
        %dma_wait3A_57 = arith.constant 0 : i32
        %dma_wait3A_58 = tpu.memref_slice %arg9[%dma_wait3A, %dma_wait3A_57] : memref<4096x8xf32, #tpu.memory_space<vmem>> -> memref<256x8xf32, #tpu.memory_space<vmem>>
        %dma_wait3A_59 = arith.constant 0 : i32
        %dma_wait3A_60 = tpu.memref_slice %arg10[%run_scoped3A_12, %dma_wait3A_59] : memref<16x256xi32, #tpu.memory_space<vmem>> -> memref<1x256xi32, #tpu.memory_space<vmem>>
        %dma_wait3A_61 = tpu.memref_squeeze %dma_wait3A_60 : memref<1x256xi32, #tpu.memory_space<vmem>> -> memref<256xi32, #tpu.memory_space<vmem>>
        %dma_wait3A_62 = arith.constant 0 : i32
        %dma_wait3A_63 = arith.constant 0 : i32
        %dma_wait3A_64 = tpu.memref_slice %arg8[%dma_wait3A_62, %dma_wait3A_63] : memref<131080x8xf32, #tpu.memory_space<vmem_shared>> -> memref<131080x8xf32, #tpu.memory_space<vmem_shared>>
        tpu.wait_indirect_dma semaphore(%run_scoped3A_48 : memref<!tpu.dma_semaphore, #tpu.memory_space<semaphore_mem>>) src(%dma_wait3A_58 : memref<256x8xf32, #tpu.memory_space<vmem>>) dst(%dma_wait3A_64 : memref<131080x8xf32, #tpu.memory_space<vmem_shared>>)
        tpu.yield
      }) : () -> ()
      %run_scoped3A_13 = arith.constant 3 : i32
      "tpu.region"() ({
        %run_scoped3A_48 = tpu.sem_alloc : memref<!tpu.dma_semaphore, #tpu.memory_space<semaphore_mem>>
        %dma_start3A = arith.constant 768 : i32
        %dma_start3A_49 = arith.constant 0 : i32
        %dma_start3A_50 = tpu.memref_slice %arg9[%dma_start3A, %dma_start3A_49] : memref<4096x8xf32, #tpu.memory_space<vmem>> -> memref<256x8xf32, #tpu.memory_space<vmem>>
        %dma_start3A_51 = arith.constant 0 : i32
        %dma_start3A_52 = tpu.memref_slice %arg10[%run_scoped3A_13, %dma_start3A_51] : memref<16x256xi32, #tpu.memory_space<vmem>> -> memref<1x256xi32, #tpu.memory_space<vmem>>
        %dma_start3A_53 = tpu.memref_squeeze %dma_start3A_52 : memref<1x256xi32, #tpu.memory_space<vmem>> -> memref<256xi32, #tpu.memory_space<vmem>>
        %dma_start3A_54 = arith.constant 0 : i32
        %dma_start3A_55 = arith.constant 0 : i32
        %dma_start3A_56 = tpu.memref_slice %arg8[%dma_start3A_54, %dma_start3A_55] : memref<131080x8xf32, #tpu.memory_space<vmem_shared>> -> memref<131080x8xf32, #tpu.memory_space<vmem_shared>>
        tpu.enqueue_indirect_dma source(%dma_start3A_50 : memref<256x8xf32, #tpu.memory_space<vmem>>) target(%dma_start3A_56 : memref<131080x8xf32, #tpu.memory_space<vmem_shared>>) offsets(%dma_start3A_53 : memref<256xi32, #tpu.memory_space<vmem>>) semaphore(%run_scoped3A_48 : memref<!tpu.dma_semaphore, #tpu.memory_space<semaphore_mem>>) {add = true}
        %dma_wait3A = arith.constant 768 : i32
        %dma_wait3A_57 = arith.constant 0 : i32
        %dma_wait3A_58 = tpu.memref_slice %arg9[%dma_wait3A, %dma_wait3A_57] : memref<4096x8xf32, #tpu.memory_space<vmem>> -> memref<256x8xf32, #tpu.memory_space<vmem>>
        %dma_wait3A_59 = arith.constant 0 : i32
        %dma_wait3A_60 = tpu.memref_slice %arg10[%run_scoped3A_13, %dma_wait3A_59] : memref<16x256xi32, #tpu.memory_space<vmem>> -> memref<1x256xi32, #tpu.memory_space<vmem>>
        %dma_wait3A_61 = tpu.memref_squeeze %dma_wait3A_60 : memref<1x256xi32, #tpu.memory_space<vmem>> -> memref<256xi32, #tpu.memory_space<vmem>>
        %dma_wait3A_62 = arith.constant 0 : i32
        %dma_wait3A_63 = arith.constant 0 : i32
        %dma_wait3A_64 = tpu.memref_slice %arg8[%dma_wait3A_62, %dma_wait3A_63] : memref<131080x8xf32, #tpu.memory_space<vmem_shared>> -> memref<131080x8xf32, #tpu.memory_space<vmem_shared>>
        tpu.wait_indirect_dma semaphore(%run_scoped3A_48 : memref<!tpu.dma_semaphore, #tpu.memory_space<semaphore_mem>>) src(%dma_wait3A_58 : memref<256x8xf32, #tpu.memory_space<vmem>>) dst(%dma_wait3A_64 : memref<131080x8xf32, #tpu.memory_space<vmem_shared>>)
        tpu.yield
      }) : () -> ()
      %run_scoped3A_14 = arith.constant 4 : i32
      "tpu.region"() ({
        %run_scoped3A_48 = tpu.sem_alloc : memref<!tpu.dma_semaphore, #tpu.memory_space<semaphore_mem>>
        %dma_start3A = arith.constant 1024 : i32
        %dma_start3A_49 = arith.constant 0 : i32
        %dma_start3A_50 = tpu.memref_slice %arg9[%dma_start3A, %dma_start3A_49] : memref<4096x8xf32, #tpu.memory_space<vmem>> -> memref<256x8xf32, #tpu.memory_space<vmem>>
        %dma_start3A_51 = arith.constant 0 : i32
        %dma_start3A_52 = tpu.memref_slice %arg10[%run_scoped3A_14, %dma_start3A_51] : memref<16x256xi32, #tpu.memory_space<vmem>> -> memref<1x256xi32, #tpu.memory_space<vmem>>
        %dma_start3A_53 = tpu.memref_squeeze %dma_start3A_52 : memref<1x256xi32, #tpu.memory_space<vmem>> -> memref<256xi32, #tpu.memory_space<vmem>>
        %dma_start3A_54 = arith.constant 0 : i32
        %dma_start3A_55 = arith.constant 0 : i32
        %dma_start3A_56 = tpu.memref_slice %arg8[%dma_start3A_54, %dma_start3A_55] : memref<131080x8xf32, #tpu.memory_space<vmem_shared>> -> memref<131080x8xf32, #tpu.memory_space<vmem_shared>>
        tpu.enqueue_indirect_dma source(%dma_start3A_50 : memref<256x8xf32, #tpu.memory_space<vmem>>) target(%dma_start3A_56 : memref<131080x8xf32, #tpu.memory_space<vmem_shared>>) offsets(%dma_start3A_53 : memref<256xi32, #tpu.memory_space<vmem>>) semaphore(%run_scoped3A_48 : memref<!tpu.dma_semaphore, #tpu.memory_space<semaphore_mem>>) {add = true}
        %dma_wait3A = arith.constant 1024 : i32
        %dma_wait3A_57 = arith.constant 0 : i32
        %dma_wait3A_58 = tpu.memref_slice %arg9[%dma_wait3A, %dma_wait3A_57] : memref<4096x8xf32, #tpu.memory_space<vmem>> -> memref<256x8xf32, #tpu.memory_space<vmem>>
        %dma_wait3A_59 = arith.constant 0 : i32
        %dma_wait3A_60 = tpu.memref_slice %arg10[%run_scoped3A_14, %dma_wait3A_59] : memref<16x256xi32, #tpu.memory_space<vmem>> -> memref<1x256xi32, #tpu.memory_space<vmem>>
        %dma_wait3A_61 = tpu.memref_squeeze %dma_wait3A_60 : memref<1x256xi32, #tpu.memory_space<vmem>> -> memref<256xi32, #tpu.memory_space<vmem>>
        %dma_wait3A_62 = arith.constant 0 : i32
        %dma_wait3A_63 = arith.constant 0 : i32
        %dma_wait3A_64 = tpu.memref_slice %arg8[%dma_wait3A_62, %dma_wait3A_63] : memref<131080x8xf32, #tpu.memory_space<vmem_shared>> -> memref<131080x8xf32, #tpu.memory_space<vmem_shared>>
        tpu.wait_indirect_dma semaphore(%run_scoped3A_48 : memref<!tpu.dma_semaphore, #tpu.memory_space<semaphore_mem>>) src(%dma_wait3A_58 : memref<256x8xf32, #tpu.memory_space<vmem>>) dst(%dma_wait3A_64 : memref<131080x8xf32, #tpu.memory_space<vmem_shared>>)
        tpu.yield
      }) : () -> ()
      %run_scoped3A_15 = arith.constant 5 : i32
      "tpu.region"() ({
        %run_scoped3A_48 = tpu.sem_alloc : memref<!tpu.dma_semaphore, #tpu.memory_space<semaphore_mem>>
        %dma_start3A = arith.constant 1280 : i32
        %dma_start3A_49 = arith.constant 0 : i32
        %dma_start3A_50 = tpu.memref_slice %arg9[%dma_start3A, %dma_start3A_49] : memref<4096x8xf32, #tpu.memory_space<vmem>> -> memref<256x8xf32, #tpu.memory_space<vmem>>
        %dma_start3A_51 = arith.constant 0 : i32
        %dma_start3A_52 = tpu.memref_slice %arg10[%run_scoped3A_15, %dma_start3A_51] : memref<16x256xi32, #tpu.memory_space<vmem>> -> memref<1x256xi32, #tpu.memory_space<vmem>>
        %dma_start3A_53 = tpu.memref_squeeze %dma_start3A_52 : memref<1x256xi32, #tpu.memory_space<vmem>> -> memref<256xi32, #tpu.memory_space<vmem>>
        %dma_start3A_54 = arith.constant 0 : i32
        %dma_start3A_55 = arith.constant 0 : i32
        %dma_start3A_56 = tpu.memref_slice %arg8[%dma_start3A_54, %dma_start3A_55] : memref<131080x8xf32, #tpu.memory_space<vmem_shared>> -> memref<131080x8xf32, #tpu.memory_space<vmem_shared>>
        tpu.enqueue_indirect_dma source(%dma_start3A_50 : memref<256x8xf32, #tpu.memory_space<vmem>>) target(%dma_start3A_56 : memref<131080x8xf32, #tpu.memory_space<vmem_shared>>) offsets(%dma_start3A_53 : memref<256xi32, #tpu.memory_space<vmem>>) semaphore(%run_scoped3A_48 : memref<!tpu.dma_semaphore, #tpu.memory_space<semaphore_mem>>) {add = true}
        %dma_wait3A = arith.constant 1280 : i32
        %dma_wait3A_57 = arith.constant 0 : i32
        %dma_wait3A_58 = tpu.memref_slice %arg9[%dma_wait3A, %dma_wait3A_57] : memref<4096x8xf32, #tpu.memory_space<vmem>> -> memref<256x8xf32, #tpu.memory_space<vmem>>
        %dma_wait3A_59 = arith.constant 0 : i32
        %dma_wait3A_60 = tpu.memref_slice %arg10[%run_scoped3A_15, %dma_wait3A_59] : memref<16x256xi32, #tpu.memory_space<vmem>> -> memref<1x256xi32, #tpu.memory_space<vmem>>
        %dma_wait3A_61 = tpu.memref_squeeze %dma_wait3A_60 : memref<1x256xi32, #tpu.memory_space<vmem>> -> memref<256xi32, #tpu.memory_space<vmem>>
        %dma_wait3A_62 = arith.constant 0 : i32
        %dma_wait3A_63 = arith.constant 0 : i32
        %dma_wait3A_64 = tpu.memref_slice %arg8[%dma_wait3A_62, %dma_wait3A_63] : memref<131080x8xf32, #tpu.memory_space<vmem_shared>> -> memref<131080x8xf32, #tpu.memory_space<vmem_shared>>
        tpu.wait_indirect_dma semaphore(%run_scoped3A_48 : memref<!tpu.dma_semaphore, #tpu.memory_space<semaphore_mem>>) src(%dma_wait3A_58 : memref<256x8xf32, #tpu.memory_space<vmem>>) dst(%dma_wait3A_64 : memref<131080x8xf32, #tpu.memory_space<vmem_shared>>)
        tpu.yield
      }) : () -> ()
      %run_scoped3A_16 = arith.constant 6 : i32
      "tpu.region"() ({
        %run_scoped3A_48 = tpu.sem_alloc : memref<!tpu.dma_semaphore, #tpu.memory_space<semaphore_mem>>
        %dma_start3A = arith.constant 1536 : i32
        %dma_start3A_49 = arith.constant 0 : i32
        %dma_start3A_50 = tpu.memref_slice %arg9[%dma_start3A, %dma_start3A_49] : memref<4096x8xf32, #tpu.memory_space<vmem>> -> memref<256x8xf32, #tpu.memory_space<vmem>>
        %dma_start3A_51 = arith.constant 0 : i32
        %dma_start3A_52 = tpu.memref_slice %arg10[%run_scoped3A_16, %dma_start3A_51] : memref<16x256xi32, #tpu.memory_space<vmem>> -> memref<1x256xi32, #tpu.memory_space<vmem>>
        %dma_start3A_53 = tpu.memref_squeeze %dma_start3A_52 : memref<1x256xi32, #tpu.memory_space<vmem>> -> memref<256xi32, #tpu.memory_space<vmem>>
        %dma_start3A_54 = arith.constant 0 : i32
        %dma_start3A_55 = arith.constant 0 : i32
        %dma_start3A_56 = tpu.memref_slice %arg8[%dma_start3A_54, %dma_start3A_55] : memref<131080x8xf32, #tpu.memory_space<vmem_shared>> -> memref<131080x8xf32, #tpu.memory_space<vmem_shared>>
        tpu.enqueue_indirect_dma source(%dma_start3A_50 : memref<256x8xf32, #tpu.memory_space<vmem>>) target(%dma_start3A_56 : memref<131080x8xf32, #tpu.memory_space<vmem_shared>>) offsets(%dma_start3A_53 : memref<256xi32, #tpu.memory_space<vmem>>) semaphore(%run_scoped3A_48 : memref<!tpu.dma_semaphore, #tpu.memory_space<semaphore_mem>>) {add = true}
        %dma_wait3A = arith.constant 1536 : i32
        %dma_wait3A_57 = arith.constant 0 : i32
        %dma_wait3A_58 = tpu.memref_slice %arg9[%dma_wait3A, %dma_wait3A_57] : memref<4096x8xf32, #tpu.memory_space<vmem>> -> memref<256x8xf32, #tpu.memory_space<vmem>>
        %dma_wait3A_59 = arith.constant 0 : i32
        %dma_wait3A_60 = tpu.memref_slice %arg10[%run_scoped3A_16, %dma_wait3A_59] : memref<16x256xi32, #tpu.memory_space<vmem>> -> memref<1x256xi32, #tpu.memory_space<vmem>>
        %dma_wait3A_61 = tpu.memref_squeeze %dma_wait3A_60 : memref<1x256xi32, #tpu.memory_space<vmem>> -> memref<256xi32, #tpu.memory_space<vmem>>
        %dma_wait3A_62 = arith.constant 0 : i32
        %dma_wait3A_63 = arith.constant 0 : i32
        %dma_wait3A_64 = tpu.memref_slice %arg8[%dma_wait3A_62, %dma_wait3A_63] : memref<131080x8xf32, #tpu.memory_space<vmem_shared>> -> memref<131080x8xf32, #tpu.memory_space<vmem_shared>>
        tpu.wait_indirect_dma semaphore(%run_scoped3A_48 : memref<!tpu.dma_semaphore, #tpu.memory_space<semaphore_mem>>) src(%dma_wait3A_58 : memref<256x8xf32, #tpu.memory_space<vmem>>) dst(%dma_wait3A_64 : memref<131080x8xf32, #tpu.memory_space<vmem_shared>>)
        tpu.yield
      }) : () -> ()
      %run_scoped3A_17 = arith.constant 7 : i32
      "tpu.region"() ({
        %run_scoped3A_48 = tpu.sem_alloc : memref<!tpu.dma_semaphore, #tpu.memory_space<semaphore_mem>>
        %dma_start3A = arith.constant 1792 : i32
        %dma_start3A_49 = arith.constant 0 : i32
        %dma_start3A_50 = tpu.memref_slice %arg9[%dma_start3A, %dma_start3A_49] : memref<4096x8xf32, #tpu.memory_space<vmem>> -> memref<256x8xf32, #tpu.memory_space<vmem>>
        %dma_start3A_51 = arith.constant 0 : i32
        %dma_start3A_52 = tpu.memref_slice %arg10[%run_scoped3A_17, %dma_start3A_51] : memref<16x256xi32, #tpu.memory_space<vmem>> -> memref<1x256xi32, #tpu.memory_space<vmem>>
        %dma_start3A_53 = tpu.memref_squeeze %dma_start3A_52 : memref<1x256xi32, #tpu.memory_space<vmem>> -> memref<256xi32, #tpu.memory_space<vmem>>
        %dma_start3A_54 = arith.constant 0 : i32
        %dma_start3A_55 = arith.constant 0 : i32
        %dma_start3A_56 = tpu.memref_slice %arg8[%dma_start3A_54, %dma_start3A_55] : memref<131080x8xf32, #tpu.memory_space<vmem_shared>> -> memref<131080x8xf32, #tpu.memory_space<vmem_shared>>
        tpu.enqueue_indirect_dma source(%dma_start3A_50 : memref<256x8xf32, #tpu.memory_space<vmem>>) target(%dma_start3A_56 : memref<131080x8xf32, #tpu.memory_space<vmem_shared>>) offsets(%dma_start3A_53 : memref<256xi32, #tpu.memory_space<vmem>>) semaphore(%run_scoped3A_48 : memref<!tpu.dma_semaphore, #tpu.memory_space<semaphore_mem>>) {add = true}
        %dma_wait3A = arith.constant 1792 : i32
        %dma_wait3A_57 = arith.constant 0 : i32
        %dma_wait3A_58 = tpu.memref_slice %arg9[%dma_wait3A, %dma_wait3A_57] : memref<4096x8xf32, #tpu.memory_space<vmem>> -> memref<256x8xf32, #tpu.memory_space<vmem>>
        %dma_wait3A_59 = arith.constant 0 : i32
        %dma_wait3A_60 = tpu.memref_slice %arg10[%run_scoped3A_17, %dma_wait3A_59] : memref<16x256xi32, #tpu.memory_space<vmem>> -> memref<1x256xi32, #tpu.memory_space<vmem>>
        %dma_wait3A_61 = tpu.memref_squeeze %dma_wait3A_60 : memref<1x256xi32, #tpu.memory_space<vmem>> -> memref<256xi32, #tpu.memory_space<vmem>>
        %dma_wait3A_62 = arith.constant 0 : i32
        %dma_wait3A_63 = arith.constant 0 : i32
        %dma_wait3A_64 = tpu.memref_slice %arg8[%dma_wait3A_62, %dma_wait3A_63] : memref<131080x8xf32, #tpu.memory_space<vmem_shared>> -> memref<131080x8xf32, #tpu.memory_space<vmem_shared>>
        tpu.wait_indirect_dma semaphore(%run_scoped3A_48 : memref<!tpu.dma_semaphore, #tpu.memory_space<semaphore_mem>>) src(%dma_wait3A_58 : memref<256x8xf32, #tpu.memory_space<vmem>>) dst(%dma_wait3A_64 : memref<131080x8xf32, #tpu.memory_space<vmem_shared>>)
        tpu.yield
      }) : () -> ()
      %run_scoped3A_18 = arith.constant 8 : i32
      "tpu.region"() ({
        %run_scoped3A_48 = tpu.sem_alloc : memref<!tpu.dma_semaphore, #tpu.memory_space<semaphore_mem>>
        %dma_start3A = arith.constant 2048 : i32
        %dma_start3A_49 = arith.constant 0 : i32
        %dma_start3A_50 = tpu.memref_slice %arg9[%dma_start3A, %dma_start3A_49] : memref<4096x8xf32, #tpu.memory_space<vmem>> -> memref<256x8xf32, #tpu.memory_space<vmem>>
        %dma_start3A_51 = arith.constant 0 : i32
        %dma_start3A_52 = tpu.memref_slice %arg10[%run_scoped3A_18, %dma_start3A_51] : memref<16x256xi32, #tpu.memory_space<vmem>> -> memref<1x256xi32, #tpu.memory_space<vmem>>
        %dma_start3A_53 = tpu.memref_squeeze %dma_start3A_52 : memref<1x256xi32, #tpu.memory_space<vmem>> -> memref<256xi32, #tpu.memory_space<vmem>>
        %dma_start3A_54 = arith.constant 0 : i32
        %dma_start3A_55 = arith.constant 0 : i32
        %dma_start3A_56 = tpu.memref_slice %arg8[%dma_start3A_54, %dma_start3A_55] : memref<131080x8xf32, #tpu.memory_space<vmem_shared>> -> memref<131080x8xf32, #tpu.memory_space<vmem_shared>>
        tpu.enqueue_indirect_dma source(%dma_start3A_50 : memref<256x8xf32, #tpu.memory_space<vmem>>) target(%dma_start3A_56 : memref<131080x8xf32, #tpu.memory_space<vmem_shared>>) offsets(%dma_start3A_53 : memref<256xi32, #tpu.memory_space<vmem>>) semaphore(%run_scoped3A_48 : memref<!tpu.dma_semaphore, #tpu.memory_space<semaphore_mem>>) {add = true}
        %dma_wait3A = arith.constant 2048 : i32
        %dma_wait3A_57 = arith.constant 0 : i32
        %dma_wait3A_58 = tpu.memref_slice %arg9[%dma_wait3A, %dma_wait3A_57] : memref<4096x8xf32, #tpu.memory_space<vmem>> -> memref<256x8xf32, #tpu.memory_space<vmem>>
        %dma_wait3A_59 = arith.constant 0 : i32
        %dma_wait3A_60 = tpu.memref_slice %arg10[%run_scoped3A_18, %dma_wait3A_59] : memref<16x256xi32, #tpu.memory_space<vmem>> -> memref<1x256xi32, #tpu.memory_space<vmem>>
        %dma_wait3A_61 = tpu.memref_squeeze %dma_wait3A_60 : memref<1x256xi32, #tpu.memory_space<vmem>> -> memref<256xi32, #tpu.memory_space<vmem>>
        %dma_wait3A_62 = arith.constant 0 : i32
        %dma_wait3A_63 = arith.constant 0 : i32
        %dma_wait3A_64 = tpu.memref_slice %arg8[%dma_wait3A_62, %dma_wait3A_63] : memref<131080x8xf32, #tpu.memory_space<vmem_shared>> -> memref<131080x8xf32, #tpu.memory_space<vmem_shared>>
        tpu.wait_indirect_dma semaphore(%run_scoped3A_48 : memref<!tpu.dma_semaphore, #tpu.memory_space<semaphore_mem>>) src(%dma_wait3A_58 : memref<256x8xf32, #tpu.memory_space<vmem>>) dst(%dma_wait3A_64 : memref<131080x8xf32, #tpu.memory_space<vmem_shared>>)
        tpu.yield
      }) : () -> ()
      %run_scoped3A_19 = arith.constant 9 : i32
      "tpu.region"() ({
        %run_scoped3A_48 = tpu.sem_alloc : memref<!tpu.dma_semaphore, #tpu.memory_space<semaphore_mem>>
        %dma_start3A = arith.constant 2304 : i32
        %dma_start3A_49 = arith.constant 0 : i32
        %dma_start3A_50 = tpu.memref_slice %arg9[%dma_start3A, %dma_start3A_49] : memref<4096x8xf32, #tpu.memory_space<vmem>> -> memref<256x8xf32, #tpu.memory_space<vmem>>
        %dma_start3A_51 = arith.constant 0 : i32
        %dma_start3A_52 = tpu.memref_slice %arg10[%run_scoped3A_19, %dma_start3A_51] : memref<16x256xi32, #tpu.memory_space<vmem>> -> memref<1x256xi32, #tpu.memory_space<vmem>>
        %dma_start3A_53 = tpu.memref_squeeze %dma_start3A_52 : memref<1x256xi32, #tpu.memory_space<vmem>> -> memref<256xi32, #tpu.memory_space<vmem>>
        %dma_start3A_54 = arith.constant 0 : i32
        %dma_start3A_55 = arith.constant 0 : i32
        %dma_start3A_56 = tpu.memref_slice %arg8[%dma_start3A_54, %dma_start3A_55] : memref<131080x8xf32, #tpu.memory_space<vmem_shared>> -> memref<131080x8xf32, #tpu.memory_space<vmem_shared>>
        tpu.enqueue_indirect_dma source(%dma_start3A_50 : memref<256x8xf32, #tpu.memory_space<vmem>>) target(%dma_start3A_56 : memref<131080x8xf32, #tpu.memory_space<vmem_shared>>) offsets(%dma_start3A_53 : memref<256xi32, #tpu.memory_space<vmem>>) semaphore(%run_scoped3A_48 : memref<!tpu.dma_semaphore, #tpu.memory_space<semaphore_mem>>) {add = true}
        %dma_wait3A = arith.constant 2304 : i32
        %dma_wait3A_57 = arith.constant 0 : i32
        %dma_wait3A_58 = tpu.memref_slice %arg9[%dma_wait3A, %dma_wait3A_57] : memref<4096x8xf32, #tpu.memory_space<vmem>> -> memref<256x8xf32, #tpu.memory_space<vmem>>
        %dma_wait3A_59 = arith.constant 0 : i32
        %dma_wait3A_60 = tpu.memref_slice %arg10[%run_scoped3A_19, %dma_wait3A_59] : memref<16x256xi32, #tpu.memory_space<vmem>> -> memref<1x256xi32, #tpu.memory_space<vmem>>
        %dma_wait3A_61 = tpu.memref_squeeze %dma_wait3A_60 : memref<1x256xi32, #tpu.memory_space<vmem>> -> memref<256xi32, #tpu.memory_space<vmem>>
        %dma_wait3A_62 = arith.constant 0 : i32
        %dma_wait3A_63 = arith.constant 0 : i32
        %dma_wait3A_64 = tpu.memref_slice %arg8[%dma_wait3A_62, %dma_wait3A_63] : memref<131080x8xf32, #tpu.memory_space<vmem_shared>> -> memref<131080x8xf32, #tpu.memory_space<vmem_shared>>
        tpu.wait_indirect_dma semaphore(%run_scoped3A_48 : memref<!tpu.dma_semaphore, #tpu.memory_space<semaphore_mem>>) src(%dma_wait3A_58 : memref<256x8xf32, #tpu.memory_space<vmem>>) dst(%dma_wait3A_64 : memref<131080x8xf32, #tpu.memory_space<vmem_shared>>)
        tpu.yield
      }) : () -> ()
      %run_scoped3A_20 = arith.constant 10 : i32
      "tpu.region"() ({
        %run_scoped3A_48 = tpu.sem_alloc : memref<!tpu.dma_semaphore, #tpu.memory_space<semaphore_mem>>
        %dma_start3A = arith.constant 2560 : i32
        %dma_start3A_49 = arith.constant 0 : i32
        %dma_start3A_50 = tpu.memref_slice %arg9[%dma_start3A, %dma_start3A_49] : memref<4096x8xf32, #tpu.memory_space<vmem>> -> memref<256x8xf32, #tpu.memory_space<vmem>>
        %dma_start3A_51 = arith.constant 0 : i32
        %dma_start3A_52 = tpu.memref_slice %arg10[%run_scoped3A_20, %dma_start3A_51] : memref<16x256xi32, #tpu.memory_space<vmem>> -> memref<1x256xi32, #tpu.memory_space<vmem>>
        %dma_start3A_53 = tpu.memref_squeeze %dma_start3A_52 : memref<1x256xi32, #tpu.memory_space<vmem>> -> memref<256xi32, #tpu.memory_space<vmem>>
        %dma_start3A_54 = arith.constant 0 : i32
        %dma_start3A_55 = arith.constant 0 : i32
        %dma_start3A_56 = tpu.memref_slice %arg8[%dma_start3A_54, %dma_start3A_55] : memref<131080x8xf32, #tpu.memory_space<vmem_shared>> -> memref<131080x8xf32, #tpu.memory_space<vmem_shared>>
        tpu.enqueue_indirect_dma source(%dma_start3A_50 : memref<256x8xf32, #tpu.memory_space<vmem>>) target(%dma_start3A_56 : memref<131080x8xf32, #tpu.memory_space<vmem_shared>>) offsets(%dma_start3A_53 : memref<256xi32, #tpu.memory_space<vmem>>) semaphore(%run_scoped3A_48 : memref<!tpu.dma_semaphore, #tpu.memory_space<semaphore_mem>>) {add = true}
        %dma_wait3A = arith.constant 2560 : i32
        %dma_wait3A_57 = arith.constant 0 : i32
        %dma_wait3A_58 = tpu.memref_slice %arg9[%dma_wait3A, %dma_wait3A_57] : memref<4096x8xf32, #tpu.memory_space<vmem>> -> memref<256x8xf32, #tpu.memory_space<vmem>>
        %dma_wait3A_59 = arith.constant 0 : i32
        %dma_wait3A_60 = tpu.memref_slice %arg10[%run_scoped3A_20, %dma_wait3A_59] : memref<16x256xi32, #tpu.memory_space<vmem>> -> memref<1x256xi32, #tpu.memory_space<vmem>>
        %dma_wait3A_61 = tpu.memref_squeeze %dma_wait3A_60 : memref<1x256xi32, #tpu.memory_space<vmem>> -> memref<256xi32, #tpu.memory_space<vmem>>
        %dma_wait3A_62 = arith.constant 0 : i32
        %dma_wait3A_63 = arith.constant 0 : i32
        %dma_wait3A_64 = tpu.memref_slice %arg8[%dma_wait3A_62, %dma_wait3A_63] : memref<131080x8xf32, #tpu.memory_space<vmem_shared>> -> memref<131080x8xf32, #tpu.memory_space<vmem_shared>>
        tpu.wait_indirect_dma semaphore(%run_scoped3A_48 : memref<!tpu.dma_semaphore, #tpu.memory_space<semaphore_mem>>) src(%dma_wait3A_58 : memref<256x8xf32, #tpu.memory_space<vmem>>) dst(%dma_wait3A_64 : memref<131080x8xf32, #tpu.memory_space<vmem_shared>>)
        tpu.yield
      }) : () -> ()
      %run_scoped3A_21 = arith.constant 11 : i32
      "tpu.region"() ({
        %run_scoped3A_48 = tpu.sem_alloc : memref<!tpu.dma_semaphore, #tpu.memory_space<semaphore_mem>>
        %dma_start3A = arith.constant 2816 : i32
        %dma_start3A_49 = arith.constant 0 : i32
        %dma_start3A_50 = tpu.memref_slice %arg9[%dma_start3A, %dma_start3A_49] : memref<4096x8xf32, #tpu.memory_space<vmem>> -> memref<256x8xf32, #tpu.memory_space<vmem>>
        %dma_start3A_51 = arith.constant 0 : i32
        %dma_start3A_52 = tpu.memref_slice %arg10[%run_scoped3A_21, %dma_start3A_51] : memref<16x256xi32, #tpu.memory_space<vmem>> -> memref<1x256xi32, #tpu.memory_space<vmem>>
        %dma_start3A_53 = tpu.memref_squeeze %dma_start3A_52 : memref<1x256xi32, #tpu.memory_space<vmem>> -> memref<256xi32, #tpu.memory_space<vmem>>
        %dma_start3A_54 = arith.constant 0 : i32
        %dma_start3A_55 = arith.constant 0 : i32
        %dma_start3A_56 = tpu.memref_slice %arg8[%dma_start3A_54, %dma_start3A_55] : memref<131080x8xf32, #tpu.memory_space<vmem_shared>> -> memref<131080x8xf32, #tpu.memory_space<vmem_shared>>
        tpu.enqueue_indirect_dma source(%dma_start3A_50 : memref<256x8xf32, #tpu.memory_space<vmem>>) target(%dma_start3A_56 : memref<131080x8xf32, #tpu.memory_space<vmem_shared>>) offsets(%dma_start3A_53 : memref<256xi32, #tpu.memory_space<vmem>>) semaphore(%run_scoped3A_48 : memref<!tpu.dma_semaphore, #tpu.memory_space<semaphore_mem>>) {add = true}
        %dma_wait3A = arith.constant 2816 : i32
        %dma_wait3A_57 = arith.constant 0 : i32
        %dma_wait3A_58 = tpu.memref_slice %arg9[%dma_wait3A, %dma_wait3A_57] : memref<4096x8xf32, #tpu.memory_space<vmem>> -> memref<256x8xf32, #tpu.memory_space<vmem>>
        %dma_wait3A_59 = arith.constant 0 : i32
        %dma_wait3A_60 = tpu.memref_slice %arg10[%run_scoped3A_21, %dma_wait3A_59] : memref<16x256xi32, #tpu.memory_space<vmem>> -> memref<1x256xi32, #tpu.memory_space<vmem>>
        %dma_wait3A_61 = tpu.memref_squeeze %dma_wait3A_60 : memref<1x256xi32, #tpu.memory_space<vmem>> -> memref<256xi32, #tpu.memory_space<vmem>>
        %dma_wait3A_62 = arith.constant 0 : i32
        %dma_wait3A_63 = arith.constant 0 : i32
        %dma_wait3A_64 = tpu.memref_slice %arg8[%dma_wait3A_62, %dma_wait3A_63] : memref<131080x8xf32, #tpu.memory_space<vmem_shared>> -> memref<131080x8xf32, #tpu.memory_space<vmem_shared>>
        tpu.wait_indirect_dma semaphore(%run_scoped3A_48 : memref<!tpu.dma_semaphore, #tpu.memory_space<semaphore_mem>>) src(%dma_wait3A_58 : memref<256x8xf32, #tpu.memory_space<vmem>>) dst(%dma_wait3A_64 : memref<131080x8xf32, #tpu.memory_space<vmem_shared>>)
        tpu.yield
      }) : () -> ()
      %run_scoped3A_22 = arith.constant 12 : i32
      "tpu.region"() ({
        %run_scoped3A_48 = tpu.sem_alloc : memref<!tpu.dma_semaphore, #tpu.memory_space<semaphore_mem>>
        %dma_start3A = arith.constant 3072 : i32
        %dma_start3A_49 = arith.constant 0 : i32
        %dma_start3A_50 = tpu.memref_slice %arg9[%dma_start3A, %dma_start3A_49] : memref<4096x8xf32, #tpu.memory_space<vmem>> -> memref<256x8xf32, #tpu.memory_space<vmem>>
        %dma_start3A_51 = arith.constant 0 : i32
        %dma_start3A_52 = tpu.memref_slice %arg10[%run_scoped3A_22, %dma_start3A_51] : memref<16x256xi32, #tpu.memory_space<vmem>> -> memref<1x256xi32, #tpu.memory_space<vmem>>
        %dma_start3A_53 = tpu.memref_squeeze %dma_start3A_52 : memref<1x256xi32, #tpu.memory_space<vmem>> -> memref<256xi32, #tpu.memory_space<vmem>>
        %dma_start3A_54 = arith.constant 0 : i32
        %dma_start3A_55 = arith.constant 0 : i32
        %dma_start3A_56 = tpu.memref_slice %arg8[%dma_start3A_54, %dma_start3A_55] : memref<131080x8xf32, #tpu.memory_space<vmem_shared>> -> memref<131080x8xf32, #tpu.memory_space<vmem_shared>>
        tpu.enqueue_indirect_dma source(%dma_start3A_50 : memref<256x8xf32, #tpu.memory_space<vmem>>) target(%dma_start3A_56 : memref<131080x8xf32, #tpu.memory_space<vmem_shared>>) offsets(%dma_start3A_53 : memref<256xi32, #tpu.memory_space<vmem>>) semaphore(%run_scoped3A_48 : memref<!tpu.dma_semaphore, #tpu.memory_space<semaphore_mem>>) {add = true}
        %dma_wait3A = arith.constant 3072 : i32
        %dma_wait3A_57 = arith.constant 0 : i32
        %dma_wait3A_58 = tpu.memref_slice %arg9[%dma_wait3A, %dma_wait3A_57] : memref<4096x8xf32, #tpu.memory_space<vmem>> -> memref<256x8xf32, #tpu.memory_space<vmem>>
        %dma_wait3A_59 = arith.constant 0 : i32
        %dma_wait3A_60 = tpu.memref_slice %arg10[%run_scoped3A_22, %dma_wait3A_59] : memref<16x256xi32, #tpu.memory_space<vmem>> -> memref<1x256xi32, #tpu.memory_space<vmem>>
        %dma_wait3A_61 = tpu.memref_squeeze %dma_wait3A_60 : memref<1x256xi32, #tpu.memory_space<vmem>> -> memref<256xi32, #tpu.memory_space<vmem>>
        %dma_wait3A_62 = arith.constant 0 : i32
        %dma_wait3A_63 = arith.constant 0 : i32
        %dma_wait3A_64 = tpu.memref_slice %arg8[%dma_wait3A_62, %dma_wait3A_63] : memref<131080x8xf32, #tpu.memory_space<vmem_shared>> -> memref<131080x8xf32, #tpu.memory_space<vmem_shared>>
        tpu.wait_indirect_dma semaphore(%run_scoped3A_48 : memref<!tpu.dma_semaphore, #tpu.memory_space<semaphore_mem>>) src(%dma_wait3A_58 : memref<256x8xf32, #tpu.memory_space<vmem>>) dst(%dma_wait3A_64 : memref<131080x8xf32, #tpu.memory_space<vmem_shared>>)
        tpu.yield
      }) : () -> ()
      %run_scoped3A_23 = arith.constant 13 : i32
      "tpu.region"() ({
        %run_scoped3A_48 = tpu.sem_alloc : memref<!tpu.dma_semaphore, #tpu.memory_space<semaphore_mem>>
        %dma_start3A = arith.constant 3328 : i32
        %dma_start3A_49 = arith.constant 0 : i32
        %dma_start3A_50 = tpu.memref_slice %arg9[%dma_start3A, %dma_start3A_49] : memref<4096x8xf32, #tpu.memory_space<vmem>> -> memref<256x8xf32, #tpu.memory_space<vmem>>
        %dma_start3A_51 = arith.constant 0 : i32
        %dma_start3A_52 = tpu.memref_slice %arg10[%run_scoped3A_23, %dma_start3A_51] : memref<16x256xi32, #tpu.memory_space<vmem>> -> memref<1x256xi32, #tpu.memory_space<vmem>>
        %dma_start3A_53 = tpu.memref_squeeze %dma_start3A_52 : memref<1x256xi32, #tpu.memory_space<vmem>> -> memref<256xi32, #tpu.memory_space<vmem>>
        %dma_start3A_54 = arith.constant 0 : i32
        %dma_start3A_55 = arith.constant 0 : i32
        %dma_start3A_56 = tpu.memref_slice %arg8[%dma_start3A_54, %dma_start3A_55] : memref<131080x8xf32, #tpu.memory_space<vmem_shared>> -> memref<131080x8xf32, #tpu.memory_space<vmem_shared>>
        tpu.enqueue_indirect_dma source(%dma_start3A_50 : memref<256x8xf32, #tpu.memory_space<vmem>>) target(%dma_start3A_56 : memref<131080x8xf32, #tpu.memory_space<vmem_shared>>) offsets(%dma_start3A_53 : memref<256xi32, #tpu.memory_space<vmem>>) semaphore(%run_scoped3A_48 : memref<!tpu.dma_semaphore, #tpu.memory_space<semaphore_mem>>) {add = true}
        %dma_wait3A = arith.constant 3328 : i32
        %dma_wait3A_57 = arith.constant 0 : i32
        %dma_wait3A_58 = tpu.memref_slice %arg9[%dma_wait3A, %dma_wait3A_57] : memref<4096x8xf32, #tpu.memory_space<vmem>> -> memref<256x8xf32, #tpu.memory_space<vmem>>
        %dma_wait3A_59 = arith.constant 0 : i32
        %dma_wait3A_60 = tpu.memref_slice %arg10[%run_scoped3A_23, %dma_wait3A_59] : memref<16x256xi32, #tpu.memory_space<vmem>> -> memref<1x256xi32, #tpu.memory_space<vmem>>
        %dma_wait3A_61 = tpu.memref_squeeze %dma_wait3A_60 : memref<1x256xi32, #tpu.memory_space<vmem>> -> memref<256xi32, #tpu.memory_space<vmem>>
        %dma_wait3A_62 = arith.constant 0 : i32
        %dma_wait3A_63 = arith.constant 0 : i32
        %dma_wait3A_64 = tpu.memref_slice %arg8[%dma_wait3A_62, %dma_wait3A_63] : memref<131080x8xf32, #tpu.memory_space<vmem_shared>> -> memref<131080x8xf32, #tpu.memory_space<vmem_shared>>
        tpu.wait_indirect_dma semaphore(%run_scoped3A_48 : memref<!tpu.dma_semaphore, #tpu.memory_space<semaphore_mem>>) src(%dma_wait3A_58 : memref<256x8xf32, #tpu.memory_space<vmem>>) dst(%dma_wait3A_64 : memref<131080x8xf32, #tpu.memory_space<vmem_shared>>)
        tpu.yield
      }) : () -> ()
      %run_scoped3A_24 = arith.constant 14 : i32
      "tpu.region"() ({
        %run_scoped3A_48 = tpu.sem_alloc : memref<!tpu.dma_semaphore, #tpu.memory_space<semaphore_mem>>
        %dma_start3A = arith.constant 3584 : i32
        %dma_start3A_49 = arith.constant 0 : i32
        %dma_start3A_50 = tpu.memref_slice %arg9[%dma_start3A, %dma_start3A_49] : memref<4096x8xf32, #tpu.memory_space<vmem>> -> memref<256x8xf32, #tpu.memory_space<vmem>>
        %dma_start3A_51 = arith.constant 0 : i32
        %dma_start3A_52 = tpu.memref_slice %arg10[%run_scoped3A_24, %dma_start3A_51] : memref<16x256xi32, #tpu.memory_space<vmem>> -> memref<1x256xi32, #tpu.memory_space<vmem>>
        %dma_start3A_53 = tpu.memref_squeeze %dma_start3A_52 : memref<1x256xi32, #tpu.memory_space<vmem>> -> memref<256xi32, #tpu.memory_space<vmem>>
        %dma_start3A_54 = arith.constant 0 : i32
        %dma_start3A_55 = arith.constant 0 : i32
        %dma_start3A_56 = tpu.memref_slice %arg8[%dma_start3A_54, %dma_start3A_55] : memref<131080x8xf32, #tpu.memory_space<vmem_shared>> -> memref<131080x8xf32, #tpu.memory_space<vmem_shared>>
        tpu.enqueue_indirect_dma source(%dma_start3A_50 : memref<256x8xf32, #tpu.memory_space<vmem>>) target(%dma_start3A_56 : memref<131080x8xf32, #tpu.memory_space<vmem_shared>>) offsets(%dma_start3A_53 : memref<256xi32, #tpu.memory_space<vmem>>) semaphore(%run_scoped3A_48 : memref<!tpu.dma_semaphore, #tpu.memory_space<semaphore_mem>>) {add = true}
        %dma_wait3A = arith.constant 3584 : i32
        %dma_wait3A_57 = arith.constant 0 : i32
        %dma_wait3A_58 = tpu.memref_slice %arg9[%dma_wait3A, %dma_wait3A_57] : memref<4096x8xf32, #tpu.memory_space<vmem>> -> memref<256x8xf32, #tpu.memory_space<vmem>>
        %dma_wait3A_59 = arith.constant 0 : i32
        %dma_wait3A_60 = tpu.memref_slice %arg10[%run_scoped3A_24, %dma_wait3A_59] : memref<16x256xi32, #tpu.memory_space<vmem>> -> memref<1x256xi32, #tpu.memory_space<vmem>>
        %dma_wait3A_61 = tpu.memref_squeeze %dma_wait3A_60 : memref<1x256xi32, #tpu.memory_space<vmem>> -> memref<256xi32, #tpu.memory_space<vmem>>
        %dma_wait3A_62 = arith.constant 0 : i32
        %dma_wait3A_63 = arith.constant 0 : i32
        %dma_wait3A_64 = tpu.memref_slice %arg8[%dma_wait3A_62, %dma_wait3A_63] : memref<131080x8xf32, #tpu.memory_space<vmem_shared>> -> memref<131080x8xf32, #tpu.memory_space<vmem_shared>>
        tpu.wait_indirect_dma semaphore(%run_scoped3A_48 : memref<!tpu.dma_semaphore, #tpu.memory_space<semaphore_mem>>) src(%dma_wait3A_58 : memref<256x8xf32, #tpu.memory_space<vmem>>) dst(%dma_wait3A_64 : memref<131080x8xf32, #tpu.memory_space<vmem_shared>>)
        tpu.yield
      }) : () -> ()
      %run_scoped3A_25 = arith.constant 15 : i32
      "tpu.region"() ({
        %run_scoped3A_48 = tpu.sem_alloc : memref<!tpu.dma_semaphore, #tpu.memory_space<semaphore_mem>>
        %dma_start3A = arith.constant 3840 : i32
        %dma_start3A_49 = arith.constant 0 : i32
        %dma_start3A_50 = tpu.memref_slice %arg9[%dma_start3A, %dma_start3A_49] : memref<4096x8xf32, #tpu.memory_space<vmem>> -> memref<256x8xf32, #tpu.memory_space<vmem>>
        %dma_start3A_51 = arith.constant 0 : i32
        %dma_start3A_52 = tpu.memref_slice %arg10[%run_scoped3A_25, %dma_start3A_51] : memref<16x256xi32, #tpu.memory_space<vmem>> -> memref<1x256xi32, #tpu.memory_space<vmem>>
        %dma_start3A_53 = tpu.memref_squeeze %dma_start3A_52 : memref<1x256xi32, #tpu.memory_space<vmem>> -> memref<256xi32, #tpu.memory_space<vmem>>
        %dma_start3A_54 = arith.constant 0 : i32
        %dma_start3A_55 = arith.constant 0 : i32
        %dma_start3A_56 = tpu.memref_slice %arg8[%dma_start3A_54, %dma_start3A_55] : memref<131080x8xf32, #tpu.memory_space<vmem_shared>> -> memref<131080x8xf32, #tpu.memory_space<vmem_shared>>
        tpu.enqueue_indirect_dma source(%dma_start3A_50 : memref<256x8xf32, #tpu.memory_space<vmem>>) target(%dma_start3A_56 : memref<131080x8xf32, #tpu.memory_space<vmem_shared>>) offsets(%dma_start3A_53 : memref<256xi32, #tpu.memory_space<vmem>>) semaphore(%run_scoped3A_48 : memref<!tpu.dma_semaphore, #tpu.memory_space<semaphore_mem>>) {add = true}
        %dma_wait3A = arith.constant 3840 : i32
        %dma_wait3A_57 = arith.constant 0 : i32
        %dma_wait3A_58 = tpu.memref_slice %arg9[%dma_wait3A, %dma_wait3A_57] : memref<4096x8xf32, #tpu.memory_space<vmem>> -> memref<256x8xf32, #tpu.memory_space<vmem>>
        %dma_wait3A_59 = arith.constant 0 : i32
        %dma_wait3A_60 = tpu.memref_slice %arg10[%run_scoped3A_25, %dma_wait3A_59] : memref<16x256xi32, #tpu.memory_space<vmem>> -> memref<1x256xi32, #tpu.memory_space<vmem>>
        %dma_wait3A_61 = tpu.memref_squeeze %dma_wait3A_60 : memref<1x256xi32, #tpu.memory_space<vmem>> -> memref<256xi32, #tpu.memory_space<vmem>>
        %dma_wait3A_62 = arith.constant 0 : i32
        %dma_wait3A_63 = arith.constant 0 : i32
        %dma_wait3A_64 = tpu.memref_slice %arg8[%dma_wait3A_62, %dma_wait3A_63] : memref<131080x8xf32, #tpu.memory_space<vmem_shared>> -> memref<131080x8xf32, #tpu.memory_space<vmem_shared>>
        tpu.wait_indirect_dma semaphore(%run_scoped3A_48 : memref<!tpu.dma_semaphore, #tpu.memory_space<semaphore_mem>>) src(%dma_wait3A_58 : memref<256x8xf32, #tpu.memory_space<vmem>>) dst(%dma_wait3A_64 : memref<131080x8xf32, #tpu.memory_space<vmem_shared>>)
        tpu.yield
      }) : () -> ()
      %run_scoped3A_26 = arith.constant 1 : i32
      "tpu.region"() ({
        %run_scoped3A_48 = tpu.sem_alloc : memref<!tpu.dma_semaphore, #tpu.memory_space<semaphore_mem>>
        %dma_start3A = arith.constant 0 : i32
        %dma_start3A_49 = arith.constant 0 : i32
        %dma_start3A_50 = tpu.memref_slice %arg2[%scan3A_6, %run_scoped3A_26, %arg1, %dma_start3A, %dma_start3A_49] : memref<8x2x16x4096x8xf32, #tpu.memory_space<hbm>> -> memref<1x1x1x4096x8xf32, #tpu.memory_space<hbm>>
        %dma_start3A_51 = tpu.memref_squeeze %dma_start3A_50 : memref<1x1x1x4096x8xf32, #tpu.memory_space<hbm>> -> memref<4096x8xf32, #tpu.memory_space<hbm>>
        %dma_start3A_52 = arith.constant 0 : i32
        %dma_start3A_53 = arith.constant 0 : i32
        %dma_start3A_54 = tpu.memref_slice %arg2[%scan3A_6, %run_scoped3A_26, %arg1, %dma_start3A_52, %dma_start3A_53] : memref<8x2x16x4096x8xf32, #tpu.memory_space<hbm>> -> memref<1x1x1x4096x8xf32, #tpu.memory_space<hbm>>
        %dma_start3A_55 = tpu.memref_squeeze %dma_start3A_54 : memref<1x1x1x4096x8xf32, #tpu.memory_space<hbm>> -> memref<4096x8xf32, #tpu.memory_space<hbm>>
        tpu.enqueue_dma source(%dma_start3A_55 : memref<4096x8xf32, #tpu.memory_space<hbm>>) target(%arg9 : memref<4096x8xf32, #tpu.memory_space<vmem>>) target_semaphore(%run_scoped3A_48 : memref<!tpu.dma_semaphore, #tpu.memory_space<semaphore_mem>>)
        %dma_wait3A = arith.constant 0 : i32
        %dma_wait3A_56 = arith.constant 0 : i32
        %dma_wait3A_57 = tpu.memref_slice %arg2[%scan3A_6, %run_scoped3A_26, %arg1, %dma_wait3A, %dma_wait3A_56] : memref<8x2x16x4096x8xf32, #tpu.memory_space<hbm>> -> memref<1x1x1x4096x8xf32, #tpu.memory_space<hbm>>
        %dma_wait3A_58 = tpu.memref_squeeze %dma_wait3A_57 : memref<1x1x1x4096x8xf32, #tpu.memory_space<hbm>> -> memref<4096x8xf32, #tpu.memory_space<hbm>>
        %dma_wait3A_59 = arith.constant 0 : i32
        %dma_wait3A_60 = arith.constant 0 : i32
        %dma_wait3A_61 = tpu.memref_slice %arg2[%scan3A_6, %run_scoped3A_26, %arg1, %dma_wait3A_59, %dma_wait3A_60] : memref<8x2x16x4096x8xf32, #tpu.memory_space<hbm>> -> memref<1x1x1x4096x8xf32, #tpu.memory_space<hbm>>
        %dma_wait3A_62 = tpu.memref_squeeze %dma_wait3A_61 : memref<1x1x1x4096x8xf32, #tpu.memory_space<hbm>> -> memref<4096x8xf32, #tpu.memory_space<hbm>>
        tpu.wait_dma2 semaphore(%run_scoped3A_48 : memref<!tpu.dma_semaphore, #tpu.memory_space<semaphore_mem>>) src(%dma_wait3A_62 : memref<4096x8xf32, #tpu.memory_space<hbm>>) dst(%arg9 : memref<4096x8xf32, #tpu.memory_space<vmem>>)
        tpu.yield
      }) : () -> ()
      %run_scoped3A_27 = arith.constant 1 : i32
      "tpu.region"() ({
        %run_scoped3A_48 = tpu.sem_alloc : memref<!tpu.dma_semaphore, #tpu.memory_space<semaphore_mem>>
        %dma_start3A = arith.constant 0 : i32
        %dma_start3A_49 = arith.constant 0 : i32
        %dma_start3A_50 = tpu.memref_slice %arg3[%arg0, %run_scoped3A_27, %arg1, %dma_start3A, %dma_start3A_49] : memref<2x2x16x16x256xi32, #tpu.memory_space<hbm>> -> memref<1x1x1x16x256xi32, #tpu.memory_space<hbm>>
        %dma_start3A_51 = tpu.memref_squeeze %dma_start3A_50 : memref<1x1x1x16x256xi32, #tpu.memory_space<hbm>> -> memref<16x256xi32, #tpu.memory_space<hbm>>
        %dma_start3A_52 = arith.constant 0 : i32
        %dma_start3A_53 = arith.constant 0 : i32
        %dma_start3A_54 = tpu.memref_slice %arg3[%arg0, %run_scoped3A_27, %arg1, %dma_start3A_52, %dma_start3A_53] : memref<2x2x16x16x256xi32, #tpu.memory_space<hbm>> -> memref<1x1x1x16x256xi32, #tpu.memory_space<hbm>>
        %dma_start3A_55 = tpu.memref_squeeze %dma_start3A_54 : memref<1x1x1x16x256xi32, #tpu.memory_space<hbm>> -> memref<16x256xi32, #tpu.memory_space<hbm>>
        tpu.enqueue_dma source(%dma_start3A_55 : memref<16x256xi32, #tpu.memory_space<hbm>>) target(%arg10 : memref<16x256xi32, #tpu.memory_space<vmem>>) target_semaphore(%run_scoped3A_48 : memref<!tpu.dma_semaphore, #tpu.memory_space<semaphore_mem>>)
        %dma_wait3A = arith.constant 0 : i32
        %dma_wait3A_56 = arith.constant 0 : i32
        %dma_wait3A_57 = tpu.memref_slice %arg3[%arg0, %run_scoped3A_27, %arg1, %dma_wait3A, %dma_wait3A_56] : memref<2x2x16x16x256xi32, #tpu.memory_space<hbm>> -> memref<1x1x1x16x256xi32, #tpu.memory_space<hbm>>
        %dma_wait3A_58 = tpu.memref_squeeze %dma_wait3A_57 : memref<1x1x1x16x256xi32, #tpu.memory_space<hbm>> -> memref<16x256xi32, #tpu.memory_space<hbm>>
        %dma_wait3A_59 = arith.constant 0 : i32
        %dma_wait3A_60 = arith.constant 0 : i32
        %dma_wait3A_61 = tpu.memref_slice %arg3[%arg0, %run_scoped3A_27, %arg1, %dma_wait3A_59, %dma_wait3A_60] : memref<2x2x16x16x256xi32, #tpu.memory_space<hbm>> -> memref<1x1x1x16x256xi32, #tpu.memory_space<hbm>>
        %dma_wait3A_62 = tpu.memref_squeeze %dma_wait3A_61 : memref<1x1x1x16x256xi32, #tpu.memory_space<hbm>> -> memref<16x256xi32, #tpu.memory_space<hbm>>
        tpu.wait_dma2 semaphore(%run_scoped3A_48 : memref<!tpu.dma_semaphore, #tpu.memory_space<semaphore_mem>>) src(%dma_wait3A_62 : memref<16x256xi32, #tpu.memory_space<hbm>>) dst(%arg10 : memref<16x256xi32, #tpu.memory_space<vmem>>)
        tpu.yield
      }) : () -> ()
      %run_scoped3A_28 = arith.constant 0 : i32
      "tpu.region"() ({
        %run_scoped3A_48 = tpu.sem_alloc : memref<!tpu.dma_semaphore, #tpu.memory_space<semaphore_mem>>
        %dma_start3A = arith.constant 0 : i32
        %dma_start3A_49 = arith.constant 0 : i32
        %dma_start3A_50 = tpu.memref_slice %arg9[%dma_start3A, %dma_start3A_49] : memref<4096x8xf32, #tpu.memory_space<vmem>> -> memref<256x8xf32, #tpu.memory_space<vmem>>
        %dma_start3A_51 = arith.constant 0 : i32
        %dma_start3A_52 = tpu.memref_slice %arg10[%run_scoped3A_28, %dma_start3A_51] : memref<16x256xi32, #tpu.memory_space<vmem>> -> memref<1x256xi32, #tpu.memory_space<vmem>>
        %dma_start3A_53 = tpu.memref_squeeze %dma_start3A_52 : memref<1x256xi32, #tpu.memory_space<vmem>> -> memref<256xi32, #tpu.memory_space<vmem>>
        %dma_start3A_54 = arith.constant 0 : i32
        %dma_start3A_55 = arith.constant 0 : i32
        %dma_start3A_56 = tpu.memref_slice %arg8[%dma_start3A_54, %dma_start3A_55] : memref<131080x8xf32, #tpu.memory_space<vmem_shared>> -> memref<131080x8xf32, #tpu.memory_space<vmem_shared>>
        tpu.enqueue_indirect_dma source(%dma_start3A_50 : memref<256x8xf32, #tpu.memory_space<vmem>>) target(%dma_start3A_56 : memref<131080x8xf32, #tpu.memory_space<vmem_shared>>) offsets(%dma_start3A_53 : memref<256xi32, #tpu.memory_space<vmem>>) semaphore(%run_scoped3A_48 : memref<!tpu.dma_semaphore, #tpu.memory_space<semaphore_mem>>) {add = true}
        %dma_wait3A = arith.constant 0 : i32
        %dma_wait3A_57 = arith.constant 0 : i32
        %dma_wait3A_58 = tpu.memref_slice %arg9[%dma_wait3A, %dma_wait3A_57] : memref<4096x8xf32, #tpu.memory_space<vmem>> -> memref<256x8xf32, #tpu.memory_space<vmem>>
        %dma_wait3A_59 = arith.constant 0 : i32
        %dma_wait3A_60 = tpu.memref_slice %arg10[%run_scoped3A_28, %dma_wait3A_59] : memref<16x256xi32, #tpu.memory_space<vmem>> -> memref<1x256xi32, #tpu.memory_space<vmem>>
        %dma_wait3A_61 = tpu.memref_squeeze %dma_wait3A_60 : memref<1x256xi32, #tpu.memory_space<vmem>> -> memref<256xi32, #tpu.memory_space<vmem>>
        %dma_wait3A_62 = arith.constant 0 : i32
        %dma_wait3A_63 = arith.constant 0 : i32
        %dma_wait3A_64 = tpu.memref_slice %arg8[%dma_wait3A_62, %dma_wait3A_63] : memref<131080x8xf32, #tpu.memory_space<vmem_shared>> -> memref<131080x8xf32, #tpu.memory_space<vmem_shared>>
        tpu.wait_indirect_dma semaphore(%run_scoped3A_48 : memref<!tpu.dma_semaphore, #tpu.memory_space<semaphore_mem>>) src(%dma_wait3A_58 : memref<256x8xf32, #tpu.memory_space<vmem>>) dst(%dma_wait3A_64 : memref<131080x8xf32, #tpu.memory_space<vmem_shared>>)
        tpu.yield
      }) : () -> ()
      %run_scoped3A_29 = arith.constant 1 : i32
      "tpu.region"() ({
        %run_scoped3A_48 = tpu.sem_alloc : memref<!tpu.dma_semaphore, #tpu.memory_space<semaphore_mem>>
        %dma_start3A = arith.constant 256 : i32
        %dma_start3A_49 = arith.constant 0 : i32
        %dma_start3A_50 = tpu.memref_slice %arg9[%dma_start3A, %dma_start3A_49] : memref<4096x8xf32, #tpu.memory_space<vmem>> -> memref<256x8xf32, #tpu.memory_space<vmem>>
        %dma_start3A_51 = arith.constant 0 : i32
        %dma_start3A_52 = tpu.memref_slice %arg10[%run_scoped3A_29, %dma_start3A_51] : memref<16x256xi32, #tpu.memory_space<vmem>> -> memref<1x256xi32, #tpu.memory_space<vmem>>
        %dma_start3A_53 = tpu.memref_squeeze %dma_start3A_52 : memref<1x256xi32, #tpu.memory_space<vmem>> -> memref<256xi32, #tpu.memory_space<vmem>>
        %dma_start3A_54 = arith.constant 0 : i32
        %dma_start3A_55 = arith.constant 0 : i32
        %dma_start3A_56 = tpu.memref_slice %arg8[%dma_start3A_54, %dma_start3A_55] : memref<131080x8xf32, #tpu.memory_space<vmem_shared>> -> memref<131080x8xf32, #tpu.memory_space<vmem_shared>>
        tpu.enqueue_indirect_dma source(%dma_start3A_50 : memref<256x8xf32, #tpu.memory_space<vmem>>) target(%dma_start3A_56 : memref<131080x8xf32, #tpu.memory_space<vmem_shared>>) offsets(%dma_start3A_53 : memref<256xi32, #tpu.memory_space<vmem>>) semaphore(%run_scoped3A_48 : memref<!tpu.dma_semaphore, #tpu.memory_space<semaphore_mem>>) {add = true}
        %dma_wait3A = arith.constant 256 : i32
        %dma_wait3A_57 = arith.constant 0 : i32
        %dma_wait3A_58 = tpu.memref_slice %arg9[%dma_wait3A, %dma_wait3A_57] : memref<4096x8xf32, #tpu.memory_space<vmem>> -> memref<256x8xf32, #tpu.memory_space<vmem>>
        %dma_wait3A_59 = arith.constant 0 : i32
        %dma_wait3A_60 = tpu.memref_slice %arg10[%run_scoped3A_29, %dma_wait3A_59] : memref<16x256xi32, #tpu.memory_space<vmem>> -> memref<1x256xi32, #tpu.memory_space<vmem>>
        %dma_wait3A_61 = tpu.memref_squeeze %dma_wait3A_60 : memref<1x256xi32, #tpu.memory_space<vmem>> -> memref<256xi32, #tpu.memory_space<vmem>>
        %dma_wait3A_62 = arith.constant 0 : i32
        %dma_wait3A_63 = arith.constant 0 : i32
        %dma_wait3A_64 = tpu.memref_slice %arg8[%dma_wait3A_62, %dma_wait3A_63] : memref<131080x8xf32, #tpu.memory_space<vmem_shared>> -> memref<131080x8xf32, #tpu.memory_space<vmem_shared>>
        tpu.wait_indirect_dma semaphore(%run_scoped3A_48 : memref<!tpu.dma_semaphore, #tpu.memory_space<semaphore_mem>>) src(%dma_wait3A_58 : memref<256x8xf32, #tpu.memory_space<vmem>>) dst(%dma_wait3A_64 : memref<131080x8xf32, #tpu.memory_space<vmem_shared>>)
        tpu.yield
      }) : () -> ()
      %run_scoped3A_30 = arith.constant 2 : i32
      "tpu.region"() ({
        %run_scoped3A_48 = tpu.sem_alloc : memref<!tpu.dma_semaphore, #tpu.memory_space<semaphore_mem>>
        %dma_start3A = arith.constant 512 : i32
        %dma_start3A_49 = arith.constant 0 : i32
        %dma_start3A_50 = tpu.memref_slice %arg9[%dma_start3A, %dma_start3A_49] : memref<4096x8xf32, #tpu.memory_space<vmem>> -> memref<256x8xf32, #tpu.memory_space<vmem>>
        %dma_start3A_51 = arith.constant 0 : i32
        %dma_start3A_52 = tpu.memref_slice %arg10[%run_scoped3A_30, %dma_start3A_51] : memref<16x256xi32, #tpu.memory_space<vmem>> -> memref<1x256xi32, #tpu.memory_space<vmem>>
        %dma_start3A_53 = tpu.memref_squeeze %dma_start3A_52 : memref<1x256xi32, #tpu.memory_space<vmem>> -> memref<256xi32, #tpu.memory_space<vmem>>
        %dma_start3A_54 = arith.constant 0 : i32
        %dma_start3A_55 = arith.constant 0 : i32
        %dma_start3A_56 = tpu.memref_slice %arg8[%dma_start3A_54, %dma_start3A_55] : memref<131080x8xf32, #tpu.memory_space<vmem_shared>> -> memref<131080x8xf32, #tpu.memory_space<vmem_shared>>
        tpu.enqueue_indirect_dma source(%dma_start3A_50 : memref<256x8xf32, #tpu.memory_space<vmem>>) target(%dma_start3A_56 : memref<131080x8xf32, #tpu.memory_space<vmem_shared>>) offsets(%dma_start3A_53 : memref<256xi32, #tpu.memory_space<vmem>>) semaphore(%run_scoped3A_48 : memref<!tpu.dma_semaphore, #tpu.memory_space<semaphore_mem>>) {add = true}
        %dma_wait3A = arith.constant 512 : i32
        %dma_wait3A_57 = arith.constant 0 : i32
        %dma_wait3A_58 = tpu.memref_slice %arg9[%dma_wait3A, %dma_wait3A_57] : memref<4096x8xf32, #tpu.memory_space<vmem>> -> memref<256x8xf32, #tpu.memory_space<vmem>>
        %dma_wait3A_59 = arith.constant 0 : i32
        %dma_wait3A_60 = tpu.memref_slice %arg10[%run_scoped3A_30, %dma_wait3A_59] : memref<16x256xi32, #tpu.memory_space<vmem>> -> memref<1x256xi32, #tpu.memory_space<vmem>>
        %dma_wait3A_61 = tpu.memref_squeeze %dma_wait3A_60 : memref<1x256xi32, #tpu.memory_space<vmem>> -> memref<256xi32, #tpu.memory_space<vmem>>
        %dma_wait3A_62 = arith.constant 0 : i32
        %dma_wait3A_63 = arith.constant 0 : i32
        %dma_wait3A_64 = tpu.memref_slice %arg8[%dma_wait3A_62, %dma_wait3A_63] : memref<131080x8xf32, #tpu.memory_space<vmem_shared>> -> memref<131080x8xf32, #tpu.memory_space<vmem_shared>>
        tpu.wait_indirect_dma semaphore(%run_scoped3A_48 : memref<!tpu.dma_semaphore, #tpu.memory_space<semaphore_mem>>) src(%dma_wait3A_58 : memref<256x8xf32, #tpu.memory_space<vmem>>) dst(%dma_wait3A_64 : memref<131080x8xf32, #tpu.memory_space<vmem_shared>>)
        tpu.yield
      }) : () -> ()
      %run_scoped3A_31 = arith.constant 3 : i32
      "tpu.region"() ({
        %run_scoped3A_48 = tpu.sem_alloc : memref<!tpu.dma_semaphore, #tpu.memory_space<semaphore_mem>>
        %dma_start3A = arith.constant 768 : i32
        %dma_start3A_49 = arith.constant 0 : i32
        %dma_start3A_50 = tpu.memref_slice %arg9[%dma_start3A, %dma_start3A_49] : memref<4096x8xf32, #tpu.memory_space<vmem>> -> memref<256x8xf32, #tpu.memory_space<vmem>>
        %dma_start3A_51 = arith.constant 0 : i32
        %dma_start3A_52 = tpu.memref_slice %arg10[%run_scoped3A_31, %dma_start3A_51] : memref<16x256xi32, #tpu.memory_space<vmem>> -> memref<1x256xi32, #tpu.memory_space<vmem>>
        %dma_start3A_53 = tpu.memref_squeeze %dma_start3A_52 : memref<1x256xi32, #tpu.memory_space<vmem>> -> memref<256xi32, #tpu.memory_space<vmem>>
        %dma_start3A_54 = arith.constant 0 : i32
        %dma_start3A_55 = arith.constant 0 : i32
        %dma_start3A_56 = tpu.memref_slice %arg8[%dma_start3A_54, %dma_start3A_55] : memref<131080x8xf32, #tpu.memory_space<vmem_shared>> -> memref<131080x8xf32, #tpu.memory_space<vmem_shared>>
        tpu.enqueue_indirect_dma source(%dma_start3A_50 : memref<256x8xf32, #tpu.memory_space<vmem>>) target(%dma_start3A_56 : memref<131080x8xf32, #tpu.memory_space<vmem_shared>>) offsets(%dma_start3A_53 : memref<256xi32, #tpu.memory_space<vmem>>) semaphore(%run_scoped3A_48 : memref<!tpu.dma_semaphore, #tpu.memory_space<semaphore_mem>>) {add = true}
        %dma_wait3A = arith.constant 768 : i32
        %dma_wait3A_57 = arith.constant 0 : i32
        %dma_wait3A_58 = tpu.memref_slice %arg9[%dma_wait3A, %dma_wait3A_57] : memref<4096x8xf32, #tpu.memory_space<vmem>> -> memref<256x8xf32, #tpu.memory_space<vmem>>
        %dma_wait3A_59 = arith.constant 0 : i32
        %dma_wait3A_60 = tpu.memref_slice %arg10[%run_scoped3A_31, %dma_wait3A_59] : memref<16x256xi32, #tpu.memory_space<vmem>> -> memref<1x256xi32, #tpu.memory_space<vmem>>
        %dma_wait3A_61 = tpu.memref_squeeze %dma_wait3A_60 : memref<1x256xi32, #tpu.memory_space<vmem>> -> memref<256xi32, #tpu.memory_space<vmem>>
        %dma_wait3A_62 = arith.constant 0 : i32
        %dma_wait3A_63 = arith.constant 0 : i32
        %dma_wait3A_64 = tpu.memref_slice %arg8[%dma_wait3A_62, %dma_wait3A_63] : memref<131080x8xf32, #tpu.memory_space<vmem_shared>> -> memref<131080x8xf32, #tpu.memory_space<vmem_shared>>
        tpu.wait_indirect_dma semaphore(%run_scoped3A_48 : memref<!tpu.dma_semaphore, #tpu.memory_space<semaphore_mem>>) src(%dma_wait3A_58 : memref<256x8xf32, #tpu.memory_space<vmem>>) dst(%dma_wait3A_64 : memref<131080x8xf32, #tpu.memory_space<vmem_shared>>)
        tpu.yield
      }) : () -> ()
      %run_scoped3A_32 = arith.constant 4 : i32
      "tpu.region"() ({
        %run_scoped3A_48 = tpu.sem_alloc : memref<!tpu.dma_semaphore, #tpu.memory_space<semaphore_mem>>
        %dma_start3A = arith.constant 1024 : i32
        %dma_start3A_49 = arith.constant 0 : i32
        %dma_start3A_50 = tpu.memref_slice %arg9[%dma_start3A, %dma_start3A_49] : memref<4096x8xf32, #tpu.memory_space<vmem>> -> memref<256x8xf32, #tpu.memory_space<vmem>>
        %dma_start3A_51 = arith.constant 0 : i32
        %dma_start3A_52 = tpu.memref_slice %arg10[%run_scoped3A_32, %dma_start3A_51] : memref<16x256xi32, #tpu.memory_space<vmem>> -> memref<1x256xi32, #tpu.memory_space<vmem>>
        %dma_start3A_53 = tpu.memref_squeeze %dma_start3A_52 : memref<1x256xi32, #tpu.memory_space<vmem>> -> memref<256xi32, #tpu.memory_space<vmem>>
        %dma_start3A_54 = arith.constant 0 : i32
        %dma_start3A_55 = arith.constant 0 : i32
        %dma_start3A_56 = tpu.memref_slice %arg8[%dma_start3A_54, %dma_start3A_55] : memref<131080x8xf32, #tpu.memory_space<vmem_shared>> -> memref<131080x8xf32, #tpu.memory_space<vmem_shared>>
        tpu.enqueue_indirect_dma source(%dma_start3A_50 : memref<256x8xf32, #tpu.memory_space<vmem>>) target(%dma_start3A_56 : memref<131080x8xf32, #tpu.memory_space<vmem_shared>>) offsets(%dma_start3A_53 : memref<256xi32, #tpu.memory_space<vmem>>) semaphore(%run_scoped3A_48 : memref<!tpu.dma_semaphore, #tpu.memory_space<semaphore_mem>>) {add = true}
        %dma_wait3A = arith.constant 1024 : i32
        %dma_wait3A_57 = arith.constant 0 : i32
        %dma_wait3A_58 = tpu.memref_slice %arg9[%dma_wait3A, %dma_wait3A_57] : memref<4096x8xf32, #tpu.memory_space<vmem>> -> memref<256x8xf32, #tpu.memory_space<vmem>>
        %dma_wait3A_59 = arith.constant 0 : i32
        %dma_wait3A_60 = tpu.memref_slice %arg10[%run_scoped3A_32, %dma_wait3A_59] : memref<16x256xi32, #tpu.memory_space<vmem>> -> memref<1x256xi32, #tpu.memory_space<vmem>>
        %dma_wait3A_61 = tpu.memref_squeeze %dma_wait3A_60 : memref<1x256xi32, #tpu.memory_space<vmem>> -> memref<256xi32, #tpu.memory_space<vmem>>
        %dma_wait3A_62 = arith.constant 0 : i32
        %dma_wait3A_63 = arith.constant 0 : i32
        %dma_wait3A_64 = tpu.memref_slice %arg8[%dma_wait3A_62, %dma_wait3A_63] : memref<131080x8xf32, #tpu.memory_space<vmem_shared>> -> memref<131080x8xf32, #tpu.memory_space<vmem_shared>>
        tpu.wait_indirect_dma semaphore(%run_scoped3A_48 : memref<!tpu.dma_semaphore, #tpu.memory_space<semaphore_mem>>) src(%dma_wait3A_58 : memref<256x8xf32, #tpu.memory_space<vmem>>) dst(%dma_wait3A_64 : memref<131080x8xf32, #tpu.memory_space<vmem_shared>>)
        tpu.yield
      }) : () -> ()
      %run_scoped3A_33 = arith.constant 5 : i32
      "tpu.region"() ({
        %run_scoped3A_48 = tpu.sem_alloc : memref<!tpu.dma_semaphore, #tpu.memory_space<semaphore_mem>>
        %dma_start3A = arith.constant 1280 : i32
        %dma_start3A_49 = arith.constant 0 : i32
        %dma_start3A_50 = tpu.memref_slice %arg9[%dma_start3A, %dma_start3A_49] : memref<4096x8xf32, #tpu.memory_space<vmem>> -> memref<256x8xf32, #tpu.memory_space<vmem>>
        %dma_start3A_51 = arith.constant 0 : i32
        %dma_start3A_52 = tpu.memref_slice %arg10[%run_scoped3A_33, %dma_start3A_51] : memref<16x256xi32, #tpu.memory_space<vmem>> -> memref<1x256xi32, #tpu.memory_space<vmem>>
        %dma_start3A_53 = tpu.memref_squeeze %dma_start3A_52 : memref<1x256xi32, #tpu.memory_space<vmem>> -> memref<256xi32, #tpu.memory_space<vmem>>
        %dma_start3A_54 = arith.constant 0 : i32
        %dma_start3A_55 = arith.constant 0 : i32
        %dma_start3A_56 = tpu.memref_slice %arg8[%dma_start3A_54, %dma_start3A_55] : memref<131080x8xf32, #tpu.memory_space<vmem_shared>> -> memref<131080x8xf32, #tpu.memory_space<vmem_shared>>
        tpu.enqueue_indirect_dma source(%dma_start3A_50 : memref<256x8xf32, #tpu.memory_space<vmem>>) target(%dma_start3A_56 : memref<131080x8xf32, #tpu.memory_space<vmem_shared>>) offsets(%dma_start3A_53 : memref<256xi32, #tpu.memory_space<vmem>>) semaphore(%run_scoped3A_48 : memref<!tpu.dma_semaphore, #tpu.memory_space<semaphore_mem>>) {add = true}
        %dma_wait3A = arith.constant 1280 : i32
        %dma_wait3A_57 = arith.constant 0 : i32
        %dma_wait3A_58 = tpu.memref_slice %arg9[%dma_wait3A, %dma_wait3A_57] : memref<4096x8xf32, #tpu.memory_space<vmem>> -> memref<256x8xf32, #tpu.memory_space<vmem>>
        %dma_wait3A_59 = arith.constant 0 : i32
        %dma_wait3A_60 = tpu.memref_slice %arg10[%run_scoped3A_33, %dma_wait3A_59] : memref<16x256xi32, #tpu.memory_space<vmem>> -> memref<1x256xi32, #tpu.memory_space<vmem>>
        %dma_wait3A_61 = tpu.memref_squeeze %dma_wait3A_60 : memref<1x256xi32, #tpu.memory_space<vmem>> -> memref<256xi32, #tpu.memory_space<vmem>>
        %dma_wait3A_62 = arith.constant 0 : i32
        %dma_wait3A_63 = arith.constant 0 : i32
        %dma_wait3A_64 = tpu.memref_slice %arg8[%dma_wait3A_62, %dma_wait3A_63] : memref<131080x8xf32, #tpu.memory_space<vmem_shared>> -> memref<131080x8xf32, #tpu.memory_space<vmem_shared>>
        tpu.wait_indirect_dma semaphore(%run_scoped3A_48 : memref<!tpu.dma_semaphore, #tpu.memory_space<semaphore_mem>>) src(%dma_wait3A_58 : memref<256x8xf32, #tpu.memory_space<vmem>>) dst(%dma_wait3A_64 : memref<131080x8xf32, #tpu.memory_space<vmem_shared>>)
        tpu.yield
      }) : () -> ()
      %run_scoped3A_34 = arith.constant 6 : i32
      "tpu.region"() ({
        %run_scoped3A_48 = tpu.sem_alloc : memref<!tpu.dma_semaphore, #tpu.memory_space<semaphore_mem>>
        %dma_start3A = arith.constant 1536 : i32
        %dma_start3A_49 = arith.constant 0 : i32
        %dma_start3A_50 = tpu.memref_slice %arg9[%dma_start3A, %dma_start3A_49] : memref<4096x8xf32, #tpu.memory_space<vmem>> -> memref<256x8xf32, #tpu.memory_space<vmem>>
        %dma_start3A_51 = arith.constant 0 : i32
        %dma_start3A_52 = tpu.memref_slice %arg10[%run_scoped3A_34, %dma_start3A_51] : memref<16x256xi32, #tpu.memory_space<vmem>> -> memref<1x256xi32, #tpu.memory_space<vmem>>
        %dma_start3A_53 = tpu.memref_squeeze %dma_start3A_52 : memref<1x256xi32, #tpu.memory_space<vmem>> -> memref<256xi32, #tpu.memory_space<vmem>>
        %dma_start3A_54 = arith.constant 0 : i32
        %dma_start3A_55 = arith.constant 0 : i32
        %dma_start3A_56 = tpu.memref_slice %arg8[%dma_start3A_54, %dma_start3A_55] : memref<131080x8xf32, #tpu.memory_space<vmem_shared>> -> memref<131080x8xf32, #tpu.memory_space<vmem_shared>>
        tpu.enqueue_indirect_dma source(%dma_start3A_50 : memref<256x8xf32, #tpu.memory_space<vmem>>) target(%dma_start3A_56 : memref<131080x8xf32, #tpu.memory_space<vmem_shared>>) offsets(%dma_start3A_53 : memref<256xi32, #tpu.memory_space<vmem>>) semaphore(%run_scoped3A_48 : memref<!tpu.dma_semaphore, #tpu.memory_space<semaphore_mem>>) {add = true}
        %dma_wait3A = arith.constant 1536 : i32
        %dma_wait3A_57 = arith.constant 0 : i32
        %dma_wait3A_58 = tpu.memref_slice %arg9[%dma_wait3A, %dma_wait3A_57] : memref<4096x8xf32, #tpu.memory_space<vmem>> -> memref<256x8xf32, #tpu.memory_space<vmem>>
        %dma_wait3A_59 = arith.constant 0 : i32
        %dma_wait3A_60 = tpu.memref_slice %arg10[%run_scoped3A_34, %dma_wait3A_59] : memref<16x256xi32, #tpu.memory_space<vmem>> -> memref<1x256xi32, #tpu.memory_space<vmem>>
        %dma_wait3A_61 = tpu.memref_squeeze %dma_wait3A_60 : memref<1x256xi32, #tpu.memory_space<vmem>> -> memref<256xi32, #tpu.memory_space<vmem>>
        %dma_wait3A_62 = arith.constant 0 : i32
        %dma_wait3A_63 = arith.constant 0 : i32
        %dma_wait3A_64 = tpu.memref_slice %arg8[%dma_wait3A_62, %dma_wait3A_63] : memref<131080x8xf32, #tpu.memory_space<vmem_shared>> -> memref<131080x8xf32, #tpu.memory_space<vmem_shared>>
        tpu.wait_indirect_dma semaphore(%run_scoped3A_48 : memref<!tpu.dma_semaphore, #tpu.memory_space<semaphore_mem>>) src(%dma_wait3A_58 : memref<256x8xf32, #tpu.memory_space<vmem>>) dst(%dma_wait3A_64 : memref<131080x8xf32, #tpu.memory_space<vmem_shared>>)
        tpu.yield
      }) : () -> ()
      %run_scoped3A_35 = arith.constant 7 : i32
      "tpu.region"() ({
        %run_scoped3A_48 = tpu.sem_alloc : memref<!tpu.dma_semaphore, #tpu.memory_space<semaphore_mem>>
        %dma_start3A = arith.constant 1792 : i32
        %dma_start3A_49 = arith.constant 0 : i32
        %dma_start3A_50 = tpu.memref_slice %arg9[%dma_start3A, %dma_start3A_49] : memref<4096x8xf32, #tpu.memory_space<vmem>> -> memref<256x8xf32, #tpu.memory_space<vmem>>
        %dma_start3A_51 = arith.constant 0 : i32
        %dma_start3A_52 = tpu.memref_slice %arg10[%run_scoped3A_35, %dma_start3A_51] : memref<16x256xi32, #tpu.memory_space<vmem>> -> memref<1x256xi32, #tpu.memory_space<vmem>>
        %dma_start3A_53 = tpu.memref_squeeze %dma_start3A_52 : memref<1x256xi32, #tpu.memory_space<vmem>> -> memref<256xi32, #tpu.memory_space<vmem>>
        %dma_start3A_54 = arith.constant 0 : i32
        %dma_start3A_55 = arith.constant 0 : i32
        %dma_start3A_56 = tpu.memref_slice %arg8[%dma_start3A_54, %dma_start3A_55] : memref<131080x8xf32, #tpu.memory_space<vmem_shared>> -> memref<131080x8xf32, #tpu.memory_space<vmem_shared>>
        tpu.enqueue_indirect_dma source(%dma_start3A_50 : memref<256x8xf32, #tpu.memory_space<vmem>>) target(%dma_start3A_56 : memref<131080x8xf32, #tpu.memory_space<vmem_shared>>) offsets(%dma_start3A_53 : memref<256xi32, #tpu.memory_space<vmem>>) semaphore(%run_scoped3A_48 : memref<!tpu.dma_semaphore, #tpu.memory_space<semaphore_mem>>) {add = true}
        %dma_wait3A = arith.constant 1792 : i32
        %dma_wait3A_57 = arith.constant 0 : i32
        %dma_wait3A_58 = tpu.memref_slice %arg9[%dma_wait3A, %dma_wait3A_57] : memref<4096x8xf32, #tpu.memory_space<vmem>> -> memref<256x8xf32, #tpu.memory_space<vmem>>
        %dma_wait3A_59 = arith.constant 0 : i32
        %dma_wait3A_60 = tpu.memref_slice %arg10[%run_scoped3A_35, %dma_wait3A_59] : memref<16x256xi32, #tpu.memory_space<vmem>> -> memref<1x256xi32, #tpu.memory_space<vmem>>
        %dma_wait3A_61 = tpu.memref_squeeze %dma_wait3A_60 : memref<1x256xi32, #tpu.memory_space<vmem>> -> memref<256xi32, #tpu.memory_space<vmem>>
        %dma_wait3A_62 = arith.constant 0 : i32
        %dma_wait3A_63 = arith.constant 0 : i32
        %dma_wait3A_64 = tpu.memref_slice %arg8[%dma_wait3A_62, %dma_wait3A_63] : memref<131080x8xf32, #tpu.memory_space<vmem_shared>> -> memref<131080x8xf32, #tpu.memory_space<vmem_shared>>
        tpu.wait_indirect_dma semaphore(%run_scoped3A_48 : memref<!tpu.dma_semaphore, #tpu.memory_space<semaphore_mem>>) src(%dma_wait3A_58 : memref<256x8xf32, #tpu.memory_space<vmem>>) dst(%dma_wait3A_64 : memref<131080x8xf32, #tpu.memory_space<vmem_shared>>)
        tpu.yield
      }) : () -> ()
      %run_scoped3A_36 = arith.constant 8 : i32
      "tpu.region"() ({
        %run_scoped3A_48 = tpu.sem_alloc : memref<!tpu.dma_semaphore, #tpu.memory_space<semaphore_mem>>
        %dma_start3A = arith.constant 2048 : i32
        %dma_start3A_49 = arith.constant 0 : i32
        %dma_start3A_50 = tpu.memref_slice %arg9[%dma_start3A, %dma_start3A_49] : memref<4096x8xf32, #tpu.memory_space<vmem>> -> memref<256x8xf32, #tpu.memory_space<vmem>>
        %dma_start3A_51 = arith.constant 0 : i32
        %dma_start3A_52 = tpu.memref_slice %arg10[%run_scoped3A_36, %dma_start3A_51] : memref<16x256xi32, #tpu.memory_space<vmem>> -> memref<1x256xi32, #tpu.memory_space<vmem>>
        %dma_start3A_53 = tpu.memref_squeeze %dma_start3A_52 : memref<1x256xi32, #tpu.memory_space<vmem>> -> memref<256xi32, #tpu.memory_space<vmem>>
        %dma_start3A_54 = arith.constant 0 : i32
        %dma_start3A_55 = arith.constant 0 : i32
        %dma_start3A_56 = tpu.memref_slice %arg8[%dma_start3A_54, %dma_start3A_55] : memref<131080x8xf32, #tpu.memory_space<vmem_shared>> -> memref<131080x8xf32, #tpu.memory_space<vmem_shared>>
        tpu.enqueue_indirect_dma source(%dma_start3A_50 : memref<256x8xf32, #tpu.memory_space<vmem>>) target(%dma_start3A_56 : memref<131080x8xf32, #tpu.memory_space<vmem_shared>>) offsets(%dma_start3A_53 : memref<256xi32, #tpu.memory_space<vmem>>) semaphore(%run_scoped3A_48 : memref<!tpu.dma_semaphore, #tpu.memory_space<semaphore_mem>>) {add = true}
        %dma_wait3A = arith.constant 2048 : i32
        %dma_wait3A_57 = arith.constant 0 : i32
        %dma_wait3A_58 = tpu.memref_slice %arg9[%dma_wait3A, %dma_wait3A_57] : memref<4096x8xf32, #tpu.memory_space<vmem>> -> memref<256x8xf32, #tpu.memory_space<vmem>>
        %dma_wait3A_59 = arith.constant 0 : i32
        %dma_wait3A_60 = tpu.memref_slice %arg10[%run_scoped3A_36, %dma_wait3A_59] : memref<16x256xi32, #tpu.memory_space<vmem>> -> memref<1x256xi32, #tpu.memory_space<vmem>>
        %dma_wait3A_61 = tpu.memref_squeeze %dma_wait3A_60 : memref<1x256xi32, #tpu.memory_space<vmem>> -> memref<256xi32, #tpu.memory_space<vmem>>
        %dma_wait3A_62 = arith.constant 0 : i32
        %dma_wait3A_63 = arith.constant 0 : i32
        %dma_wait3A_64 = tpu.memref_slice %arg8[%dma_wait3A_62, %dma_wait3A_63] : memref<131080x8xf32, #tpu.memory_space<vmem_shared>> -> memref<131080x8xf32, #tpu.memory_space<vmem_shared>>
        tpu.wait_indirect_dma semaphore(%run_scoped3A_48 : memref<!tpu.dma_semaphore, #tpu.memory_space<semaphore_mem>>) src(%dma_wait3A_58 : memref<256x8xf32, #tpu.memory_space<vmem>>) dst(%dma_wait3A_64 : memref<131080x8xf32, #tpu.memory_space<vmem_shared>>)
        tpu.yield
      }) : () -> ()
      %run_scoped3A_37 = arith.constant 9 : i32
      "tpu.region"() ({
        %run_scoped3A_48 = tpu.sem_alloc : memref<!tpu.dma_semaphore, #tpu.memory_space<semaphore_mem>>
        %dma_start3A = arith.constant 2304 : i32
        %dma_start3A_49 = arith.constant 0 : i32
        %dma_start3A_50 = tpu.memref_slice %arg9[%dma_start3A, %dma_start3A_49] : memref<4096x8xf32, #tpu.memory_space<vmem>> -> memref<256x8xf32, #tpu.memory_space<vmem>>
        %dma_start3A_51 = arith.constant 0 : i32
        %dma_start3A_52 = tpu.memref_slice %arg10[%run_scoped3A_37, %dma_start3A_51] : memref<16x256xi32, #tpu.memory_space<vmem>> -> memref<1x256xi32, #tpu.memory_space<vmem>>
        %dma_start3A_53 = tpu.memref_squeeze %dma_start3A_52 : memref<1x256xi32, #tpu.memory_space<vmem>> -> memref<256xi32, #tpu.memory_space<vmem>>
        %dma_start3A_54 = arith.constant 0 : i32
        %dma_start3A_55 = arith.constant 0 : i32
        %dma_start3A_56 = tpu.memref_slice %arg8[%dma_start3A_54, %dma_start3A_55] : memref<131080x8xf32, #tpu.memory_space<vmem_shared>> -> memref<131080x8xf32, #tpu.memory_space<vmem_shared>>
        tpu.enqueue_indirect_dma source(%dma_start3A_50 : memref<256x8xf32, #tpu.memory_space<vmem>>) target(%dma_start3A_56 : memref<131080x8xf32, #tpu.memory_space<vmem_shared>>) offsets(%dma_start3A_53 : memref<256xi32, #tpu.memory_space<vmem>>) semaphore(%run_scoped3A_48 : memref<!tpu.dma_semaphore, #tpu.memory_space<semaphore_mem>>) {add = true}
        %dma_wait3A = arith.constant 2304 : i32
        %dma_wait3A_57 = arith.constant 0 : i32
        %dma_wait3A_58 = tpu.memref_slice %arg9[%dma_wait3A, %dma_wait3A_57] : memref<4096x8xf32, #tpu.memory_space<vmem>> -> memref<256x8xf32, #tpu.memory_space<vmem>>
        %dma_wait3A_59 = arith.constant 0 : i32
        %dma_wait3A_60 = tpu.memref_slice %arg10[%run_scoped3A_37, %dma_wait3A_59] : memref<16x256xi32, #tpu.memory_space<vmem>> -> memref<1x256xi32, #tpu.memory_space<vmem>>
        %dma_wait3A_61 = tpu.memref_squeeze %dma_wait3A_60 : memref<1x256xi32, #tpu.memory_space<vmem>> -> memref<256xi32, #tpu.memory_space<vmem>>
        %dma_wait3A_62 = arith.constant 0 : i32
        %dma_wait3A_63 = arith.constant 0 : i32
        %dma_wait3A_64 = tpu.memref_slice %arg8[%dma_wait3A_62, %dma_wait3A_63] : memref<131080x8xf32, #tpu.memory_space<vmem_shared>> -> memref<131080x8xf32, #tpu.memory_space<vmem_shared>>
        tpu.wait_indirect_dma semaphore(%run_scoped3A_48 : memref<!tpu.dma_semaphore, #tpu.memory_space<semaphore_mem>>) src(%dma_wait3A_58 : memref<256x8xf32, #tpu.memory_space<vmem>>) dst(%dma_wait3A_64 : memref<131080x8xf32, #tpu.memory_space<vmem_shared>>)
        tpu.yield
      }) : () -> ()
      %run_scoped3A_38 = arith.constant 10 : i32
      "tpu.region"() ({
        %run_scoped3A_48 = tpu.sem_alloc : memref<!tpu.dma_semaphore, #tpu.memory_space<semaphore_mem>>
        %dma_start3A = arith.constant 2560 : i32
        %dma_start3A_49 = arith.constant 0 : i32
        %dma_start3A_50 = tpu.memref_slice %arg9[%dma_start3A, %dma_start3A_49] : memref<4096x8xf32, #tpu.memory_space<vmem>> -> memref<256x8xf32, #tpu.memory_space<vmem>>
        %dma_start3A_51 = arith.constant 0 : i32
        %dma_start3A_52 = tpu.memref_slice %arg10[%run_scoped3A_38, %dma_start3A_51] : memref<16x256xi32, #tpu.memory_space<vmem>> -> memref<1x256xi32, #tpu.memory_space<vmem>>
        %dma_start3A_53 = tpu.memref_squeeze %dma_start3A_52 : memref<1x256xi32, #tpu.memory_space<vmem>> -> memref<256xi32, #tpu.memory_space<vmem>>
        %dma_start3A_54 = arith.constant 0 : i32
        %dma_start3A_55 = arith.constant 0 : i32
        %dma_start3A_56 = tpu.memref_slice %arg8[%dma_start3A_54, %dma_start3A_55] : memref<131080x8xf32, #tpu.memory_space<vmem_shared>> -> memref<131080x8xf32, #tpu.memory_space<vmem_shared>>
        tpu.enqueue_indirect_dma source(%dma_start3A_50 : memref<256x8xf32, #tpu.memory_space<vmem>>) target(%dma_start3A_56 : memref<131080x8xf32, #tpu.memory_space<vmem_shared>>) offsets(%dma_start3A_53 : memref<256xi32, #tpu.memory_space<vmem>>) semaphore(%run_scoped3A_48 : memref<!tpu.dma_semaphore, #tpu.memory_space<semaphore_mem>>) {add = true}
        %dma_wait3A = arith.constant 2560 : i32
        %dma_wait3A_57 = arith.constant 0 : i32
        %dma_wait3A_58 = tpu.memref_slice %arg9[%dma_wait3A, %dma_wait3A_57] : memref<4096x8xf32, #tpu.memory_space<vmem>> -> memref<256x8xf32, #tpu.memory_space<vmem>>
        %dma_wait3A_59 = arith.constant 0 : i32
        %dma_wait3A_60 = tpu.memref_slice %arg10[%run_scoped3A_38, %dma_wait3A_59] : memref<16x256xi32, #tpu.memory_space<vmem>> -> memref<1x256xi32, #tpu.memory_space<vmem>>
        %dma_wait3A_61 = tpu.memref_squeeze %dma_wait3A_60 : memref<1x256xi32, #tpu.memory_space<vmem>> -> memref<256xi32, #tpu.memory_space<vmem>>
        %dma_wait3A_62 = arith.constant 0 : i32
        %dma_wait3A_63 = arith.constant 0 : i32
        %dma_wait3A_64 = tpu.memref_slice %arg8[%dma_wait3A_62, %dma_wait3A_63] : memref<131080x8xf32, #tpu.memory_space<vmem_shared>> -> memref<131080x8xf32, #tpu.memory_space<vmem_shared>>
        tpu.wait_indirect_dma semaphore(%run_scoped3A_48 : memref<!tpu.dma_semaphore, #tpu.memory_space<semaphore_mem>>) src(%dma_wait3A_58 : memref<256x8xf32, #tpu.memory_space<vmem>>) dst(%dma_wait3A_64 : memref<131080x8xf32, #tpu.memory_space<vmem_shared>>)
        tpu.yield
      }) : () -> ()
      %run_scoped3A_39 = arith.constant 11 : i32
      "tpu.region"() ({
        %run_scoped3A_48 = tpu.sem_alloc : memref<!tpu.dma_semaphore, #tpu.memory_space<semaphore_mem>>
        %dma_start3A = arith.constant 2816 : i32
        %dma_start3A_49 = arith.constant 0 : i32
        %dma_start3A_50 = tpu.memref_slice %arg9[%dma_start3A, %dma_start3A_49] : memref<4096x8xf32, #tpu.memory_space<vmem>> -> memref<256x8xf32, #tpu.memory_space<vmem>>
        %dma_start3A_51 = arith.constant 0 : i32
        %dma_start3A_52 = tpu.memref_slice %arg10[%run_scoped3A_39, %dma_start3A_51] : memref<16x256xi32, #tpu.memory_space<vmem>> -> memref<1x256xi32, #tpu.memory_space<vmem>>
        %dma_start3A_53 = tpu.memref_squeeze %dma_start3A_52 : memref<1x256xi32, #tpu.memory_space<vmem>> -> memref<256xi32, #tpu.memory_space<vmem>>
        %dma_start3A_54 = arith.constant 0 : i32
        %dma_start3A_55 = arith.constant 0 : i32
        %dma_start3A_56 = tpu.memref_slice %arg8[%dma_start3A_54, %dma_start3A_55] : memref<131080x8xf32, #tpu.memory_space<vmem_shared>> -> memref<131080x8xf32, #tpu.memory_space<vmem_shared>>
        tpu.enqueue_indirect_dma source(%dma_start3A_50 : memref<256x8xf32, #tpu.memory_space<vmem>>) target(%dma_start3A_56 : memref<131080x8xf32, #tpu.memory_space<vmem_shared>>) offsets(%dma_start3A_53 : memref<256xi32, #tpu.memory_space<vmem>>) semaphore(%run_scoped3A_48 : memref<!tpu.dma_semaphore, #tpu.memory_space<semaphore_mem>>) {add = true}
        %dma_wait3A = arith.constant 2816 : i32
        %dma_wait3A_57 = arith.constant 0 : i32
        %dma_wait3A_58 = tpu.memref_slice %arg9[%dma_wait3A, %dma_wait3A_57] : memref<4096x8xf32, #tpu.memory_space<vmem>> -> memref<256x8xf32, #tpu.memory_space<vmem>>
        %dma_wait3A_59 = arith.constant 0 : i32
        %dma_wait3A_60 = tpu.memref_slice %arg10[%run_scoped3A_39, %dma_wait3A_59] : memref<16x256xi32, #tpu.memory_space<vmem>> -> memref<1x256xi32, #tpu.memory_space<vmem>>
        %dma_wait3A_61 = tpu.memref_squeeze %dma_wait3A_60 : memref<1x256xi32, #tpu.memory_space<vmem>> -> memref<256xi32, #tpu.memory_space<vmem>>
        %dma_wait3A_62 = arith.constant 0 : i32
        %dma_wait3A_63 = arith.constant 0 : i32
        %dma_wait3A_64 = tpu.memref_slice %arg8[%dma_wait3A_62, %dma_wait3A_63] : memref<131080x8xf32, #tpu.memory_space<vmem_shared>> -> memref<131080x8xf32, #tpu.memory_space<vmem_shared>>
        tpu.wait_indirect_dma semaphore(%run_scoped3A_48 : memref<!tpu.dma_semaphore, #tpu.memory_space<semaphore_mem>>) src(%dma_wait3A_58 : memref<256x8xf32, #tpu.memory_space<vmem>>) dst(%dma_wait3A_64 : memref<131080x8xf32, #tpu.memory_space<vmem_shared>>)
        tpu.yield
      }) : () -> ()
      %run_scoped3A_40 = arith.constant 12 : i32
      "tpu.region"() ({
        %run_scoped3A_48 = tpu.sem_alloc : memref<!tpu.dma_semaphore, #tpu.memory_space<semaphore_mem>>
        %dma_start3A = arith.constant 3072 : i32
        %dma_start3A_49 = arith.constant 0 : i32
        %dma_start3A_50 = tpu.memref_slice %arg9[%dma_start3A, %dma_start3A_49] : memref<4096x8xf32, #tpu.memory_space<vmem>> -> memref<256x8xf32, #tpu.memory_space<vmem>>
        %dma_start3A_51 = arith.constant 0 : i32
        %dma_start3A_52 = tpu.memref_slice %arg10[%run_scoped3A_40, %dma_start3A_51] : memref<16x256xi32, #tpu.memory_space<vmem>> -> memref<1x256xi32, #tpu.memory_space<vmem>>
        %dma_start3A_53 = tpu.memref_squeeze %dma_start3A_52 : memref<1x256xi32, #tpu.memory_space<vmem>> -> memref<256xi32, #tpu.memory_space<vmem>>
        %dma_start3A_54 = arith.constant 0 : i32
        %dma_start3A_55 = arith.constant 0 : i32
        %dma_start3A_56 = tpu.memref_slice %arg8[%dma_start3A_54, %dma_start3A_55] : memref<131080x8xf32, #tpu.memory_space<vmem_shared>> -> memref<131080x8xf32, #tpu.memory_space<vmem_shared>>
        tpu.enqueue_indirect_dma source(%dma_start3A_50 : memref<256x8xf32, #tpu.memory_space<vmem>>) target(%dma_start3A_56 : memref<131080x8xf32, #tpu.memory_space<vmem_shared>>) offsets(%dma_start3A_53 : memref<256xi32, #tpu.memory_space<vmem>>) semaphore(%run_scoped3A_48 : memref<!tpu.dma_semaphore, #tpu.memory_space<semaphore_mem>>) {add = true}
        %dma_wait3A = arith.constant 3072 : i32
        %dma_wait3A_57 = arith.constant 0 : i32
        %dma_wait3A_58 = tpu.memref_slice %arg9[%dma_wait3A, %dma_wait3A_57] : memref<4096x8xf32, #tpu.memory_space<vmem>> -> memref<256x8xf32, #tpu.memory_space<vmem>>
        %dma_wait3A_59 = arith.constant 0 : i32
        %dma_wait3A_60 = tpu.memref_slice %arg10[%run_scoped3A_40, %dma_wait3A_59] : memref<16x256xi32, #tpu.memory_space<vmem>> -> memref<1x256xi32, #tpu.memory_space<vmem>>
        %dma_wait3A_61 = tpu.memref_squeeze %dma_wait3A_60 : memref<1x256xi32, #tpu.memory_space<vmem>> -> memref<256xi32, #tpu.memory_space<vmem>>
        %dma_wait3A_62 = arith.constant 0 : i32
        %dma_wait3A_63 = arith.constant 0 : i32
        %dma_wait3A_64 = tpu.memref_slice %arg8[%dma_wait3A_62, %dma_wait3A_63] : memref<131080x8xf32, #tpu.memory_space<vmem_shared>> -> memref<131080x8xf32, #tpu.memory_space<vmem_shared>>
        tpu.wait_indirect_dma semaphore(%run_scoped3A_48 : memref<!tpu.dma_semaphore, #tpu.memory_space<semaphore_mem>>) src(%dma_wait3A_58 : memref<256x8xf32, #tpu.memory_space<vmem>>) dst(%dma_wait3A_64 : memref<131080x8xf32, #tpu.memory_space<vmem_shared>>)
        tpu.yield
      }) : () -> ()
      %run_scoped3A_41 = arith.constant 13 : i32
      "tpu.region"() ({
        %run_scoped3A_48 = tpu.sem_alloc : memref<!tpu.dma_semaphore, #tpu.memory_space<semaphore_mem>>
        %dma_start3A = arith.constant 3328 : i32
        %dma_start3A_49 = arith.constant 0 : i32
        %dma_start3A_50 = tpu.memref_slice %arg9[%dma_start3A, %dma_start3A_49] : memref<4096x8xf32, #tpu.memory_space<vmem>> -> memref<256x8xf32, #tpu.memory_space<vmem>>
        %dma_start3A_51 = arith.constant 0 : i32
        %dma_start3A_52 = tpu.memref_slice %arg10[%run_scoped3A_41, %dma_start3A_51] : memref<16x256xi32, #tpu.memory_space<vmem>> -> memref<1x256xi32, #tpu.memory_space<vmem>>
        %dma_start3A_53 = tpu.memref_squeeze %dma_start3A_52 : memref<1x256xi32, #tpu.memory_space<vmem>> -> memref<256xi32, #tpu.memory_space<vmem>>
        %dma_start3A_54 = arith.constant 0 : i32
        %dma_start3A_55 = arith.constant 0 : i32
        %dma_start3A_56 = tpu.memref_slice %arg8[%dma_start3A_54, %dma_start3A_55] : memref<131080x8xf32, #tpu.memory_space<vmem_shared>> -> memref<131080x8xf32, #tpu.memory_space<vmem_shared>>
        tpu.enqueue_indirect_dma source(%dma_start3A_50 : memref<256x8xf32, #tpu.memory_space<vmem>>) target(%dma_start3A_56 : memref<131080x8xf32, #tpu.memory_space<vmem_shared>>) offsets(%dma_start3A_53 : memref<256xi32, #tpu.memory_space<vmem>>) semaphore(%run_scoped3A_48 : memref<!tpu.dma_semaphore, #tpu.memory_space<semaphore_mem>>) {add = true}
        %dma_wait3A = arith.constant 3328 : i32
        %dma_wait3A_57 = arith.constant 0 : i32
        %dma_wait3A_58 = tpu.memref_slice %arg9[%dma_wait3A, %dma_wait3A_57] : memref<4096x8xf32, #tpu.memory_space<vmem>> -> memref<256x8xf32, #tpu.memory_space<vmem>>
        %dma_wait3A_59 = arith.constant 0 : i32
        %dma_wait3A_60 = tpu.memref_slice %arg10[%run_scoped3A_41, %dma_wait3A_59] : memref<16x256xi32, #tpu.memory_space<vmem>> -> memref<1x256xi32, #tpu.memory_space<vmem>>
        %dma_wait3A_61 = tpu.memref_squeeze %dma_wait3A_60 : memref<1x256xi32, #tpu.memory_space<vmem>> -> memref<256xi32, #tpu.memory_space<vmem>>
        %dma_wait3A_62 = arith.constant 0 : i32
        %dma_wait3A_63 = arith.constant 0 : i32
        %dma_wait3A_64 = tpu.memref_slice %arg8[%dma_wait3A_62, %dma_wait3A_63] : memref<131080x8xf32, #tpu.memory_space<vmem_shared>> -> memref<131080x8xf32, #tpu.memory_space<vmem_shared>>
        tpu.wait_indirect_dma semaphore(%run_scoped3A_48 : memref<!tpu.dma_semaphore, #tpu.memory_space<semaphore_mem>>) src(%dma_wait3A_58 : memref<256x8xf32, #tpu.memory_space<vmem>>) dst(%dma_wait3A_64 : memref<131080x8xf32, #tpu.memory_space<vmem_shared>>)
        tpu.yield
      }) : () -> ()
      %run_scoped3A_42 = arith.constant 14 : i32
      "tpu.region"() ({
        %run_scoped3A_48 = tpu.sem_alloc : memref<!tpu.dma_semaphore, #tpu.memory_space<semaphore_mem>>
        %dma_start3A = arith.constant 3584 : i32
        %dma_start3A_49 = arith.constant 0 : i32
        %dma_start3A_50 = tpu.memref_slice %arg9[%dma_start3A, %dma_start3A_49] : memref<4096x8xf32, #tpu.memory_space<vmem>> -> memref<256x8xf32, #tpu.memory_space<vmem>>
        %dma_start3A_51 = arith.constant 0 : i32
        %dma_start3A_52 = tpu.memref_slice %arg10[%run_scoped3A_42, %dma_start3A_51] : memref<16x256xi32, #tpu.memory_space<vmem>> -> memref<1x256xi32, #tpu.memory_space<vmem>>
        %dma_start3A_53 = tpu.memref_squeeze %dma_start3A_52 : memref<1x256xi32, #tpu.memory_space<vmem>> -> memref<256xi32, #tpu.memory_space<vmem>>
        %dma_start3A_54 = arith.constant 0 : i32
        %dma_start3A_55 = arith.constant 0 : i32
        %dma_start3A_56 = tpu.memref_slice %arg8[%dma_start3A_54, %dma_start3A_55] : memref<131080x8xf32, #tpu.memory_space<vmem_shared>> -> memref<131080x8xf32, #tpu.memory_space<vmem_shared>>
        tpu.enqueue_indirect_dma source(%dma_start3A_50 : memref<256x8xf32, #tpu.memory_space<vmem>>) target(%dma_start3A_56 : memref<131080x8xf32, #tpu.memory_space<vmem_shared>>) offsets(%dma_start3A_53 : memref<256xi32, #tpu.memory_space<vmem>>) semaphore(%run_scoped3A_48 : memref<!tpu.dma_semaphore, #tpu.memory_space<semaphore_mem>>) {add = true}
        %dma_wait3A = arith.constant 3584 : i32
        %dma_wait3A_57 = arith.constant 0 : i32
        %dma_wait3A_58 = tpu.memref_slice %arg9[%dma_wait3A, %dma_wait3A_57] : memref<4096x8xf32, #tpu.memory_space<vmem>> -> memref<256x8xf32, #tpu.memory_space<vmem>>
        %dma_wait3A_59 = arith.constant 0 : i32
        %dma_wait3A_60 = tpu.memref_slice %arg10[%run_scoped3A_42, %dma_wait3A_59] : memref<16x256xi32, #tpu.memory_space<vmem>> -> memref<1x256xi32, #tpu.memory_space<vmem>>
        %dma_wait3A_61 = tpu.memref_squeeze %dma_wait3A_60 : memref<1x256xi32, #tpu.memory_space<vmem>> -> memref<256xi32, #tpu.memory_space<vmem>>
        %dma_wait3A_62 = arith.constant 0 : i32
        %dma_wait3A_63 = arith.constant 0 : i32
        %dma_wait3A_64 = tpu.memref_slice %arg8[%dma_wait3A_62, %dma_wait3A_63] : memref<131080x8xf32, #tpu.memory_space<vmem_shared>> -> memref<131080x8xf32, #tpu.memory_space<vmem_shared>>
        tpu.wait_indirect_dma semaphore(%run_scoped3A_48 : memref<!tpu.dma_semaphore, #tpu.memory_space<semaphore_mem>>) src(%dma_wait3A_58 : memref<256x8xf32, #tpu.memory_space<vmem>>) dst(%dma_wait3A_64 : memref<131080x8xf32, #tpu.memory_space<vmem_shared>>)
        tpu.yield
      }) : () -> ()
      %run_scoped3A_43 = arith.constant 15 : i32
      "tpu.region"() ({
        %run_scoped3A_48 = tpu.sem_alloc : memref<!tpu.dma_semaphore, #tpu.memory_space<semaphore_mem>>
        %dma_start3A = arith.constant 3840 : i32
        %dma_start3A_49 = arith.constant 0 : i32
        %dma_start3A_50 = tpu.memref_slice %arg9[%dma_start3A, %dma_start3A_49] : memref<4096x8xf32, #tpu.memory_space<vmem>> -> memref<256x8xf32, #tpu.memory_space<vmem>>
        %dma_start3A_51 = arith.constant 0 : i32
        %dma_start3A_52 = tpu.memref_slice %arg10[%run_scoped3A_43, %dma_start3A_51] : memref<16x256xi32, #tpu.memory_space<vmem>> -> memref<1x256xi32, #tpu.memory_space<vmem>>
        %dma_start3A_53 = tpu.memref_squeeze %dma_start3A_52 : memref<1x256xi32, #tpu.memory_space<vmem>> -> memref<256xi32, #tpu.memory_space<vmem>>
        %dma_start3A_54 = arith.constant 0 : i32
        %dma_start3A_55 = arith.constant 0 : i32
        %dma_start3A_56 = tpu.memref_slice %arg8[%dma_start3A_54, %dma_start3A_55] : memref<131080x8xf32, #tpu.memory_space<vmem_shared>> -> memref<131080x8xf32, #tpu.memory_space<vmem_shared>>
        tpu.enqueue_indirect_dma source(%dma_start3A_50 : memref<256x8xf32, #tpu.memory_space<vmem>>) target(%dma_start3A_56 : memref<131080x8xf32, #tpu.memory_space<vmem_shared>>) offsets(%dma_start3A_53 : memref<256xi32, #tpu.memory_space<vmem>>) semaphore(%run_scoped3A_48 : memref<!tpu.dma_semaphore, #tpu.memory_space<semaphore_mem>>) {add = true}
        %dma_wait3A = arith.constant 3840 : i32
        %dma_wait3A_57 = arith.constant 0 : i32
        %dma_wait3A_58 = tpu.memref_slice %arg9[%dma_wait3A, %dma_wait3A_57] : memref<4096x8xf32, #tpu.memory_space<vmem>> -> memref<256x8xf32, #tpu.memory_space<vmem>>
        %dma_wait3A_59 = arith.constant 0 : i32
        %dma_wait3A_60 = tpu.memref_slice %arg10[%run_scoped3A_43, %dma_wait3A_59] : memref<16x256xi32, #tpu.memory_space<vmem>> -> memref<1x256xi32, #tpu.memory_space<vmem>>
        %dma_wait3A_61 = tpu.memref_squeeze %dma_wait3A_60 : memref<1x256xi32, #tpu.memory_space<vmem>> -> memref<256xi32, #tpu.memory_space<vmem>>
        %dma_wait3A_62 = arith.constant 0 : i32
        %dma_wait3A_63 = arith.constant 0 : i32
        %dma_wait3A_64 = tpu.memref_slice %arg8[%dma_wait3A_62, %dma_wait3A_63] : memref<131080x8xf32, #tpu.memory_space<vmem_shared>> -> memref<131080x8xf32, #tpu.memory_space<vmem_shared>>
        tpu.wait_indirect_dma semaphore(%run_scoped3A_48 : memref<!tpu.dma_semaphore, #tpu.memory_space<semaphore_mem>>) src(%dma_wait3A_58 : memref<256x8xf32, #tpu.memory_space<vmem>>) dst(%dma_wait3A_64 : memref<131080x8xf32, #tpu.memory_space<vmem_shared>>)
        tpu.yield
      }) : () -> ()
      "tpu.region"() ({
        %run_scoped3A_48 = tpu.sem_alloc : memref<!tpu.dma_semaphore, #tpu.memory_space<semaphore_mem>>
        %dma_start3A = arith.constant 0 : i32
        %dma_start3A_49 = arith.constant 0 : i32
        %dma_start3A_50 = tpu.memref_slice %arg8[%dma_start3A, %dma_start3A_49] : memref<131080x8xf32, #tpu.memory_space<vmem_shared>> -> memref<131080x8xf32, #tpu.memory_space<vmem_shared>>
        tpu.enqueue_indirect_dma source(%arg11 : memref<128x8xf32, #tpu.memory_space<vmem>>) target(%dma_start3A_50 : memref<131080x8xf32, #tpu.memory_space<vmem_shared>>) offsets(%arg12 : memref<128xi32, #tpu.memory_space<vmem>>) semaphore(%run_scoped3A_48 : memref<!tpu.dma_semaphore, #tpu.memory_space<semaphore_mem>>) {add = true}
        %dma_wait3A = arith.constant 0 : i32
        %dma_wait3A_51 = arith.constant 0 : i32
        %dma_wait3A_52 = tpu.memref_slice %arg8[%dma_wait3A, %dma_wait3A_51] : memref<131080x8xf32, #tpu.memory_space<vmem_shared>> -> memref<131080x8xf32, #tpu.memory_space<vmem_shared>>
        tpu.wait_indirect_dma semaphore(%run_scoped3A_48 : memref<!tpu.dma_semaphore, #tpu.memory_space<semaphore_mem>>) src(%arg11 : memref<128x8xf32, #tpu.memory_space<vmem>>) dst(%dma_wait3A_52 : memref<131080x8xf32, #tpu.memory_space<vmem_shared>>)
        tpu.yield
      }) : () -> ()
      %barrier3A_44 = arith.constant 0 : index
      tpu.barrier barrier_id(%barrier3A_44)
      %mul3A_45 = arith.constant 8192 : i32
      %mul3A_46 = arith.muli %arg1, %mul3A_45 : i32
      "tpu.region"() ({
        %run_scoped3A_48 = tpu.sem_alloc : memref<!tpu.dma_semaphore, #tpu.memory_space<semaphore_mem>>
        %dma_start3A = arith.constant 0 : i32
        %dma_start3A_49 = arith.constant 0 : i32
        %dma_start3A_50 = tpu.memref_slice %arg7[%scan3A_6, %add3A, %dma_start3A, %dma_start3A_49] : memref<8x32x8192x8xf32, #tpu.memory_space<hbm>> -> memref<1x1x8192x8xf32, #tpu.memory_space<hbm>>
        %dma_start3A_51 = tpu.memref_squeeze %dma_start3A_50 : memref<1x1x8192x8xf32, #tpu.memory_space<hbm>> -> memref<8192x8xf32, #tpu.memory_space<hbm>>
        %dma_start3A_52 = arith.constant 0 : i32
        %dma_start3A_53 = tpu.memref_slice %arg8[%mul3A_46, %dma_start3A_52] : memref<131080x8xf32, #tpu.memory_space<vmem_shared>> -> memref<8192x8xf32, #tpu.memory_space<vmem_shared>>
        tpu.enqueue_dma source(%dma_start3A_53 : memref<8192x8xf32, #tpu.memory_space<vmem_shared>>) target(%dma_start3A_51 : memref<8192x8xf32, #tpu.memory_space<hbm>>) target_semaphore(%run_scoped3A_48 : memref<!tpu.dma_semaphore, #tpu.memory_space<semaphore_mem>>)
        %dma_wait3A = arith.constant 0 : i32
        %dma_wait3A_54 = arith.constant 0 : i32
        %dma_wait3A_55 = tpu.memref_slice %arg7[%scan3A_6, %add3A, %dma_wait3A, %dma_wait3A_54] : memref<8x32x8192x8xf32, #tpu.memory_space<hbm>> -> memref<1x1x8192x8xf32, #tpu.memory_space<hbm>>
        %dma_wait3A_56 = tpu.memref_squeeze %dma_wait3A_55 : memref<1x1x8192x8xf32, #tpu.memory_space<hbm>> -> memref<8192x8xf32, #tpu.memory_space<hbm>>
        %dma_wait3A_57 = arith.constant 0 : i32
        %dma_wait3A_58 = tpu.memref_slice %arg8[%mul3A_46, %dma_wait3A_57] : memref<131080x8xf32, #tpu.memory_space<vmem_shared>> -> memref<8192x8xf32, #tpu.memory_space<vmem_shared>>
        tpu.wait_dma2 semaphore(%run_scoped3A_48 : memref<!tpu.dma_semaphore, #tpu.memory_space<semaphore_mem>>) src(%dma_wait3A_58 : memref<8192x8xf32, #tpu.memory_space<vmem_shared>>) dst(%dma_wait3A_56 : memref<8192x8xf32, #tpu.memory_space<hbm>>)
        tpu.yield
      }) : () -> ()
      %barrier3A_47 = arith.constant 0 : index
      tpu.barrier barrier_id(%barrier3A_47)
    }
    %scan3A_5 = arith.constant 8 : i32
    return
  }
}

module attributes {stable_mosaic.version = 14 : i64} {
  func.func @_onsite_body(%arg0: memref<128x42xf32, #tpu.memory_space<vmem>>, %arg1: memref<42x128xf32, #tpu.memory_space<vmem>>, %arg2: memref<128x128xf32, #tpu.memory_space<vmem>>) attributes {dimension_semantics = [], scalar_prefetch = 0 : i64, scratch_operands = 0 : i64, tpu.core_type = #tpu.core_type<tc>} {
    %get3A = arith.constant 0 : index
    %get3A_0 = arith.constant 0 : index
    %get3A_1 = vector.load %arg0[%get3A, %get3A_0] : memref<128x42xf32, #tpu.memory_space<vmem>>, vector<128x42xf32>
    %get3A_2 = arith.constant 0 : index
    %get3A_3 = arith.constant 0 : index
    %get3A_4 = vector.load %arg1[%get3A_2, %get3A_3] : memref<42x128xf32, #tpu.memory_space<vmem>>, vector<42x128xf32>
    %dot_general3A = arith.constant dense<0.000000e+00> : vector<128x128xf32>
    %dot_general3A_5 = tpu.matmul %get3A_1, %get3A_4, %dot_general3A {dimension_numbers = #tpu.dot_dimension_numbers<[1], [0], [0], [1], [0, 0, 1, 1], [], []>, precision = #tpu.contract_precision<fp32>, transpose_lhs_hint = false} : vector<128x42xf32>, vector<42x128xf32>, vector<128x128xf32> -> vector<128x128xf32>
    %swap3A = arith.constant 0 : index
    %swap3A_6 = arith.constant 0 : index
    %swap3A_7 = vector.load %arg2[%swap3A, %swap3A_6] : memref<128x128xf32, #tpu.memory_space<vmem>>, vector<128x128xf32>
    tpu.vector_store %arg2[%swap3A, %swap3A_6], %dot_general3A_5 {strides = array<i32>} : memref<128x128xf32, #tpu.memory_space<vmem>>, vector<128x128xf32>,
    return
  }
}

module attributes {stable_mosaic.version = 14 : i64} {
  func.func @_prep_body(%arg0: i32, %arg1: memref<8x512xi32, #tpu.memory_space<vmem>>, %arg2: memref<4096x42xf32, #tpu.memory_space<vmem>>, %arg3: memref<4096x3xf32, #tpu.memory_space<vmem>>, %arg4: memref<8x3xf32, #tpu.memory_space<vmem>>, %arg5: memref<42x128xf32, #tpu.memory_space<vmem>>, %arg6: memref<42x128xf32, #tpu.memory_space<vmem>>, %arg7: memref<42x128xf32, #tpu.memory_space<vmem>>, %arg8: memref<42x128xf32, #tpu.memory_space<vmem>>, %arg9: memref<8x2x512x128xf32, #tpu.memory_space<vmem>>) attributes {dimension_semantics = [#tpu.dimension_semantics<arbitrary>], iteration_bounds = array<i64: 8>, scalar_prefetch = 0 : i64, scratch_operands = 0 : i64, tpu.core_type = #tpu.core_type<tc>, window_params = [{pipeline_mode = #tpu.pipeline_mode<synchronous>, transform_indices = @transform_0, window_bounds = array<i64: 8, 512>}, {pipeline_mode = #tpu.pipeline_mode<synchronous>, transform_indices = @transform_1, window_bounds = array<i64: 4096, 42>}, {pipeline_mode = #tpu.pipeline_mode<synchronous>, transform_indices = @transform_2, window_bounds = array<i64: 4096, 3>}, {pipeline_mode = #tpu.pipeline_mode<synchronous>, transform_indices = @transform_3, window_bounds = array<i64: 8, 3>}, {pipeline_mode = #tpu.pipeline_mode<synchronous>, transform_indices = @transform_4, window_bounds = array<i64: 42, 128>}, {pipeline_mode = #tpu.pipeline_mode<synchronous>, transform_indices = @transform_5, window_bounds = array<i64: 42, 128>}, {pipeline_mode = #tpu.pipeline_mode<synchronous>, transform_indices = @transform_6, window_bounds = array<i64: 42, 128>}, {pipeline_mode = #tpu.pipeline_mode<synchronous>, transform_indices = @transform_7, window_bounds = array<i64: 42, 128>}, {transform_indices = @transform_8, window_bounds = array<i64: 8, 2, 512, 128>}]} {
    %iota3A = tpu.iota {dimensions = array<i32: 0>} : vector<4096x512xi32>
    %get3A = arith.index_cast %arg0 : i32 to index
    %get3A_0 = arith.constant 0 : index
    %get3A_1 = vector.load %arg1[%get3A, %get3A_0] : memref<8x512xi32, #tpu.memory_space<vmem>>, vector<1x512xi32>
    %get3A_2 = vector.shape_cast %get3A_1 : vector<1x512xi32> to vector<512xi32>
    %broadcast_in_dim3A = vector.shape_cast %get3A_2 : vector<512xi32> to vector<1x512xi32>
    %eq3A = vector.broadcast %broadcast_in_dim3A : vector<1x512xi32> to vector<4096x512xi32>
    %eq3A_3 = arith.cmpi eq, %iota3A, %eq3A : vector<4096x512xi32>
    %convert_element_type3A = arith.extui %eq3A_3 : vector<4096x512xi1> to vector<4096x512xi32>
    %convert_element_type3A_4 = arith.sitofp %convert_element_type3A : vector<4096x512xi32> to vector<4096x512xf32>
    %get3A_5 = arith.constant 0 : index
    %get3A_6 = arith.constant 0 : index
    %get3A_7 = vector.load %arg2[%get3A_5, %get3A_6] : memref<4096x42xf32, #tpu.memory_space<vmem>>, vector<4096x42xf32>
    %dot_general3A = arith.constant dense<0.000000e+00> : vector<512x42xf32>
    %dot_general3A_8 = tpu.matmul %convert_element_type3A_4, %get3A_7, %dot_general3A {dimension_numbers = #tpu.dot_dimension_numbers<[0], [0], [1], [1], [0, 1, 1, 1], [], []>, precision = #tpu.contract_precision<fp32>, transpose_lhs_hint = false} : vector<4096x512xf32>, vector<4096x42xf32>, vector<512x42xf32> -> vector<512x42xf32>
    %get3A_9 = arith.constant 0 : index
    %get3A_10 = arith.constant 0 : index
    %get3A_11 = vector.load %arg3[%get3A_9, %get3A_10] : memref<4096x3xf32, #tpu.memory_space<vmem>>, vector<4096x3xf32>
    %dot_general3A_12 = arith.constant dense<0.000000e+00> : vector<512x3xf32>
    %dot_general3A_13 = tpu.matmul %convert_element_type3A_4, %get3A_11, %dot_general3A_12 {dimension_numbers = #tpu.dot_dimension_numbers<[0], [0], [1], [1], [0, 1, 1, 1], [], []>, precision = #tpu.contract_precision<fp32>, transpose_lhs_hint = false} : vector<4096x512xf32>, vector<4096x3xf32>, vector<512x3xf32> -> vector<512x3xf32>
    %get3A_14 = arith.constant 0 : index
    %get3A_15 = arith.constant 0 : index
    %get3A_16 = vector.load %arg5[%get3A_14, %get3A_15] : memref<42x128xf32, #tpu.memory_space<vmem>>, vector<42x128xf32>
    %dot_general3A_17 = arith.constant dense<0.000000e+00> : vector<512x128xf32>
    %dot_general3A_18 = tpu.matmul %dot_general3A_8, %get3A_16, %dot_general3A_17 {dimension_numbers = #tpu.dot_dimension_numbers<[1], [0], [0], [1], [0, 0, 1, 1], [], []>, precision = #tpu.contract_precision<fp32>, transpose_lhs_hint = false} : vector<512x42xf32>, vector<42x128xf32>, vector<512x128xf32> -> vector<512x128xf32>
    %get3A_19 = arith.constant 0 : index
    %get3A_20 = arith.constant 0 : index
    %get3A_21 = vector.load %arg6[%get3A_19, %get3A_20] : memref<42x128xf32, #tpu.memory_space<vmem>>, vector<42x128xf32>
    %dot_general3A_22 = arith.constant dense<0.000000e+00> : vector<512x128xf32>
    %dot_general3A_23 = tpu.matmul %dot_general3A_8, %get3A_21, %dot_general3A_22 {dimension_numbers = #tpu.dot_dimension_numbers<[1], [0], [0], [1], [0, 0, 1, 1], [], []>, precision = #tpu.contract_precision<fp32>, transpose_lhs_hint = false} : vector<512x42xf32>, vector<42x128xf32>, vector<512x128xf32> -> vector<512x128xf32>
    %get3A_24 = arith.constant 0 : index
    %get3A_25 = arith.constant 0 : index
    %get3A_26 = vector.load %arg7[%get3A_24, %get3A_25] : memref<42x128xf32, #tpu.memory_space<vmem>>, vector<42x128xf32>
    %dot_general3A_27 = arith.constant dense<0.000000e+00> : vector<512x128xf32>
    %dot_general3A_28 = tpu.matmul %dot_general3A_8, %get3A_26, %dot_general3A_27 {dimension_numbers = #tpu.dot_dimension_numbers<[1], [0], [0], [1], [0, 0, 1, 1], [], []>, precision = #tpu.contract_precision<fp32>, transpose_lhs_hint = false} : vector<512x42xf32>, vector<42x128xf32>, vector<512x128xf32> -> vector<512x128xf32>
    %get3A_29 = arith.constant 0 : index
    %get3A_30 = arith.constant 0 : index
    %get3A_31 = vector.load %arg8[%get3A_29, %get3A_30] : memref<42x128xf32, #tpu.memory_space<vmem>>, vector<42x128xf32>
    %dot_general3A_32 = arith.constant dense<0.000000e+00> : vector<512x128xf32>
    %dot_general3A_33 = tpu.matmul %dot_general3A_8, %get3A_31, %dot_general3A_32 {dimension_numbers = #tpu.dot_dimension_numbers<[1], [0], [0], [1], [0, 0, 1, 1], [], []>, precision = #tpu.contract_precision<fp32>, transpose_lhs_hint = false} : vector<512x42xf32>, vector<42x128xf32>, vector<512x128xf32> -> vector<512x128xf32>
    %get3A_34 = arith.constant 0 : index
    %get3A_35 = arith.constant 0 : index
    %get3A_36 = vector.load %arg4[%get3A_34, %get3A_35] : memref<8x3xf32, #tpu.memory_space<vmem>>, vector<8x3xf32>
    %convert_element_type3A_37 = arith.truncf %get3A_36 : vector<8x3xf32> to vector<8x3xbf16>
    %convert_element_type3A_38 = arith.extf %convert_element_type3A_37 : vector<8x3xbf16> to vector<8x3xf32>
    %convert_element_type3A_39 = arith.truncf %dot_general3A_13 : vector<512x3xf32> to vector<512x3xbf16>
    %convert_element_type3A_40 = arith.extf %convert_element_type3A_39 : vector<512x3xbf16> to vector<512x3xf32>
    %dot_general3A_41 = arith.constant dense<0.000000e+00> : vector<8x512xf32>
    %dot_general3A_42 = tpu.matmul %convert_element_type3A_38, %convert_element_type3A_40, %dot_general3A_41 {dimension_numbers = #tpu.dot_dimension_numbers<[1], [1], [0], [0], [0, 0, 1, 0], [], []>, precision = #tpu.contract_precision<fp32>, transpose_lhs_hint = false} : vector<8x3xf32>, vector<512x3xf32>, vector<8x512xf32> -> vector<8x512xf32>
    %mul3A = arith.constant 6.28318548 : f32
    %mul3A_43 = vector.broadcast %mul3A : f32 to vector<8x512xf32>
    %mul3A_44 = arith.mulf %mul3A_43, %dot_general3A_42 : vector<8x512xf32>
    %mul3A_45 = arith.constant 0.636619746 : f32
    %mul3A_46 = vector.broadcast %mul3A_45 : f32 to vector<8x512xf32>
    %mul3A_47 = arith.mulf %mul3A_44, %mul3A_46 : vector<8x512xf32>
    %round3A = math.roundeven %mul3A_47 : vector<8x512xf32>
    %mul3A_48 = arith.constant 1.5703125 : f32
    %mul3A_49 = vector.broadcast %mul3A_48 : f32 to vector<8x512xf32>
    %mul3A_50 = arith.mulf %round3A, %mul3A_49 : vector<8x512xf32>
    %sub3A = arith.subf %mul3A_44, %mul3A_50 : vector<8x512xf32>
    %mul3A_51 = arith.constant 4.83826792E-4 : f32
    %mul3A_52 = vector.broadcast %mul3A_51 : f32 to vector<8x512xf32>
    %mul3A_53 = arith.mulf %round3A, %mul3A_52 : vector<8x512xf32>
    %sub3A_54 = arith.subf %sub3A, %mul3A_53 : vector<8x512xf32>
    %mul3A_55 = arith.constant 2.56328292E-12 : f32
    %mul3A_56 = vector.broadcast %mul3A_55 : f32 to vector<8x512xf32>
    %mul3A_57 = arith.mulf %round3A, %mul3A_56 : vector<8x512xf32>
    %sub3A_58 = arith.subf %sub3A_54, %mul3A_57 : vector<8x512xf32>
    %mul3A_59 = arith.mulf %sub3A_58, %sub3A_58 : vector<8x512xf32>
    %mul3A_60 = arith.constant -1.98412701E-4 : f32
    %mul3A_61 = vector.broadcast %mul3A_60 : f32 to vector<8x512xf32>
    %mul3A_62 = arith.mulf %mul3A_59, %mul3A_61 : vector<8x512xf32>
    %add3A = arith.constant 0.00833333377 : f32
    %add3A_63 = vector.broadcast %add3A : f32 to vector<8x512xf32>
    %add3A_64 = arith.addf %add3A_63, %mul3A_62 : vector<8x512xf32>
    %mul3A_65 = arith.mulf %mul3A_59, %add3A_64 : vector<8x512xf32>
    %add3A_66 = arith.constant -0.166666672 : f32
    %add3A_67 = vector.broadcast %add3A_66 : f32 to vector<8x512xf32>
    %add3A_68 = arith.addf %add3A_67, %mul3A_65 : vector<8x512xf32>
    %mul3A_69 = arith.mulf %mul3A_59, %add3A_68 : vector<8x512xf32>
    %add3A_70 = arith.constant 1.000000e+00 : f32
    %add3A_71 = vector.broadcast %add3A_70 : f32 to vector<8x512xf32>
    %add3A_72 = arith.addf %add3A_71, %mul3A_69 : vector<8x512xf32>
    %mul3A_73 = arith.mulf %sub3A_58, %add3A_72 : vector<8x512xf32>
    %mul3A_74 = arith.constant 2.48015876E-5 : f32
    %mul3A_75 = vector.broadcast %mul3A_74 : f32 to vector<8x512xf32>
    %mul3A_76 = arith.mulf %mul3A_59, %mul3A_75 : vector<8x512xf32>
    %add3A_77 = arith.constant -0.00138888892 : f32
    %add3A_78 = vector.broadcast %add3A_77 : f32 to vector<8x512xf32>
    %add3A_79 = arith.addf %add3A_78, %mul3A_76 : vector<8x512xf32>
    %mul3A_80 = arith.mulf %mul3A_59, %add3A_79 : vector<8x512xf32>
    %add3A_81 = arith.constant 0.0416666679 : f32
    %add3A_82 = vector.broadcast %add3A_81 : f32 to vector<8x512xf32>
    %add3A_83 = arith.addf %add3A_82, %mul3A_80 : vector<8x512xf32>
    %mul3A_84 = arith.mulf %mul3A_59, %add3A_83 : vector<8x512xf32>
    %add3A_85 = arith.constant -5.000000e-01 : f32
    %add3A_86 = vector.broadcast %add3A_85 : f32 to vector<8x512xf32>
    %add3A_87 = arith.addf %add3A_86, %mul3A_84 : vector<8x512xf32>
    %mul3A_88 = arith.mulf %mul3A_59, %add3A_87 : vector<8x512xf32>
    %add3A_89 = arith.constant 1.000000e+00 : f32
    %add3A_90 = vector.broadcast %add3A_89 : f32 to vector<8x512xf32>
    %add3A_91 = arith.addf %add3A_90, %mul3A_88 : vector<8x512xf32>
    %convert_element_type3A_92 = arith.fptosi %round3A : vector<8x512xf32> to vector<8x512xi32>
    %and3A = arith.constant 3 : i32
    %and3A_93 = vector.broadcast %and3A : i32 to vector<8x512xi32>
    %and3A_94 = arith.andi %convert_element_type3A_92, %and3A_93 : vector<8x512xi32>
    %eq3A_95 = arith.constant 0 : i32
    %eq3A_96 = vector.broadcast %eq3A_95 : i32 to vector<8x512xi32>
    %eq3A_97 = arith.cmpi eq, %and3A_94, %eq3A_96 : vector<8x512xi32>
    %eq3A_98 = arith.constant 1 : i32
    %eq3A_99 = vector.broadcast %eq3A_98 : i32 to vector<8x512xi32>
    %eq3A_100 = arith.cmpi eq, %and3A_94, %eq3A_99 : vector<8x512xi32>
    %neg3A = arith.constant 0.000000e+00 : f32
    %neg3A_101 = vector.broadcast %neg3A : f32 to vector<8x512xf32>
    %neg3A_102 = arith.subf %neg3A_101, %mul3A_73 : vector<8x512xf32>
    %eq3A_103 = arith.constant 2 : i32
    %eq3A_104 = vector.broadcast %eq3A_103 : i32 to vector<8x512xi32>
    %eq3A_105 = arith.cmpi eq, %and3A_94, %eq3A_104 : vector<8x512xi32>
    %neg3A_106 = arith.constant 0.000000e+00 : f32
    %neg3A_107 = vector.broadcast %neg3A_106 : f32 to vector<8x512xf32>
    %neg3A_108 = arith.subf %neg3A_107, %add3A_91 : vector<8x512xf32>
    %select_n3A = arith.select %eq3A_105, %neg3A_108, %mul3A_73 : vector<8x512xi1>, vector<8x512xf32>
    %select_n3A_109 = arith.select %eq3A_100, %neg3A_102, %select_n3A : vector<8x512xi1>, vector<8x512xf32>
    %select_n3A_110 = arith.select %eq3A_97, %add3A_91, %select_n3A_109 : vector<8x512xi1>, vector<8x512xf32>
    %eq3A_111 = arith.constant 0 : i32
    %eq3A_112 = vector.broadcast %eq3A_111 : i32 to vector<8x512xi32>
    %eq3A_113 = arith.cmpi eq, %and3A_94, %eq3A_112 : vector<8x512xi32>
    %eq3A_114 = arith.constant 1 : i32
    %eq3A_115 = vector.broadcast %eq3A_114 : i32 to vector<8x512xi32>
    %eq3A_116 = arith.cmpi eq, %and3A_94, %eq3A_115 : vector<8x512xi32>
    %eq3A_117 = arith.constant 2 : i32
    %eq3A_118 = vector.broadcast %eq3A_117 : i32 to vector<8x512xi32>
    %eq3A_119 = arith.cmpi eq, %and3A_94, %eq3A_118 : vector<8x512xi32>
    %neg3A_120 = arith.constant 0.000000e+00 : f32
    %neg3A_121 = vector.broadcast %neg3A_120 : f32 to vector<8x512xf32>
    %neg3A_122 = arith.subf %neg3A_121, %mul3A_73 : vector<8x512xf32>
    %neg3A_123 = arith.constant 0.000000e+00 : f32
    %neg3A_124 = vector.broadcast %neg3A_123 : f32 to vector<8x512xf32>
    %neg3A_125 = arith.subf %neg3A_124, %add3A_91 : vector<8x512xf32>
    %select_n3A_126 = arith.select %eq3A_119, %neg3A_122, %neg3A_125 : vector<8x512xi1>, vector<8x512xf32>
    %select_n3A_127 = arith.select %eq3A_116, %add3A_91, %select_n3A_126 : vector<8x512xi1>, vector<8x512xf32>
    %select_n3A_128 = arith.select %eq3A_113, %mul3A_73, %select_n3A_127 : vector<8x512xi1>, vector<8x512xf32>
    %broadcast_in_dim3A_129 = vector.shape_cast %select_n3A_110 : vector<8x512xf32> to vector<8x512x1xf32>
    %broadcast_in_dim3A_130 = vector.shape_cast %select_n3A_128 : vector<8x512xf32> to vector<8x512x1xf32>
    %neg3A_131 = arith.constant 0.000000e+00 : f32
    %neg3A_132 = vector.broadcast %neg3A_131 : f32 to vector<8x512x1xf32>
    %neg3A_133 = arith.subf %neg3A_132, %broadcast_in_dim3A_130 : vector<8x512x1xf32>
    %broadcast_in_dim3A_134 = vector.shape_cast %dot_general3A_18 : vector<512x128xf32> to vector<1x512x128xf32>
    %mul3A_135 = vector.broadcast %broadcast_in_dim3A_129 : vector<8x512x1xf32> to vector<8x512x128xf32>
    %mul3A_136 = vector.broadcast %broadcast_in_dim3A_134 : vector<1x512x128xf32> to vector<8x512x128xf32>
    %mul3A_137 = arith.mulf %mul3A_135, %mul3A_136 : vector<8x512x128xf32>
    %broadcast_in_dim3A_138 = vector.shape_cast %dot_general3A_23 : vector<512x128xf32> to vector<1x512x128xf32>
    %mul3A_139 = vector.broadcast %neg3A_133 : vector<8x512x1xf32> to vector<8x512x128xf32>
    %mul3A_140 = vector.broadcast %broadcast_in_dim3A_138 : vector<1x512x128xf32> to vector<8x512x128xf32>
    %mul3A_141 = arith.mulf %mul3A_139, %mul3A_140 : vector<8x512x128xf32>
    %add3A_142 = arith.addf %mul3A_137, %mul3A_141 : vector<8x512x128xf32>
    %swap3A = arith.constant 0 : index
    %swap3A_143 = arith.constant 0 : index
    %swap3A_144 = arith.constant 0 : index
    %swap3A_145 = arith.constant 0 : index
    %swap3A_146 = vector.load %arg9[%swap3A, %swap3A_143, %swap3A_144, %swap3A_145] : memref<8x2x512x128xf32, #tpu.memory_space<vmem>>, vector<8x1x512x128xf32>
    %swap3A_147 = vector.shape_cast %swap3A_146 : vector<8x1x512x128xf32> to vector<8x512x128xf32>
    %swap3A_148 = vector.shape_cast %add3A_142 : vector<8x512x128xf32> to vector<8x1x512x128xf32>
    tpu.vector_store %arg9[%swap3A, %swap3A_143, %swap3A_144, %swap3A_145], %swap3A_148 {strides = array<i32>} : memref<8x2x512x128xf32, #tpu.memory_space<vmem>>, vector<8x1x512x128xf32>,
    %broadcast_in_dim3A_149 = vector.shape_cast %dot_general3A_28 : vector<512x128xf32> to vector<1x512x128xf32>
    %mul3A_150 = vector.broadcast %broadcast_in_dim3A_129 : vector<8x512x1xf32> to vector<8x512x128xf32>
    %mul3A_151 = vector.broadcast %broadcast_in_dim3A_149 : vector<1x512x128xf32> to vector<8x512x128xf32>
    %mul3A_152 = arith.mulf %mul3A_150, %mul3A_151 : vector<8x512x128xf32>
    %broadcast_in_dim3A_153 = vector.shape_cast %dot_general3A_33 : vector<512x128xf32> to vector<1x512x128xf32>
    %mul3A_154 = vector.broadcast %neg3A_133 : vector<8x512x1xf32> to vector<8x512x128xf32>
    %mul3A_155 = vector.broadcast %broadcast_in_dim3A_153 : vector<1x512x128xf32> to vector<8x512x128xf32>
    %mul3A_156 = arith.mulf %mul3A_154, %mul3A_155 : vector<8x512x128xf32>
    %sub3A_157 = arith.subf %mul3A_152, %mul3A_156 : vector<8x512x128xf32>
    %swap3A_158 = arith.constant 0 : index
    %swap3A_159 = arith.constant 1 : index
    %swap3A_160 = arith.constant 0 : index
    %swap3A_161 = arith.constant 0 : index
    %swap3A_162 = vector.load %arg9[%swap3A_158, %swap3A_159, %swap3A_160, %swap3A_161] : memref<8x2x512x128xf32, #tpu.memory_space<vmem>>, vector<8x1x512x128xf32>
    %swap3A_163 = vector.shape_cast %swap3A_162 : vector<8x1x512x128xf32> to vector<8x512x128xf32>
    %swap3A_164 = vector.shape_cast %sub3A_157 : vector<8x512x128xf32> to vector<8x1x512x128xf32>
    tpu.vector_store %arg9[%swap3A_158, %swap3A_159, %swap3A_160, %swap3A_161], %swap3A_164 {strides = array<i32>} : memref<8x2x512x128xf32, #tpu.memory_space<vmem>>, vector<8x1x512x128xf32>,
    return
  }
  func.func @transform_0(%arg0: i32) -> (i32, i32) {
    %c0_i32 = arith.constant 0 : i32
    %c0_i32_0 = arith.constant 0 : i32
    %c0_i32_1 = arith.constant 0 : i32
    return %c0_i32, %c0_i32_0 : i32, i32
  }
  func.func @transform_1(%arg0: i32) -> (i32, i32) {
    %c0_i32 = arith.constant 0 : i32
    %c0_i32_0 = arith.constant 0 : i32
    %c0_i32_1 = arith.constant 0 : i32
    return %c0_i32, %c0_i32_0 : i32, i32
  }
  func.func @transform_2(%arg0: i32) -> (i32, i32) {
    %c0_i32 = arith.constant 0 : i32
    %c0_i32_0 = arith.constant 0 : i32
    %c0_i32_1 = arith.constant 0 : i32
    return %c0_i32, %c0_i32_0 : i32, i32
  }
  func.func @transform_3(%arg0: i32) -> (i32, i32) {
    %c0_i32 = arith.constant 0 : i32
    %c0_i32_0 = arith.constant 0 : i32
    %c0_i32_1 = arith.constant 0 : i32
    return %c0_i32, %c0_i32_0 : i32, i32
  }
  func.func @transform_4(%arg0: i32) -> (i32, i32) {
    %c0_i32 = arith.constant 0 : i32
    %c0_i32_0 = arith.constant 0 : i32
    %c0_i32_1 = arith.constant 0 : i32
    return %c0_i32, %c0_i32_0 : i32, i32
  }
  func.func @transform_5(%arg0: i32) -> (i32, i32) {
    %c0_i32 = arith.constant 0 : i32
    %c0_i32_0 = arith.constant 0 : i32
    %c0_i32_1 = arith.constant 0 : i32
    return %c0_i32, %c0_i32_0 : i32, i32
  }
  func.func @transform_6(%arg0: i32) -> (i32, i32) {
    %c0_i32 = arith.constant 0 : i32
    %c0_i32_0 = arith.constant 0 : i32
    %c0_i32_1 = arith.constant 0 : i32
    return %c0_i32, %c0_i32_0 : i32, i32
  }
  func.func @transform_7(%arg0: i32) -> (i32, i32) {
    %c0_i32 = arith.constant 0 : i32
    %c0_i32_0 = arith.constant 0 : i32
    %c0_i32_1 = arith.constant 0 : i32
    return %c0_i32, %c0_i32_0 : i32, i32
  }
  func.func @transform_8(%arg0: i32) -> (i32, i32, i32, i32) {
    %c0_i32 = arith.constant 0 : i32
    %c0_i32_0 = arith.constant 0 : i32
    %c0_i32_1 = arith.constant 0 : i32
    %c0_i32_2 = arith.constant 0 : i32
    return %c0_i32, %c0_i32_0, %arg0, %c0_i32_1 : i32, i32, i32, i32
  }
}

</mosaic_0001>

<sc_bundles>
// kernel: gather_offload_async_start.1
scs
__scs_entry_jumppad:
0x0: {  	(pc) =	sbr.rel $0x88, $3  }
0x1: {  	(tag) =	ssettag $0x0;
	lr =	simm.s32 $0x1  }
0x2: {  	[smem:$0x3F9C] =	sst lr;
	_ =	strace $0xD0000000  }
0x3: {  	_ = 	snop  }
0x4: {  	_ = 	snop  }
0x5: {  	_ = 	snop  }
0x6: {  	_ = 	snop  }
0x7: {  	_ = 	snop  }
__scs_overlays_trampoline_lowered:
0x8: {  	[smem:$0x3FAB] =	sst s0  }
0x9: {  	[smem:$0x3FAC] =	sst s1  }
0xa: {  	[smem:$0x3FAD] =	sst s2  }
0xb: {  	[smem:$0x3FAE] =	sst s3  }
0xc: {  	[smem:$0x3FAF] =	sst s4  }
0xd: {  	[smem:$0x3FB0] =	sst s5  }
0xe: {  	[smem:$0x3FB1] =	sst s6  }
0xf: {  	[smem:$0x3FB2] =	sst s7  }
0x10: {  	[smem:$0x3FB3] =	sst s8  }
0x11: {  	[smem:$0x3FB4] =	sst s9;
	s0 =	simm.s32 @!p0 $0x0  }
0x12: {  	s1 =	sld [smem:$0x3F9A];
	s0 =	simm.s32 @p0 $0x1  }
0x13: {  	[smem:$0x3FB5] =	sst s0;
	s0 =	simm.s32 @!p1 $0x0  }
0x14: {  	s2 =	sld [smem:$0x3F99];
	s0 =	simm.s32 @p1 $0x1  }
0x15: {  	[smem:$0x3FB6] =	sst s0;
	s0 =	simm.s32 @!p2 $0x0  }
0x16: {  	s3 =	sld [smem:$0x3FDB];
	s0 =	simm.s32 @p2 $0x1  }
0x17: {  	s4 =	simm.s32 $0x1BF5;
	[smem:$0x3FB8] =	sst s0  }
0x18: {  	s0 =	sld [smem:$0x3F9B];
	_ =	swait.ge [sflag:s4], $0x0  }
0x19: {  	s7 =	sld [smem:$0x3F9C]  }
0x1a: {  	s8 =	sadd.s32 $0xFFFFE003, lr  }
0x1b: {  	s9 =	sadd.s32 $0xFFFFFEF7, lr;
	s5 =	simm.s32 $0xFFFFFFFF;
	p2 =	slt.u32 s8, $0xFFFFF086  }
0x1c: {  	p1 =	slt.u32 s9, $0xF7A;
	s5 =	simm.s32 @!p2 $0x0  }
0x1d: {  	s5 =	simm.s32 @p1 $0x1;
	p0 =	seq.s32 s7, s2  }
0x1e: {  	s7 =	smul.u32 @!p0 $0xF7A, s2;
	p2 =	seq.s32 @!p0 s5, $0x0  }
0x1f: {  	s9 =	smul.u32 $0xF7A, s1;
	s8 =	simm.s32 @!p0 $0x1BF5;
	p2 =	por !p2, p0  }
0x20: {  	[sflag:s8] =	ssyncset.s32 @!p0 $0xFFFFF086;
	s6 =	sadd.s32 @!p0 s3, s7;
	s7 =	simm.s32 @!p0 $0x108  }
0x21: {  	s3 =	sadd.s32 s3, s9;
	s6 =	sadd.s32 @!p0 $0x88, s6;
	s7 =	simm.s32 @p2 $0x1082  }
0x22: {  	[simem:s7], [sflag:s8] =	dma.local @!p0 [hbm:s6], $0xF7A  }
0x23: {  	s9 =	sor.u32 $0xD0000000, s2;
	s6 =	simm.s32 $0x108;
	_ =	swait.ge @!p0 [sflag:s8], $0x0  }
0x24: {  	s3 =	sadd.s32 $0x88, s3;
	s6 =	simm.s32 @!p1 $0x1082;
	[sflag:s4] =	ssyncset.s32 $0xFFFFF086  }
0x25: {  	[simem:s6], [sflag:s4] =	dma.local [hbm:s3], $0xF7A  }
0x26: {  	[smem:$0x3F9C] =	sst s1;
	(tag) =	ssettag s2;
	_ =	strace s9  }
0x27: {  	s1 =	sld [smem:$0x3FAC]  }
0x28: {  	s2 =	sld [smem:$0x3FAD]  }
0x29: {  	s4 =	sld [smem:$0x3FAF]  }
0x2a: {  	p0 =	seq.s32 s5, $0x0;
	s5 =	sld [smem:$0x3FB0]  }
0x2b: {  	s6 =	sld [smem:$0x3FB1]  }
0x2c: {  	s7 =	sld [smem:$0x3FB2]  }
0x2d: {  	s3 =	simm.s32 $0x108;
	s8 =	sld [smem:$0x3FB3]  }
0x2e: {  	s3 =	simm.s32 @!p0 $0x1082;
	s9 =	sld [smem:$0x3FB4]  }
0x2f: {  	lr =	sadd.s32 s0, s3;
	s0 =	sld [smem:$0x3FAB]  }
0x30: {  	s3 =	sld [smem:$0x3FAE]  }
0x31: {  	[smem:$0x3FB7] =	sst s10  }
0x32: {  	s10 =	sld [smem:$0x3FB5];
	_ =	sdelay $0x3  }
0x33: {  	p0 =	seq.s32 s10, $0x1;
	s10 =	sld [smem:$0x3FB7];
	_ =	sdelay $0x3  }
0x34: {  	[smem:$0x3FB7] =	sst s10  }
0x35: {  	s10 =	sld [smem:$0x3FB6];
	_ =	sdelay $0x3  }
0x36: {  	p1 =	seq.s32 s10, $0x1;
	s10 =	sld [smem:$0x3FB7];
	_ =	sdelay $0x3  }
0x37: {  	[smem:$0x3FB7] =	sst s10  }
0x38: {  	s10 =	sld [smem:$0x3FB8]  }
0x39: {  	_ = 	snop;
	(pc) =	sbr.ind lr, $3  }
0x3a: {  	_ = 	snop  }
0x3b: {  	_ = 	snop  }
0x3c: {  	p2 =	seq.s32 s10, $0x1;
	s10 =	sld [smem:$0x3FB7]  }
0x3d: {  	_ =	shalt  }
0x3e: {  	_ =	shalt  }
0x3f: {  	_ =	shalt  }
0x40: {  	_ =	shalt  }
0x41: {  	_ =	shalt  }
0x42: {  	_ =	shalt  }
0x43: {  	_ =	shalt  }
0x44: {  	_ =	shalt  }
0x45: {  	_ =	shalt  }
0x46: {  	_ =	shalt  }
0x47: {  	_ =	shalt  }
0x48: {  	_ =	shalt  }
0x49: {  	_ =	shalt  }
0x4a: {  	_ =	shalt  }
0x4b: {  	_ =	shalt  }
0x4c: {  	_ =	shalt  }
0x4d: {  	_ =	shalt  }
0x4e: {  	_ =	shalt  }
0x4f: {  	_ =	shalt  }
0x50: {  	_ =	shalt  }
0x51: {  	_ =	shalt  }
0x52: {  	_ =	shalt  }
0x53: {  	_ =	shalt  }
0x54: {  	_ =	shalt  }
0x55: {  	_ =	shalt  }
0x56: {  	_ =	shalt  }
0x57: {  	_ =	shalt  }
0x58: {  	_ =	shalt  }
0x59: {  	_ =	shalt  }
0x5a: {  	_ =	shalt  }
0x5b: {  	_ =	shalt  }
0x5c: {  	_ =	shalt  }
0x5d: {  	_ =	shalt  }
0x5e: {  	_ =	shalt  }
0x5f: {  	_ =	shalt  }
0x60: {  	_ =	shalt  }
0x61: {  	_ =	shalt  }
0x62: {  	_ =	shalt  }
0x63: {  	_ =	shalt  }
0x64: {  	_ =	shalt  }
0x65: {  	_ =	shalt  }
0x66: {  	_ =	shalt  }
0x67: {  	_ =	shalt  }
0x68: {  	_ =	shalt  }
0x69: {  	_ =	shalt  }
0x6a: {  	_ =	shalt  }
0x6b: {  	_ =	shalt  }
0x6c: {  	_ =	shalt  }
0x6d: {  	_ =	shalt  }
0x6e: {  	_ =	shalt  }
0x6f: {  	_ =	shalt  }
0x70: {  	_ =	shalt  }
0x71: {  	_ =	shalt  }
0x72: {  	_ =	shalt  }
0x73: {  	_ =	shalt  }
0x74: {  	_ =	shalt  }
0x75: {  	_ =	shalt  }
0x76: {  	_ =	shalt  }
0x77: {  	_ =	shalt  }
0x78: {  	_ =	shalt  }
0x79: {  	_ =	shalt  }
0x7a: {  	_ =	shalt  }
0x7b: {  	_ =	shalt  }
0x7c: {  	_ =	shalt  }
0x7d: {  	_ =	shalt  }
0x7e: {  	_ =	shalt  }
0x7f: {  	_ =	shalt  }
0x80: {  	_ =	shalt  }
0x81: {  	_ =	shalt  }
0x82: {  	_ =	shalt  }
0x83: {  	_ =	shalt  }
0x84: {  	_ =	shalt  }
0x85: {  	_ =	shalt  }
0x86: {  	_ =	shalt  }
0x87: {  	_ =	shalt  }
.Lfunc_end0:
.L_simem_size_0:
called_computation.1_lowered:
.L_overlay_start_0:
0x88: {  	s2 =	sld [smem:$0x3FD9]  }
0x89: {  	s3 =	sld [smem:$0x3FFE];
	_ =	sdelay $0x1  }
0x8a: {  	s1 =	srdreg.scid  }
0x8b: {  	s0 =	sand.u32 $0x1, s1  }
0x8c: {  	s16 =	sshll.u32 s0, $0xA;
	s2 =	sadd.s32 s3, s2  }
0x8d: {  	s2 =	sadd.s32 s2, s16  }
0x8e: {  	[smem:$0x3FC3] =	sst s2  }
0x8f: {  	_ = 	snop  }
0x90: {  	(tm) =	ssettm $0x1  }
0x91: {  	s17 =	sld [smem:$0x3FFB];
	_ =	sdelay $0x3  }
0x92: {  	_ =	strace s17  }
0x93: {  	s2 =	sld [smem:$0x3FFC];
	_ =	sdelay $0x3  }
0x94: {  	_ =	strace s2  }
0x95: {  	s2 =	sld [smem:$0x3FFD];
	_ =	sdelay $0x3  }
0x96: {  	_ =	strace s2  }
0x97: {  	_ =	strace $0x8FFFFFFF  }
0x98: {  	s18 =	sld [smem:$0x3FDB];
	_ =	sdelay $0x1  }
0x99: {  	s19 =	simm.s32 $_scs_section_size  }
0x9a: {  	s4 =	simm.s32 $_size__tile_overlayer_lowered;
	s5 =	simm.s32 $_tile_overlayer_lowered  }
0x9b: {  	s22 =	simm.s32 $0x1BFF;
	s21 =	sshll.u32 s5, $0x1;
	s2 =	sadd.s32 s19, s18  }
0x9c: {  	s6 =	simm.s32 $0x0;
	s20 =	sshll.u32 s4, $0x1;
	s4 =	sadd.s32 s21, s2  }
0x9d: {  	[timem:s6], [sflag:s22] =	dma.local [hbm:s4], s20  }
0x9e: {  	_ =	swait.ge [sflag:s22], s20  }
0x9f: {  	s3 =	ssub.s32 $0x0, s20;
	[sflag:s22] =	ssyncset.done $0x0  }
0xa0: {  	[sflag:s22] =	ssyncadd.s32 s3;
	_ =	sdelay $0x1  }
0xa1: {  	s23 =	simm.s32 $0x1B8B  }
0xa2: {  	_ =	swait.ge [sflag:s23], $0x1  }
0xa3: {  	[sflag:s23] =	ssyncset.done $0x0  }
0xa4: {  	s25 =	simm.s32 $0x1B8E;
	s24 =	sld [smem:$0x3FFE];
	[sflag:s23] =	ssyncadd.s32 $0xFFFFFFFF  }
0xa5: {  	s26 =	simm.s32 $execute0_lowered;
	[smem:$0x3FD2] =	sst s25  }
0xa6: {  	s4 =	sshll.u32 s26, $0x1;
	_ =	strace $0x80000046;
	[dreg:$0x1] =	wrdreg $0xFFFFFFFF  }
0xa7: {  	s28 =	simm.s32 $_size_execute0_lowered;
	s2 =	sadd.s32 s2, s4;
	[dreg:$0x0] =	wrdreg $0x0  }
0xa8: {  	s4 =	sshll.u32 s28, $0x1;
	[dreg:$0x2] =	wrdreg s2  }
0xa9: {  	[dreg:$0x3] =	wrdreg s4  }
0xaa: {  	[dreg:$0x4] =	wrdreg $0xC0  }
0xab: {  	_ =	task [dreg:s6], $0x5FFFF  }
0xac: {  	[dreg:$0x1] =	wrdreg $0xFFFFFFFF  }
0xad: {  	[dreg:$0x0] =	wrdreg $0x60  }
0xae: {  	[dreg:$0x2] =	wrdreg s24  }
0xaf: {  	[dreg:$0x3] =	wrdreg $0xA  }
0xb0: {  	_ =	task.clear_ibuf [dreg:s6], $0x4FFFF;
	_ =	strace $0x90000046  }
0xb1: {  	s29 =	simm.s32 $0xA;
	_ =	strace $0x80000048  }
0xb2: {  	_ =	swait.ge [sflag:s29], $0x1  }
0xb3: {  	[sflag:s29] =	ssyncadd.s32 $0xFFFFFFFF  }
0xb4: {  	_ =	strace $0x90000048  }
0xb5: {  	_ =	sfence  }
0xb6: {  	s30 =	sld [smem:$0x0];
	_ =	sdelay $0x2  }
0xb7: {  	s31 =	sshll.u32 s1, $0xD;
	s1 =	sshrl.u32 s1, $0x2  }
0xb8: {  	s3 =	sand.u32 $0x4000, s31;
	s1 =	sadd.s32 s1, s30  }
0xb9: {  	s0 =	sor.u32 s3, s0;
	s1 =	sshll.u32 s1, $0x11  }
0xba: {  	s0 =	sor.u32 s1, s0  }
0xbb: {  	s0 =	sadd.s32 $0x8F2B, s0  }
0xbc: {  	[sflag:s0] =	ssyncadd.remote.s32 $0x1  }
0xbd: {  	_ =	sfence.sel $0xFFFF  }
0xbe: {  	[dreg:$0x0] =	wrdreg $0xFFFFFFFF;
	(pc) =	sbr.abs _section_cstart, $3  }
0xbf: {  	[dreg:$0x1] =	wrdreg $0xFFFFFFFF  }
0xc0: {  	_ =	task.clear_ibuf [dreg:s6], $0x2FFFF;
	_ =	strace $0x9FFFFFFF  }
0xc1: {  	(tm) =	ssettm $0x7FFFFFFF  }
tec
execute0_lowered:
.L_overlay_start_1:
0x0: {  	(tag) =	ssettag $0x1  }
0x1: {  	s0 =	srdreg.scid;
	s5 =	rddreg [dreg:$0x0]  }
0x2: {  	s1 =	stileid.u32;
	s6 =	simm.s32 $0x1;
	s9 =	simm.s32 $0x1  }
0x3: {  	s10 =	simm.s32 $0x3;
	s13 =	simm.s32 $0x0;
	s2 =	sshll.u32 s0, $0x6  }
0x4: {  	s12 =	simm.s32 $0x0;
	s3 =	sshll.u32 s1, $0x7;
	s2 =	sand.u32 $0x40, s2  }
0x5: {  	s0 =	rddreg [dreg:$0x1];
	_ =	strace $0x80000047;
	s2 =	sor.u32 s3, s2  }
0x6: {  	s4 =	sadd.s32 $0x2400, s5;
	[sflag:s6] =	ssyncpa.u1 $0x0;
	s8 =	ssub.s32 $0x1000, s2  }
.Ltmp0:
0x7: {  	s3 =	sadd.s32 $0x2000, s5;
	s7 =	sand.u32 $0x7C0, s8;
	(pc) =	sbr.rel .LBB2_1-.Ltmp0, $4  }
0x8: {  	s5 =	sadd.s32 $0x3000, s5;
	s11 =	smov.u32 s2;
	p0 =	sne.s32 s7, $0x0  }
0x9: {  	s8 =	sshrl.u32 s8, $0xB;
	s7 =	simm.s32 $0x2;
	s9 =	simm.s32 @!p0 $0x0  }
0xa: {  	[sflag:s7] =	ssyncpa.u1 $0x0;
	p0 =	por $0x0, $0x0;
	s8 =	sadd.s32 s9, s8  }
0xb: {  	vm0 =	vmmov $0xffff;
	[sflag:s10] =	ssyncpa.u1 $0x0;
	s10 =	simm.s32 $0x0;
	s9 =	sadd.s32 $0x1, s8  }
.LBB2_4:
0xc: {  	v2 =	vnsel vm1, $0x0, v2  }
0xd: {  	vm1 =	vgt.s32 v0, $0x0;
	v2 =	vmin.u32 v2, $0xFFF  }
0xe: {  	v0 =	vnsel vm1, $0x0, v0  }
0xf: {  	v0 =	vmin.u32 v0, $0xFFF  }
0x10: {  	[tilespmem:s15], [sflag:$0x1] =	stream.indirect_vreg.gather [hbm4b:s3+s10], $0x1, v1, vm0, $0x4038;
	[tilespmem:$0x100] =	vst v63  }
0x11: {  	(ifvalue) =	ssetifvalue $0x7FFFFFFF  }
0x12: {  	[tilespmem:s16], [sflag:$0x1] =	stream.indirect_vreg.gather [hbm4b:s3+s10], $0x1, v2, vm0, $0x4038;
	[tilespmem:$0x100] =	vst v63  }
0x13: {  	s29 =	sadd.s32 $0x10, s16;
	(ifvalue) =	ssetifvalue $0x7FFFFFFF  }
0x14: {  	[tilespmem:s29], [sflag:$0x1] =	stream.indirect_vreg.gather [hbm4b:s3+s10], $0x1, v0, vm0, $0x4038;
	[tilespmem:$0x100] =	vst v63  }
0x15: {  	_ =	swait.ge [sflag:s6], $0x40  }
0x16: {  	s30 =	sshrl.u32 s13, $0x3;
	[sflag:s6] =	ssyncset.done $0x0  }
0x17: {  	s31 =	sand.u32 $0x7, s13;
	s15 =	sadd.s32 s5, s30;
	[sflag:s6] =	ssyncadd.s32 $0xFFFFFFC0  }
0x18: {  	[hbm4b:s15+s31] =	stream.linear.scatter [tilespmem:s14], [sflag:$0x3], $0x40, $0x38;
	[tilespmem:$0x100] =	vst v63  }
.LBB2_5:
0x19: {  	s15 =	sadd.s32 $0x800, s11  }
0x1a: {  	p2 =	sgt.s32 s15, $0xFFF  }
0x1b: {  	s15 =	smov.u32 @p2 s2;
	p2 =	sne.s32 s12, s9  }
.Ltmp1:
0x1c: {  	p1 =	slt.u32 s12, $0x2;
	(pc) =	sbr.rel @!p2 .LBB2_6-.Ltmp1, $4  }
0x1d: {  	s14 =	simm.s32 @!p1 $0x3  }
0x1e: {  	s16 =	sadd.s32 $0x1, s12;
	_ =	swait.ge @!p1 [sflag:s14], $0x40  }
0x1f: {  	s13 =	smov.u32 s11;
	p0 =	por !p0, !p0;
	[sflag:s14] =	ssyncset.done @!p1 $0x0  }
0x20: {  	s12 =	smov.u32 s16;
	s11 =	smov.u32 s15;
	[sflag:s14] =	ssyncadd.s32 @!p1 $0xFFFFFFC0  }
.LBB2_1:
0x21: {  	p1 =	sge.u32 s12, s8  }
0x22: {  	s14 =	sxor.u32 @!p1 $0xFFFFFFFF, s12  }
0x23: {  	s31 =	sadd.s32 $0xFFFFFFFF, s12;
	s15 =	sshrl.u32 @!p1 s11, $0x3;
	s14 =	sshll.u32 @!p1 s14, $0x6  }
0x24: {  	s16 =	sand.u32 @!p1 $0x7, s11;
	s15 =	sadd.s32 @!p1 s4, s15;
	s14 =	sand.u32 @!p1 $0x40, s14  }
0x25: {  	[tilespmem:s14], [sflag:$0x2] =	stream.linear.gather @!p1 [hbm4b:s15+s16], $0x40, $0x38;
	[tilespmem:$0x100] =	vst v63  }
0x26: {  	p1 =	sge.u32 s31, s8  }
.Ltmp2:
0x27: {  	_ = 	snop;
	(pc) =	sbr.rel @p1 .LBB2_5-.Ltmp2, $1  }
0x28: {  	_ =	sdelay $0x3  }
0x29: {  	s14 =	simm.s32 $0x1  }
0x2a: {  	_ =	swait.ge [sflag:s7], $0x40;
	s14 =	simm.s32 @!p0 $0x0  }
0x2b: {  	[sflag:s7] =	ssyncset.done $0x0;
	s14 =	sshll.u32 s14, $0x6  }
0x2c: {  	[sflag:s7] =	ssyncadd.s32 $0xFFFFFFC0;
	(ifvalue) =	ssetifvalue $0x7FFFFFFF;
	v0 =	vld.msk [tilespmem:s14+$0x0 ss:$0x1], $0xffff;
	_ =	sdelay $0x4  }
0x2d: {  	s15 =	sadd.s32 $0x10, s14;
	vm1 =	vgt.s32 v0, $0x0  }
0x2e: {  	v2 =	vld.msk [tilespmem:s15+$0x0 ss:$0x1], $0xffff;
	v1 =	vnsel vm1, $0x0, v0  }
0x2f: {  	v1 =	vmin.u32 v1, $0xFFF;
	_ =	sdelay $0x1  }
0x30: {  	s16 =	sshll.u32 s12, $0x6;
	s18 =	simm.s32 $0x20  }
0x31: {  	s16 =	sand.u32 $0x40, s16;
	s17 =	sadd.s32 $0x10, s15;
	s15 =	sor.u32 $0x80, s14  }
0x32: {  	s14 =	sor.u32 $0x80, s16;
	s16 =	sadd.s32 $0x10, s15;
	v0 =	vld.msk [tilespmem:s17+$0x0 ss:$0x1], $0xffff;
	vm1 =	vgt.s32 v2, $0x0;
	(ifvalue) =	ssetifvalue $0x7FFFFFFF  }
.LBB2_3:
0x33: {  	[tilespmem:s15], [sflag:$0x1] =	stream.indirect_vreg.gather [hbm4b:s3+s10], $0x1, v1, vm0, $0x4038;
	[tilespmem:$0x100] =	vst v63  }
0x34: {  	s18 =	sadd.s32 $0x10, s18  }
0x35: {  	v2 =	vnsel vm1, $0x0, v2;
	p1 =	slt.u32 s18, $0x30  }
.Ltmp3:
0x36: {  	s15 =	smov.u32 s16;
	v1 =	vmin.u32 v2, $0xFFF;
	(pc) =	sbr.rel @p1 .LBB2_3-.Ltmp3, $3  }
0x37: {  	_ =	sdelay $0x1  }
0x38: {  	s17 =	sadd.s32 $0x10, s17  }
0x39: {  	vm1 =	vgt.s32 v0, $0x0;
	s16 =	sadd.s32 $0x10, s16;
	v2 =	vmov v0;
	(ifvalue) =	ssetifvalue $0x7FFFFFFF;
	v0 =	vld.msk [tilespmem:s17+$0x0 ss:$0x1], $0xffff  }
.Ltmp4:
0x3a: {  	_ = 	snop;
	(pc) =	sbr.rel .LBB2_4-.Ltmp4, $1  }
0x3b: {  	_ =	sdelay $0x3  }
.LBB2_6:
0x3c: {  	_ =	sfence.sel $0x180000  }
0x3d: {  	s2 =	simm.s32 $0x2;
	[bflag:$0x0] =	sbarrier.arrive $0xFFFF  }
0x3e: {  	s30 =	simm.s32 $0x3;
	[sflag:s2] =	ssyncpa.u1 $0x1  }
0x3f: {  	s31 =	simm.s32 $0x1;
	[sflag:s30] =	ssyncpa.u1 $0x1  }
0x40: {  	[sflag:s31] =	ssyncpa.u1 $0x1  }
0x41: {  	p0 =	sne.s32 s1, $0x0;
	_ =	strace $0x90000047  }
0x42: {  	s0 =	sadd.s32 @!p0 $0x100000, s0;
	[bflag:$0x2] =	sbarrier.arrive $0xFFFF  }
0x43: {  	[sflag:s0] =	ssyncadd.tile.s32 @!p0 $0x1;
	_ =	shalt  }
.Lfunc_end2:
_tile_overlayer_lowered:
.L_overlay_start_2:
0x44: {  	(tag) =	ssettag $0x2  }
0x45: {  	s0 =	rddreg [dreg:$0x0];
	s2 =	stileid.u32  }
0x46: {  	s1 =	rddreg [dreg:$0x1];
	p0 =	sne.s32 s2, $0x0  }
0x47: {  	s3 =	rddreg [dreg:$0x2];
	[bflag:$0x3] =	sbarrier.arrive $0xFFFF;
	s2 =	simm.s32 @!p0 $0x1C01  }
0x48: {  	[timem:s3], [sflag:s2] =	dma.local @!p0 [hbm:s0], s1  }
0x49: {  	s0 =	simm.s32 @!p0 $0x1  }
0x4a: {  	_ =	swait.ge @!p0 [sflag:s0], s1  }
0x4b: {  	s1 =	ssub.s32 @!p0 $0x0, s1;
	[sflag:s0] =	ssyncset.done @!p0 $0x0  }
0x4c: {  	[sflag:s0] =	ssyncadd.s32 @!p0 s1  }
0x4d: {  	[bflag:$0x3] =	sbarrier.arrive $0xFFFF  }
0x4e: {  	_ =	shalt  }

// kernel: gather_offload_async_start
scs
__scs_entry_jumppad:
0x0: {  	(pc) =	sbr.rel $0x88, $3  }
0x1: {  	(tag) =	ssettag $0x0;
	lr =	simm.s32 $0x1  }
0x2: {  	[smem:$0x3F9C] =	sst lr;
	_ =	strace $0xD0000000  }
0x3: {  	_ = 	snop  }
0x4: {  	_ = 	snop  }
0x5: {  	_ = 	snop  }
0x6: {  	_ = 	snop  }
0x7: {  	_ = 	snop  }
__scs_overlays_trampoline_lowered:
0x8: {  	[smem:$0x3FAB] =	sst s0  }
0x9: {  	[smem:$0x3FAC] =	sst s1  }
0xa: {  	[smem:$0x3FAD] =	sst s2  }
0xb: {  	[smem:$0x3FAE] =	sst s3  }
0xc: {  	[smem:$0x3FAF] =	sst s4  }
0xd: {  	[smem:$0x3FB0] =	sst s5  }
0xe: {  	[smem:$0x3FB1] =	sst s6  }
0xf: {  	[smem:$0x3FB2] =	sst s7  }
0x10: {  	[smem:$0x3FB3] =	sst s8  }
0x11: {  	[smem:$0x3FB4] =	sst s9;
	s0 =	simm.s32 @!p0 $0x0  }
0x12: {  	s1 =	sld [smem:$0x3F9A];
	s0 =	simm.s32 @p0 $0x1  }
0x13: {  	[smem:$0x3FB5] =	sst s0;
	s0 =	simm.s32 @!p1 $0x0  }
0x14: {  	s2 =	sld [smem:$0x3F99];
	s0 =	simm.s32 @p1 $0x1  }
0x15: {  	[smem:$0x3FB6] =	sst s0;
	s0 =	simm.s32 @!p2 $0x0  }
0x16: {  	s3 =	sld [smem:$0x3FDB];
	s0 =	simm.s32 @p2 $0x1  }
0x17: {  	s4 =	simm.s32 $0x1BF5;
	[smem:$0x3FB8] =	sst s0  }
0x18: {  	s0 =	sld [smem:$0x3F9B];
	_ =	swait.ge [sflag:s4], $0x0  }
0x19: {  	s7 =	sld [smem:$0x3F9C]  }
0x1a: {  	s8 =	sadd.s32 $0xFFFFE003, lr  }
0x1b: {  	s9 =	sadd.s32 $0xFFFFFEF7, lr;
	s5 =	simm.s32 $0xFFFFFFFF;
	p2 =	slt.u32 s8, $0xFFFFF086  }
0x1c: {  	p1 =	slt.u32 s9, $0xF7A;
	s5 =	simm.s32 @!p2 $0x0  }
0x1d: {  	s5 =	simm.s32 @p1 $0x1;
	p0 =	seq.s32 s7, s2  }
0x1e: {  	s7 =	smul.u32 @!p0 $0xF7A, s2;
	p2 =	seq.s32 @!p0 s5, $0x0  }
0x1f: {  	s9 =	smul.u32 $0xF7A, s1;
	s8 =	simm.s32 @!p0 $0x1BF5;
	p2 =	por !p2, p0  }
0x20: {  	[sflag:s8] =	ssyncset.s32 @!p0 $0xFFFFF086;
	s6 =	sadd.s32 @!p0 s3, s7;
	s7 =	simm.s32 @!p0 $0x108  }
0x21: {  	s3 =	sadd.s32 s3, s9;
	s6 =	sadd.s32 @!p0 $0x88, s6;
	s7 =	simm.s32 @p2 $0x1082  }
0x22: {  	[simem:s7], [sflag:s8] =	dma.local @!p0 [hbm:s6], $0xF7A  }
0x23: {  	s9 =	sor.u32 $0xD0000000, s2;
	s6 =	simm.s32 $0x108;
	_ =	swait.ge @!p0 [sflag:s8], $0x0  }
0x24: {  	s3 =	sadd.s32 $0x88, s3;
	s6 =	simm.s32 @!p1 $0x1082;
	[sflag:s4] =	ssyncset.s32 $0xFFFFF086  }
0x25: {  	[simem:s6], [sflag:s4] =	dma.local [hbm:s3], $0xF7A  }
0x26: {  	[smem:$0x3F9C] =	sst s1;
	(tag) =	ssettag s2;
	_ =	strace s9  }
0x27: {  	s1 =	sld [smem:$0x3FAC]  }
0x28: {  	s2 =	sld [smem:$0x3FAD]  }
0x29: {  	s4 =	sld [smem:$0x3FAF]  }
0x2a: {  	p0 =	seq.s32 s5, $0x0;
	s5 =	sld [smem:$0x3FB0]  }
0x2b: {  	s6 =	sld [smem:$0x3FB1]  }
0x2c: {  	s7 =	sld [smem:$0x3FB2]  }
0x2d: {  	s3 =	simm.s32 $0x108;
	s8 =	sld [smem:$0x3FB3]  }
0x2e: {  	s3 =	simm.s32 @!p0 $0x1082;
	s9 =	sld [smem:$0x3FB4]  }
0x2f: {  	lr =	sadd.s32 s0, s3;
	s0 =	sld [smem:$0x3FAB]  }
0x30: {  	s3 =	sld [smem:$0x3FAE]  }
0x31: {  	[smem:$0x3FB7] =	sst s10  }
0x32: {  	s10 =	sld [smem:$0x3FB5];
	_ =	sdelay $0x3  }
0x33: {  	p0 =	seq.s32 s10, $0x1;
	s10 =	sld [smem:$0x3FB7];
	_ =	sdelay $0x3  }
0x34: {  	[smem:$0x3FB7] =	sst s10  }
0x35: {  	s10 =	sld [smem:$0x3FB6];
	_ =	sdelay $0x3  }
0x36: {  	p1 =	seq.s32 s10, $0x1;
	s10 =	sld [smem:$0x3FB7];
	_ =	sdelay $0x3  }
0x37: {  	[smem:$0x3FB7] =	sst s10  }
0x38: {  	s10 =	sld [smem:$0x3FB8]  }
0x39: {  	_ = 	snop;
	(pc) =	sbr.ind lr, $3  }
0x3a: {  	_ = 	snop  }
0x3b: {  	_ = 	snop  }
0x3c: {  	p2 =	seq.s32 s10, $0x1;
	s10 =	sld [smem:$0x3FB7]  }
0x3d: {  	_ =	shalt  }
0x3e: {  	_ =	shalt  }
0x3f: {  	_ =	shalt  }
0x40: {  	_ =	shalt  }
0x41: {  	_ =	shalt  }
0x42: {  	_ =	shalt  }
0x43: {  	_ =	shalt  }
0x44: {  	_ =	shalt  }
0x45: {  	_ =	shalt  }
0x46: {  	_ =	shalt  }
0x47: {  	_ =	shalt  }
0x48: {  	_ =	shalt  }
0x49: {  	_ =	shalt  }
0x4a: {  	_ =	shalt  }
0x4b: {  	_ =	shalt  }
0x4c: {  	_ =	shalt  }
0x4d: {  	_ =	shalt  }
0x4e: {  	_ =	shalt  }
0x4f: {  	_ =	shalt  }
0x50: {  	_ =	shalt  }
0x51: {  	_ =	shalt  }
0x52: {  	_ =	shalt  }
0x53: {  	_ =	shalt  }
0x54: {  	_ =	shalt  }
0x55: {  	_ =	shalt  }
0x56: {  	_ =	shalt  }
0x57: {  	_ =	shalt  }
0x58: {  	_ =	shalt  }
0x59: {  	_ =	shalt  }
0x5a: {  	_ =	shalt  }
0x5b: {  	_ =	shalt  }
0x5c: {  	_ =	shalt  }
0x5d: {  	_ =	shalt  }
0x5e: {  	_ =	shalt  }
0x5f: {  	_ =	shalt  }
0x60: {  	_ =	shalt  }
0x61: {  	_ =	shalt  }
0x62: {  	_ =	shalt  }
0x63: {  	_ =	shalt  }
0x64: {  	_ =	shalt  }
0x65: {  	_ =	shalt  }
0x66: {  	_ =	shalt  }
0x67: {  	_ =	shalt  }
0x68: {  	_ =	shalt  }
0x69: {  	_ =	shalt  }
0x6a: {  	_ =	shalt  }
0x6b: {  	_ =	shalt  }
0x6c: {  	_ =	shalt  }
0x6d: {  	_ =	shalt  }
0x6e: {  	_ =	shalt  }
0x6f: {  	_ =	shalt  }
0x70: {  	_ =	shalt  }
0x71: {  	_ =	shalt  }
0x72: {  	_ =	shalt  }
0x73: {  	_ =	shalt  }
0x74: {  	_ =	shalt  }
0x75: {  	_ =	shalt  }
0x76: {  	_ =	shalt  }
0x77: {  	_ =	shalt  }
0x78: {  	_ =	shalt  }
0x79: {  	_ =	shalt  }
0x7a: {  	_ =	shalt  }
0x7b: {  	_ =	shalt  }
0x7c: {  	_ =	shalt  }
0x7d: {  	_ =	shalt  }
0x7e: {  	_ =	shalt  }
0x7f: {  	_ =	shalt  }
0x80: {  	_ =	shalt  }
0x81: {  	_ =	shalt  }
0x82: {  	_ =	shalt  }
0x83: {  	_ =	shalt  }
0x84: {  	_ =	shalt  }
0x85: {  	_ =	shalt  }
0x86: {  	_ =	shalt  }
0x87: {  	_ =	shalt  }
.Lfunc_end0:
.L_simem_size_0:
called_computation_lowered:
.L_overlay_start_0:
0x88: {  	s2 =	sld [smem:$0x3FD9]  }
0x89: {  	s3 =	sld [smem:$0x3FFE];
	_ =	sdelay $0x1  }
0x8a: {  	s1 =	srdreg.scid  }
0x8b: {  	s0 =	sand.u32 $0x1, s1  }
0x8c: {  	s17 =	sshll.u32 s0, $0xA;
	s2 =	sadd.s32 s3, s2  }
0x8d: {  	s2 =	sadd.s32 s2, s17  }
0x8e: {  	[smem:$0x3FC3] =	sst s2  }
0x8f: {  	_ = 	snop  }
0x90: {  	(tm) =	ssettm $0x1  }
0x91: {  	s18 =	sld [smem:$0x3FFB];
	_ =	sdelay $0x3  }
0x92: {  	_ =	strace s18  }
0x93: {  	s2 =	sld [smem:$0x3FFC];
	_ =	sdelay $0x3  }
0x94: {  	_ =	strace s2  }
0x95: {  	s2 =	sld [smem:$0x3FFD];
	_ =	sdelay $0x3  }
0x96: {  	_ =	strace s2  }
0x97: {  	_ =	strace $0x8FFFFFFF  }
0x98: {  	s19 =	sld [smem:$0x3FDB];
	_ =	sdelay $0x1  }
0x99: {  	s20 =	simm.s32 $_scs_section_size  }
0x9a: {  	s4 =	simm.s32 $_size__tile_overlayer_lowered;
	s5 =	simm.s32 $_tile_overlayer_lowered  }
0x9b: {  	s6 =	simm.s32 $0x1BFF;
	s21 =	sshll.u32 s5, $0x1;
	s3 =	sadd.s32 s20, s19  }
0x9c: {  	s22 =	simm.s32 $0x0;
	s4 =	sshll.u32 s4, $0x1;
	s5 =	sadd.s32 s21, s3  }
0x9d: {  	[timem:s22], [sflag:s6] =	dma.local [hbm:s5], s4  }
0x9e: {  	_ =	swait.ge [sflag:s6], s4  }
0x9f: {  	s4 =	ssub.s32 $0x0, s4;
	[sflag:s6] =	ssyncset.done $0x0  }
0xa0: {  	[sflag:s6] =	ssyncadd.s32 s4;
	_ =	sdelay $0x1  }
0xa1: {  	s23 =	simm.s32 $0x1B8B  }
0xa2: {  	_ =	swait.ge [sflag:s23], $0x1  }
0xa3: {  	[sflag:s23] =	ssyncset.done $0x0  }
0xa4: {  	[sflag:s23] =	ssyncadd.s32 $0xFFFFFFFF  }
0xa5: {  	s4 =	sld [smem:$0x0]  }
0xa6: {  	s5 =	sand.u32 $0xFFFFFFFE, s1  }
0xa7: {  	p0 =	sne.s32 s1, s5  }
0xa8: {  	s5 =	sshll.u32 @p0 s5, $0xE  }
0xa9: {  	s5 =	sadd.s32 @p0 $0x11B8D, s5;
	s6 =	sshll.u32 @p0 s4, $0x11  }
0xaa: {  	s5 =	sor.u32 @p0 s6, s5  }
0xab: {  	[sflag:s5] =	ssyncadd.remote.s32 @p0 $0x1;
	_ =	sdelay $0x1  }
0xac: {  	s5 =	simm.s32 @p0 $0x1B8D  }
0xad: {  	_ =	swait.eq @p0 [sflag:s5], $0x1  }
0xae: {  	[sflag:s5] =	ssyncadd.s32 @p0 $0xFFFFFFFF  }
0xaf: {  	s6 =	sshll.u32 @!p0 s1, $0xE  }
0xb0: {  	s6 =	sor.u32 @!p0 $0x4000, s6;
	s5 =	simm.s32 @!p0 $0x1B8D  }
0xb1: {  	s4 =	sshll.u32 @!p0 s4, $0x11;
	s6 =	sadd.s32 @!p0 $0x11B8D, s6;
	_ =	swait.eq @!p0 [sflag:s5], $0x1  }
0xb2: {  	s4 =	sor.u32 @!p0 s4, s6;
	[sflag:s5] =	ssyncadd.s32 @!p0 $0xFFFFFFFF  }
0xb3: {  	s25 =	simm.s32 $0x1B8E;
	s24 =	sld [smem:$0x3FFE];
	[sflag:s4] =	ssyncadd.remote.s32 @!p0 $0x1  }
0xb4: {  	s26 =	simm.s32 $execute0_lowered;
	[smem:$0x3FD2] =	sst s25  }
0xb5: {  	s5 =	sshll.u32 s26, $0x1;
	_ =	strace $0x80000049;
	[dreg:$0x1] =	wrdreg $0xFFFFFFFF  }
0xb6: {  	s28 =	simm.s32 $_size_execute0_lowered;
	s3 =	sadd.s32 s3, s5;
	[dreg:$0x0] =	wrdreg $0x0  }
0xb7: {  	s5 =	sshll.u32 s28, $0x1;
	[dreg:$0x2] =	wrdreg s3  }
0xb8: {  	[dreg:$0x3] =	wrdreg s5  }
0xb9: {  	[dreg:$0x4] =	wrdreg $0xC0  }
0xba: {  	_ =	task [dreg:s22], $0x5FFFF  }
0xbb: {  	[dreg:$0x1] =	wrdreg $0xFFFFFFFF  }
0xbc: {  	[dreg:$0x0] =	wrdreg $0x60  }
0xbd: {  	[dreg:$0x2] =	wrdreg s24  }
0xbe: {  	[dreg:$0x3] =	wrdreg $0x9  }
0xbf: {  	_ =	task.clear_ibuf [dreg:s22], $0x4FFFF;
	_ =	strace $0x90000049  }
0xc0: {  	s29 =	simm.s32 $0x9;
	_ =	strace $0x8000004B  }
0xc1: {  	_ =	swait.ge [sflag:s29], $0x1  }
0xc2: {  	[sflag:s29] =	ssyncadd.s32 $0xFFFFFFFF  }
0xc3: {  	_ =	strace $0x9000004B  }
0xc4: {  	_ =	sfence  }
0xc5: {  	s30 =	sld [smem:$0x0];
	_ =	sdelay $0x2  }
0xc6: {  	s31 =	sshll.u32 s1, $0xD;
	s1 =	sshrl.u32 s1, $0x2  }
0xc7: {  	s4 =	sand.u32 $0x4000, s31;
	s1 =	sadd.s32 s1, s30  }
0xc8: {  	s0 =	sor.u32 s4, s0;
	s1 =	sshll.u32 s1, $0x11  }
0xc9: {  	s0 =	sor.u32 s1, s0  }
0xca: {  	s0 =	sadd.s32 $0x8F2B, s0  }
0xcb: {  	[sflag:s0] =	ssyncadd.remote.s32 $0x1  }
0xcc: {  	_ =	sfence.sel $0xFFFF  }
0xcd: {  	[dreg:$0x0] =	wrdreg $0xFFFFFFFF;
	(pc) =	sbr.abs _section_cstart, $3  }
0xce: {  	[dreg:$0x1] =	wrdreg $0xFFFFFFFF  }
0xcf: {  	_ =	task.clear_ibuf [dreg:s22], $0x2FFFF;
	_ =	strace $0x9FFFFFFF  }
0xd0: {  	(tm) =	ssettm $0x7FFFFFFF  }
0xd1: {  	_ =	shalt  }
tec
execute0_lowered:
.L_overlay_start_1:
0x0: {  	(tag) =	ssettag $0x1  }
0x1: {  	s0 =	srdreg.scid;
	s5 =	rddreg [dreg:$0x0]  }
0x2: {  	s1 =	stileid.u32;
	s6 =	simm.s32 $0x1;
	s9 =	simm.s32 $0x1  }
0x3: {  	s10 =	simm.s32 $0x3;
	s13 =	simm.s32 $0x0;
	s2 =	sshll.u32 s0, $0x6  }
0x4: {  	s12 =	simm.s32 $0x0;
	s3 =	sshll.u32 s1, $0x7;
	s2 =	sand.u32 $0x40, s2  }
0x5: {  	s0 =	rddreg [dreg:$0x1];
	_ =	strace $0x8000004A;
	s2 =	sor.u32 s3, s2  }
0x6: {  	s4 =	sadd.s32 $0x2400, s5;
	[sflag:s6] =	ssyncpa.u1 $0x0;
	s8 =	ssub.s32 $0x1000, s2  }
.Ltmp0:
0x7: {  	s3 =	sadd.s32 $0x2200, s5;
	s7 =	sand.u32 $0x7C0, s8;
	(pc) =	sbr.rel .LBB2_1-.Ltmp0, $4  }
0x8: {  	s5 =	sadd.s32 $0x3200, s5;
	s11 =	smov.u32 s2;
	p0 =	sne.s32 s7, $0x0  }
0x9: {  	s8 =	sshrl.u32 s8, $0xB;
	s7 =	simm.s32 $0x2;
	s9 =	simm.s32 @!p0 $0x0  }
0xa: {  	[sflag:s7] =	ssyncpa.u1 $0x0;
	p0 =	por $0x0, $0x0;
	s8 =	sadd.s32 s9, s8  }
0xb: {  	vm0 =	vmmov $0xffff;
	[sflag:s10] =	ssyncpa.u1 $0x0;
	s10 =	simm.s32 $0x0;
	s9 =	sadd.s32 $0x1, s8  }
.LBB2_4:
0xc: {  	v2 =	vnsel vm1, $0x0, v2  }
0xd: {  	vm1 =	vgt.s32 v0, $0x0;
	v2 =	vmin.u32 v2, $0xFFF  }
0xe: {  	v0 =	vnsel vm1, $0x0, v0  }
0xf: {  	v0 =	vmin.u32 v0, $0xFFF  }
0x10: {  	[tilespmem:s15], [sflag:$0x1] =	stream.indirect_vreg.gather [hbm4b:s3+s10], $0x1, v1, vm0, $0x4038;
	[tilespmem:$0x100] =	vst v63  }
0x11: {  	(ifvalue) =	ssetifvalue $0x7FFFFFFF  }
0x12: {  	[tilespmem:s16], [sflag:$0x1] =	stream.indirect_vreg.gather [hbm4b:s3+s10], $0x1, v2, vm0, $0x4038;
	[tilespmem:$0x100] =	vst v63  }
0x13: {  	s29 =	sadd.s32 $0x10, s16;
	(ifvalue) =	ssetifvalue $0x7FFFFFFF  }
0x14: {  	[tilespmem:s29], [sflag:$0x1] =	stream.indirect_vreg.gather [hbm4b:s3+s10], $0x1, v0, vm0, $0x4038;
	[tilespmem:$0x100] =	vst v63  }
0x15: {  	_ =	swait.ge [sflag:s6], $0x40  }
0x16: {  	s30 =	sshrl.u32 s13, $0x3;
	[sflag:s6] =	ssyncset.done $0x0  }
0x17: {  	s31 =	sand.u32 $0x7, s13;
	s15 =	sadd.s32 s5, s30;
	[sflag:s6] =	ssyncadd.s32 $0xFFFFFFC0  }
0x18: {  	[hbm4b:s15+s31] =	stream.linear.scatter [tilespmem:s14], [sflag:$0x3], $0x40, $0x38;
	[tilespmem:$0x100] =	vst v63  }
.LBB2_5:
0x19: {  	s15 =	sadd.s32 $0x800, s11  }
0x1a: {  	p2 =	sgt.s32 s15, $0xFFF  }
0x1b: {  	s15 =	smov.u32 @p2 s2;
	p2 =	sne.s32 s12, s9  }
.Ltmp1:
0x1c: {  	p1 =	slt.u32 s12, $0x2;
	(pc) =	sbr.rel @!p2 .LBB2_6-.Ltmp1, $4  }
0x1d: {  	s14 =	simm.s32 @!p1 $0x3  }
0x1e: {  	s16 =	sadd.s32 $0x1, s12;
	_ =	swait.ge @!p1 [sflag:s14], $0x40  }
0x1f: {  	s13 =	smov.u32 s11;
	p0 =	por !p0, !p0;
	[sflag:s14] =	ssyncset.done @!p1 $0x0  }
0x20: {  	s12 =	smov.u32 s16;
	s11 =	smov.u32 s15;
	[sflag:s14] =	ssyncadd.s32 @!p1 $0xFFFFFFC0  }
.LBB2_1:
0x21: {  	p1 =	sge.u32 s12, s8  }
0x22: {  	s14 =	sxor.u32 @!p1 $0xFFFFFFFF, s12  }
0x23: {  	s31 =	sadd.s32 $0xFFFFFFFF, s12;
	s15 =	sshrl.u32 @!p1 s11, $0x3;
	s14 =	sshll.u32 @!p1 s14, $0x6  }
0x24: {  	s16 =	sand.u32 @!p1 $0x7, s11;
	s15 =	sadd.s32 @!p1 s4, s15;
	s14 =	sand.u32 @!p1 $0x40, s14  }
0x25: {  	[tilespmem:s14], [sflag:$0x2] =	stream.linear.gather @!p1 [hbm4b:s15+s16], $0x40, $0x38;
	[tilespmem:$0x100] =	vst v63  }
0x26: {  	p1 =	sge.u32 s31, s8  }
.Ltmp2:
0x27: {  	_ = 	snop;
	(pc) =	sbr.rel @p1 .LBB2_5-.Ltmp2, $1  }
0x28: {  	_ =	sdelay $0x3  }
0x29: {  	s14 =	simm.s32 $0x1  }
0x2a: {  	_ =	swait.ge [sflag:s7], $0x40;
	s14 =	simm.s32 @!p0 $0x0  }
0x2b: {  	[sflag:s7] =	ssyncset.done $0x0;
	s14 =	sshll.u32 s14, $0x6  }
0x2c: {  	[sflag:s7] =	ssyncadd.s32 $0xFFFFFFC0;
	(ifvalue) =	ssetifvalue $0x7FFFFFFF;
	v0 =	vld.msk [tilespmem:s14+$0x0 ss:$0x1], $0xffff;
	_ =	sdelay $0x4  }
0x2d: {  	s15 =	sadd.s32 $0x10, s14;
	vm1 =	vgt.s32 v0, $0x0  }
0x2e: {  	v2 =	vld.msk [tilespmem:s15+$0x0 ss:$0x1], $0xffff;
	v1 =	vnsel vm1, $0x0, v0  }
0x2f: {  	v1 =	vmin.u32 v1, $0xFFF;
	_ =	sdelay $0x1  }
0x30: {  	s16 =	sshll.u32 s12, $0x6;
	s18 =	simm.s32 $0x20  }
0x31: {  	s16 =	sand.u32 $0x40, s16;
	s17 =	sadd.s32 $0x10, s15;
	s15 =	sor.u32 $0x80, s14  }
0x32: {  	s14 =	sor.u32 $0x80, s16;
	s16 =	sadd.s32 $0x10, s15;
	v0 =	vld.msk [tilespmem:s17+$0x0 ss:$0x1], $0xffff;
	vm1 =	vgt.s32 v2, $0x0;
	(ifvalue) =	ssetifvalue $0x7FFFFFFF  }
.LBB2_3:
0x33: {  	[tilespmem:s15], [sflag:$0x1] =	stream.indirect_vreg.gather [hbm4b:s3+s10], $0x1, v1, vm0, $0x4038;
	[tilespmem:$0x100] =	vst v63  }
0x34: {  	s18 =	sadd.s32 $0x10, s18  }
0x35: {  	v2 =	vnsel vm1, $0x0, v2;
	p1 =	slt.u32 s18, $0x30  }
.Ltmp3:
0x36: {  	s15 =	smov.u32 s16;
	v1 =	vmin.u32 v2, $0xFFF;
	(pc) =	sbr.rel @p1 .LBB2_3-.Ltmp3, $3  }
0x37: {  	_ =	sdelay $0x1  }
0x38: {  	s17 =	sadd.s32 $0x10, s17  }
0x39: {  	vm1 =	vgt.s32 v0, $0x0;
	s16 =	sadd.s32 $0x10, s16;
	v2 =	vmov v0;
	(ifvalue) =	ssetifvalue $0x7FFFFFFF;
	v0 =	vld.msk [tilespmem:s17+$0x0 ss:$0x1], $0xffff  }
.Ltmp4:
0x3a: {  	_ = 	snop;
	(pc) =	sbr.rel .LBB2_4-.Ltmp4, $1  }
0x3b: {  	_ =	sdelay $0x3  }
.LBB2_6:
0x3c: {  	_ =	sfence.sel $0x180000  }
0x3d: {  	s2 =	simm.s32 $0x2;
	[bflag:$0x0] =	sbarrier.arrive $0xFFFF  }
0x3e: {  	s30 =	simm.s32 $0x3;
	[sflag:s2] =	ssyncpa.u1 $0x1  }
0x3f: {  	s31 =	simm.s32 $0x1;
	[sflag:s30] =	ssyncpa.u1 $0x1  }
0x40: {  	[sflag:s31] =	ssyncpa.u1 $0x1  }
0x41: {  	p0 =	sne.s32 s1, $0x0;
	_ =	strace $0x9000004A  }
0x42: {  	s0 =	sadd.s32 @!p0 $0x100000, s0;
	[bflag:$0x2] =	sbarrier.arrive $0xFFFF  }
0x43: {  	[sflag:s0] =	ssyncadd.tile.s32 @!p0 $0x1;
	_ =	shalt  }
.Lfunc_end2:
_tile_overlayer_lowered:
.L_overlay_start_2:
0x44: {  	(tag) =	ssettag $0x2  }
0x45: {  	s0 =	rddreg [dreg:$0x0];
	s2 =	stileid.u32  }
0x46: {  	s1 =	rddreg [dreg:$0x1];
	p0 =	sne.s32 s2, $0x0  }
0x47: {  	s3 =	rddreg [dreg:$0x2];
	[bflag:$0x3] =	sbarrier.arrive $0xFFFF;
	s2 =	simm.s32 @!p0 $0x1C01  }
0x48: {  	[timem:s3], [sflag:s2] =	dma.local @!p0 [hbm:s0], s1  }
0x49: {  	s0 =	simm.s32 @!p0 $0x1  }
0x4a: {  	_ =	swait.ge @!p0 [sflag:s0], s1  }
0x4b: {  	s1 =	ssub.s32 @!p0 $0x0, s1;
	[sflag:s0] =	ssyncset.done @!p0 $0x0  }
0x4c: {  	[sflag:s0] =	ssyncadd.s32 @!p0 s1  }
0x4d: {  	[bflag:$0x3] =	sbarrier.arrive $0xFFFF  }
0x4e: {  	_ =	shalt  }

// kernel: kernel.5.cloned.1.call-start
scs
__scs_entry_jumppad:
0x0: {  	(pc) =	sbr.rel $0x88, $3  }
0x1: {  	(tag) =	ssettag $0x0;
	lr =	simm.s32 $0x1  }
0x2: {  	[smem:$0x3F9C] =	sst lr;
	_ =	strace $0xD0000000  }
0x3: {  	_ = 	snop  }
0x4: {  	_ = 	snop  }
0x5: {  	_ = 	snop  }
0x6: {  	_ = 	snop  }
0x7: {  	_ = 	snop  }
__scs_overlays_trampoline_lowered:
0x8: {  	[smem:$0x3FAB] =	sst s0  }
0x9: {  	[smem:$0x3FAC] =	sst s1  }
0xa: {  	[smem:$0x3FAD] =	sst s2  }
0xb: {  	[smem:$0x3FAE] =	sst s3  }
0xc: {  	[smem:$0x3FAF] =	sst s4  }
0xd: {  	[smem:$0x3FB0] =	sst s5  }
0xe: {  	[smem:$0x3FB1] =	sst s6  }
0xf: {  	[smem:$0x3FB2] =	sst s7  }
0x10: {  	[smem:$0x3FB3] =	sst s8  }
0x11: {  	[smem:$0x3FB4] =	sst s9;
	s0 =	simm.s32 @!p0 $0x0  }
0x12: {  	s1 =	sld [smem:$0x3F9A];
	s0 =	simm.s32 @p0 $0x1  }
0x13: {  	[smem:$0x3FB5] =	sst s0;
	s0 =	simm.s32 @!p1 $0x0  }
0x14: {  	s2 =	sld [smem:$0x3F99];
	s0 =	simm.s32 @p1 $0x1  }
0x15: {  	[smem:$0x3FB6] =	sst s0;
	s0 =	simm.s32 @!p2 $0x0  }
0x16: {  	s3 =	sld [smem:$0x3FDB];
	s0 =	simm.s32 @p2 $0x1  }
0x17: {  	s4 =	simm.s32 $0x1BF5;
	[smem:$0x3FB8] =	sst s0  }
0x18: {  	s0 =	sld [smem:$0x3F9B];
	_ =	swait.ge [sflag:s4], $0x0  }
0x19: {  	s7 =	sld [smem:$0x3F9C]  }
0x1a: {  	s8 =	sadd.s32 $0xFFFFE003, lr  }
0x1b: {  	s9 =	sadd.s32 $0xFFFFFEF7, lr;
	s5 =	simm.s32 $0xFFFFFFFF;
	p2 =	slt.u32 s8, $0xFFFFF086  }
0x1c: {  	p1 =	slt.u32 s9, $0xF7A;
	s5 =	simm.s32 @!p2 $0x0  }
0x1d: {  	s5 =	simm.s32 @p1 $0x1;
	p0 =	seq.s32 s7, s2  }
0x1e: {  	s7 =	smul.u32 @!p0 $0xF7A, s2;
	p2 =	seq.s32 @!p0 s5, $0x0  }
0x1f: {  	s9 =	smul.u32 $0xF7A, s1;
	s8 =	simm.s32 @!p0 $0x1BF5;
	p2 =	por !p2, p0  }
0x20: {  	[sflag:s8] =	ssyncset.s32 @!p0 $0xFFFFF086;
	s6 =	sadd.s32 @!p0 s3, s7;
	s7 =	simm.s32 @!p0 $0x108  }
0x21: {  	s3 =	sadd.s32 s3, s9;
	s6 =	sadd.s32 @!p0 $0x88, s6;
	s7 =	simm.s32 @p2 $0x1082  }
0x22: {  	[simem:s7], [sflag:s8] =	dma.local @!p0 [hbm:s6], $0xF7A  }
0x23: {  	s9 =	sor.u32 $0xD0000000, s2;
	s6 =	simm.s32 $0x108;
	_ =	swait.ge @!p0 [sflag:s8], $0x0  }
0x24: {  	s3 =	sadd.s32 $0x88, s3;
	s6 =	simm.s32 @!p1 $0x1082;
	[sflag:s4] =	ssyncset.s32 $0xFFFFF086  }
0x25: {  	[simem:s6], [sflag:s4] =	dma.local [hbm:s3], $0xF7A  }
0x26: {  	[smem:$0x3F9C] =	sst s1;
	(tag) =	ssettag s2;
	_ =	strace s9  }
0x27: {  	s1 =	sld [smem:$0x3FAC]  }
0x28: {  	s2 =	sld [smem:$0x3FAD]  }
0x29: {  	s4 =	sld [smem:$0x3FAF]  }
0x2a: {  	p0 =	seq.s32 s5, $0x0;
	s5 =	sld [smem:$0x3FB0]  }
0x2b: {  	s6 =	sld [smem:$0x3FB1]  }
0x2c: {  	s7 =	sld [smem:$0x3FB2]  }
0x2d: {  	s3 =	simm.s32 $0x108;
	s8 =	sld [smem:$0x3FB3]  }
0x2e: {  	s3 =	simm.s32 @!p0 $0x1082;
	s9 =	sld [smem:$0x3FB4]  }
0x2f: {  	lr =	sadd.s32 s0, s3;
	s0 =	sld [smem:$0x3FAB]  }
0x30: {  	s3 =	sld [smem:$0x3FAE]  }
0x31: {  	[smem:$0x3FB7] =	sst s10  }
0x32: {  	s10 =	sld [smem:$0x3FB5];
	_ =	sdelay $0x3  }
0x33: {  	p0 =	seq.s32 s10, $0x1;
	s10 =	sld [smem:$0x3FB7];
	_ =	sdelay $0x3  }
0x34: {  	[smem:$0x3FB7] =	sst s10  }
0x35: {  	s10 =	sld [smem:$0x3FB6];
	_ =	sdelay $0x3  }
0x36: {  	p1 =	seq.s32 s10, $0x1;
	s10 =	sld [smem:$0x3FB7];
	_ =	sdelay $0x3  }
0x37: {  	[smem:$0x3FB7] =	sst s10  }
0x38: {  	s10 =	sld [smem:$0x3FB8]  }
0x39: {  	_ = 	snop;
	(pc) =	sbr.ind lr, $3  }
0x3a: {  	_ = 	snop  }
0x3b: {  	_ = 	snop  }
0x3c: {  	p2 =	seq.s32 s10, $0x1;
	s10 =	sld [smem:$0x3FB7]  }
0x3d: {  	_ =	shalt  }
0x3e: {  	_ =	shalt  }
0x3f: {  	_ =	shalt  }
0x40: {  	_ =	shalt  }
0x41: {  	_ =	shalt  }
0x42: {  	_ =	shalt  }
0x43: {  	_ =	shalt  }
0x44: {  	_ =	shalt  }
0x45: {  	_ =	shalt  }
0x46: {  	_ =	shalt  }
0x47: {  	_ =	shalt  }
0x48: {  	_ =	shalt  }
0x49: {  	_ =	shalt  }
0x4a: {  	_ =	shalt  }
0x4b: {  	_ =	shalt  }
0x4c: {  	_ =	shalt  }
0x4d: {  	_ =	shalt  }
0x4e: {  	_ =	shalt  }
0x4f: {  	_ =	shalt  }
0x50: {  	_ =	shalt  }
0x51: {  	_ =	shalt  }
0x52: {  	_ =	shalt  }
0x53: {  	_ =	shalt  }
0x54: {  	_ =	shalt  }
0x55: {  	_ =	shalt  }
0x56: {  	_ =	shalt  }
0x57: {  	_ =	shalt  }
0x58: {  	_ =	shalt  }
0x59: {  	_ =	shalt  }
0x5a: {  	_ =	shalt  }
0x5b: {  	_ =	shalt  }
0x5c: {  	_ =	shalt  }
0x5d: {  	_ =	shalt  }
0x5e: {  	_ =	shalt  }
0x5f: {  	_ =	shalt  }
0x60: {  	_ =	shalt  }
0x61: {  	_ =	shalt  }
0x62: {  	_ =	shalt  }
0x63: {  	_ =	shalt  }
0x64: {  	_ =	shalt  }
0x65: {  	_ =	shalt  }
0x66: {  	_ =	shalt  }
0x67: {  	_ =	shalt  }
0x68: {  	_ =	shalt  }
0x69: {  	_ =	shalt  }
0x6a: {  	_ =	shalt  }
0x6b: {  	_ =	shalt  }
0x6c: {  	_ =	shalt  }
0x6d: {  	_ =	shalt  }
0x6e: {  	_ =	shalt  }
0x6f: {  	_ =	shalt  }
0x70: {  	_ =	shalt  }
0x71: {  	_ =	shalt  }
0x72: {  	_ =	shalt  }
0x73: {  	_ =	shalt  }
0x74: {  	_ =	shalt  }
0x75: {  	_ =	shalt  }
0x76: {  	_ =	shalt  }
0x77: {  	_ =	shalt  }
0x78: {  	_ =	shalt  }
0x79: {  	_ =	shalt  }
0x7a: {  	_ =	shalt  }
0x7b: {  	_ =	shalt  }
0x7c: {  	_ =	shalt  }
0x7d: {  	_ =	shalt  }
0x7e: {  	_ =	shalt  }
0x7f: {  	_ =	shalt  }
0x80: {  	_ =	shalt  }
0x81: {  	_ =	shalt  }
0x82: {  	_ =	shalt  }
0x83: {  	_ =	shalt  }
0x84: {  	_ =	shalt  }
0x85: {  	_ =	shalt  }
0x86: {  	_ =	shalt  }
0x87: {  	_ =	shalt  }
.Lfunc_end0:
.L_simem_size_0:
called_computation.2_lowered:
.L_overlay_start_0:
0x88: {  	s2 =	sld [smem:$0x3FD9]  }
0x89: {  	s3 =	sld [smem:$0x3FFE];
	_ =	sdelay $0x1  }
0x8a: {  	s1 =	srdreg.scid  }
0x8b: {  	s0 =	sand.u32 $0x1, s1  }
0x8c: {  	s17 =	sshll.u32 s0, $0xA;
	s2 =	sadd.s32 s3, s2  }
0x8d: {  	s2 =	sadd.s32 s2, s17  }
0x8e: {  	[smem:$0x3FC3] =	sst s2  }
0x8f: {  	_ = 	snop  }
0x90: {  	s2 =	sld [smem:$0x3FD0];
	(tm) =	ssettm $0x1  }
0x91: {  	s18 =	sld [smem:$0x3FFB];
	_ =	sdelay $0x3  }
0x92: {  	_ =	strace s18  }
0x93: {  	s3 =	sld [smem:$0x3FFC];
	_ =	sdelay $0x3  }
0x94: {  	_ =	strace s3  }
0x95: {  	s3 =	sld [smem:$0x3FFD];
	_ =	sdelay $0x3  }
0x96: {  	_ =	strace s3  }
0x97: {  	_ =	strace $0x8FFFFFFF  }
0x98: {  	s19 =	sld [smem:$0x3FDB];
	_ =	sdelay $0x1  }
0x99: {  	s4 =	simm.s32 $_scs_section_size  }
0x9a: {  	s5 =	simm.s32 $_size__tile_overlayer_lowered;
	s6 =	simm.s32 $_tile_overlayer_lowered  }
0x9b: {  	s22 =	simm.s32 $0x1BFF;
	s21 =	sshll.u32 s6, $0x1;
	s3 =	sadd.s32 s4, s19  }
0x9c: {  	s7 =	simm.s32 $0x0;
	s20 =	sshll.u32 s5, $0x1;
	s5 =	sadd.s32 s21, s3  }
0x9d: {  	[timem:s7], [sflag:s22] =	dma.local [hbm:s5], s20  }
0x9e: {  	_ =	swait.ge [sflag:s22], s20  }
0x9f: {  	s4 =	ssub.s32 $0x0, s20;
	[sflag:s22] =	ssyncset.done $0x0  }
0xa0: {  	[sflag:s22] =	ssyncadd.s32 s4;
	_ =	sdelay $0x1  }
0xa1: {  	s23 =	simm.s32 $0x1B8B  }
0xa2: {  	_ =	swait.ge [sflag:s23], $0x1  }
0xa3: {  	[sflag:s23] =	ssyncset.done $0x0  }
0xa4: {  	s25 =	simm.s32 $0x1B8E;
	s24 =	sld [smem:$0x3FFE];
	[sflag:s23] =	ssyncadd.s32 $0xFFFFFFFF  }
0xa5: {  	s26 =	simm.s32 $execute0_lowered;
	[smem:$0x3FD2] =	sst s25  }
0xa6: {  	s5 =	sshll.u32 s26, $0x1;
	_ =	strace $0x8000004C;
	[dreg:$0x1] =	wrdreg $0xFFFFFFFF  }
0xa7: {  	s28 =	simm.s32 $_size_execute0_lowered;
	s3 =	sadd.s32 s3, s5;
	[dreg:$0x0] =	wrdreg $0x0  }
0xa8: {  	s5 =	sshll.u32 s28, $0x1;
	[dreg:$0x2] =	wrdreg s3  }
0xa9: {  	[dreg:$0x3] =	wrdreg s5  }
0xaa: {  	[dreg:$0x4] =	wrdreg $0xC0  }
0xab: {  	_ =	task [dreg:s7], $0x5FFFF  }
0xac: {  	[dreg:$0x1] =	wrdreg $0xFFFFFFFF  }
0xad: {  	[dreg:$0x0] =	wrdreg $0x60  }
0xae: {  	[dreg:$0x2] =	wrdreg s2  }
0xaf: {  	[dreg:$0x3] =	wrdreg s24  }
0xb0: {  	[dreg:$0x4] =	wrdreg $0x0  }
0xb1: {  	[dreg:$0x5] =	wrdreg $0x9  }
0xb2: {  	_ =	task.clear_ibuf [dreg:s7], $0x6FFFF;
	_ =	strace $0x9000004C  }
0xb3: {  	s29 =	simm.s32 $0x9;
	_ =	strace $0x8000004E  }
0xb4: {  	_ =	swait.ge [sflag:s29], $0x1  }
0xb5: {  	[sflag:s29] =	ssyncadd.s32 $0xFFFFFFFF  }
0xb6: {  	_ =	strace $0x9000004E  }
0xb7: {  	_ =	sfence  }
0xb8: {  	s30 =	sld [smem:$0x0];
	_ =	sdelay $0x2  }
0xb9: {  	s31 =	sshll.u32 s1, $0xD;
	s1 =	sshrl.u32 s1, $0x2  }
0xba: {  	s3 =	sand.u32 $0x4000, s31;
	s1 =	sadd.s32 s1, s30  }
0xbb: {  	s0 =	sor.u32 s3, s0;
	s1 =	sshll.u32 s1, $0x11  }
0xbc: {  	s0 =	sor.u32 s1, s0  }
0xbd: {  	s0 =	sadd.s32 $0x8F2B, s0  }
0xbe: {  	[sflag:s0] =	ssyncadd.remote.s32 $0x1  }
0xbf: {  	_ =	sfence.sel $0xFFFF  }
0xc0: {  	[dreg:$0x0] =	wrdreg $0xFFFFFFFF;
	(pc) =	sbr.abs _section_cstart, $3  }
0xc1: {  	[dreg:$0x1] =	wrdreg $0xFFFFFFFF  }
0xc2: {  	_ =	task.clear_ibuf [dreg:s7], $0x2FFFF;
	_ =	strace $0x9FFFFFFF  }
0xc3: {  	(tm) =	ssettm $0x7FFFFFFF  }
tec
execute0_lowered:
.L_overlay_start_1:
0x0: {  	(tag) =	ssettag $0x1  }
0x1: {  	s0 =	rddreg [dreg:$0x0]  }
0x2: {  	s1 =	rddreg [dreg:$0x1]  }
0x3: {  	s2 =	rddreg [dreg:$0x2];
	s4 =	srdreg.scid  }
0x4: {  	s3 =	simm.s32 $0x0;
	s11 =	stileid.u32;
	s15 =	simm.s32 $0x100  }
0x5: {  	s31 =	simm.s32 $0x80;
	s4 =	sand.u32 $0x1, s4;
	[smem:$0x7FF] =	sst s3  }
0x6: {  	s5 =	sshll.u32 s11, $0xC;
	s8 =	sshll.u32 s11, $0x7;
	s10 =	sadd.s32 $0xB000, s1  }
0x7: {  	s26 =	sshll.u32 s11, $0x10;
	s29 =	sshll.u32 s11, $0xD;
	s30 =	sshll.u32 s11, $0x6  }
0x8: {  	s6 =	sshll.u32 s4, $0x11;
	s9 =	sshll.u32 s4, $0xB;
	_ =	strace $0x8000004D  }
0x9: {  	s4 =	ssub.s32 $0x2, s4;
	[dreg:$0x4] =	wrdreg s10;
	s0 =	sadd.s32 s5, s0  }
0xa: {  	[dreg:$0x8] =	wrdreg s31;
	s7 =	sor.u32 s5, s6;
	s9 =	sor.u32 s8, s9  }
0xb: {  	s8 =	sadd.s32 s8, s1;
	s23 =	sshrl.u32 s4, $0x1;
	[dreg:$0xf] =	wrdreg s0  }
0xc: {  	s5 =	simm.s32 $0x10008;
	s0 =	simm.s32 $0x0;
	s7 =	sshrl.u32 s7, $0x3  }
0xd: {  	s9 =	sshrl.u32 s9, $0x3;
	s4 =	ssub.s32 s4, s23;
	s24 =	sadd.s32 $0x2600, s8  }
0xe: {  	s9 =	sadd.s32 s9, s1;
	[dreg:$0xc] =	wrdreg s24;
	s4 =	smax.u32 s4, $0x1  }
0xf: {  	s7 =	sadd.s32 s7, s1;
	s25 =	sadd.s32 $0x2E00, s9;
	[dreg:$0xe] =	wrdreg s4  }
0x10: {  	s1 =	sadd.s32 s6, s1;
	s28 =	sadd.s32 $0x3000, s7;
	[dreg:$0xd] =	wrdreg s25  }
0x11: {  	s6 =	sadd.s32 s26, s2;
	s7 =	sadd.s32 $0x5000, s7;
	[dreg:$0x5] =	wrdreg s28  }
0x12: {  	s1 =	sadd.s32 s29, s1;
	s4 =	sshrl.u32 s6, $0x3;
	[dreg:$0x6] =	wrdreg s7  }
0x13: {  	s26 =	simm.s32 $0x19408;
	s1 =	sadd.s32 $0xD000, s1;
	[dreg:$0xa] =	wrdreg s4  }
0x14: {  	s9 =	simm.s32 $0x1;
	[dreg:$0x7] =	wrdreg s1;
	s1 =	sor.u32 $0x1C01, s30  }
0x15: {  	s6 =	simm.s32 $0x18008;
	s25 =	simm.s32 $0x19008;
	[dreg:$0x9] =	wrdreg s1  }
.LBB2_1:
0x16: {  	[dreg:$0x10] =	wrdreg s0  }
0x17: {  	s23 =	rddreg [dreg:$0xc]  }
0x18: {  	[tilespmem:s25], [sflag:$0x1] =	stream.linear.gather [hbm4b:s23+s3], $0x400, $0x38;
	[tilespmem:$0x19488] =	vst v63  }
0x19: {  	_ =	swait.ge [sflag:s9], $0x400  }
0x1a: {  	[sflag:s9] =	ssyncset.done $0x0  }
0x1b: {  	s0 =	rddreg [dreg:$0xd];
	[sflag:s9] =	ssyncadd.s32 $0xFFFFFC00  }
0x1c: {  	[tilespmem:s26], [sflag:$0x1] =	stream.linear.gather [hbm4b:s0+s3], $0x80, $0x38;
	[tilespmem:$0x19488] =	vst v63  }
0x1d: {  	_ =	swait.ge [sflag:s9], $0x80  }
0x1e: {  	[sflag:s9] =	ssyncset.done $0x0  }
0x1f: {  	s3 =	rddreg [dreg:$0x4];
	[sflag:s9] =	ssyncadd.s32 $0xFFFFFF80  }
0x20: {  	[spmem:s4], [sflag:s1] =	dma.local [hbm:s3], $0x2000  }
0x21: {  	_ =	swait.ge [sflag:s9], $0x2000  }
0x22: {  	[sflag:s9] =	ssyncset.done $0x0  }
0x23: {  	[sflag:s9] =	ssyncadd.s32 $0xFFFFE000  }
0x24: {  	[bflag:$0x0] =	sbarrier.arrive $0xFFFF  }
0x25: {  	s11 =	simm.s32 $0x0;
	s24 =	rddreg [dreg:$0xf]  }
0x26: {  	[tilespmem:s5], [sflag:$0x1] =	stream.linear.gather [hbm4b:s24+s11], $0x8000, $0x38;
	[tilespmem:$0x19488] =	vst v63  }
0x27: {  	_ =	swait.ge [sflag:s9], $0x8000  }
0x28: {  	[sflag:s9] =	ssyncset.done $0x0  }
0x29: {  	s4 =	rddreg [dreg:$0x5];
	[sflag:s9] =	ssyncadd.s32 $0xFFFF8000  }
0x2a: {  	[tilespmem:s6], [sflag:$0x1] =	stream.linear.gather [hbm4b:s4+s11], $0x1000, $0x38;
	[tilespmem:$0x19488] =	vst v63  }
0x2b: {  	_ =	swait.ge [sflag:s9], $0x1000  }
0x2c: {  	[sflag:s9] =	ssyncset.done $0x0  }
0x2d: {  	[sflag:s9] =	ssyncadd.s32 $0xFFFFF000  }
0x2e: {  	[spmem:s2] =	stream.indirect.scatter.add.f32 [tilespmem:s5], [sflag:$0x1], $0x8, s6, s15, $0xb8;
	[tilespmem:$0x19488] =	vst v63  }
0x2f: {  	_ =	swait.ge [sflag:s9], $0x800  }
0x30: {  	[sflag:s9] =	ssyncset.done $0x0  }
0x31: {  	s16 =	simm.s32 $0x10808;
	s6 =	simm.s32 $0x18108;
	[sflag:s9] =	ssyncadd.s32 $0xFFFFF800  }
0x32: {  	[spmem:s2] =	stream.indirect.scatter.add.f32 [tilespmem:s16], [sflag:$0x1], $0x8, s6, s15, $0xb8;
	[tilespmem:$0x19488] =	vst v63  }
0x33: {  	_ =	swait.ge [sflag:s9], $0x800  }
0x34: {  	[sflag:s9] =	ssyncset.done $0x0  }
0x35: {  	s17 =	simm.s32 $0x18208;
	s18 =	simm.s32 $0x11008;
	[sflag:s9] =	ssyncadd.s32 $0xFFFFF800  }
0x36: {  	[spmem:s2] =	stream.indirect.scatter.add.f32 [tilespmem:s18], [sflag:$0x1], $0x8, s17, s15, $0xb8;
	[tilespmem:$0x19488] =	vst v63  }
0x37: {  	_ =	swait.ge [sflag:s9], $0x800  }
0x38: {  	[sflag:s9] =	ssyncset.done $0x0  }
0x39: {  	s19 =	simm.s32 $0x18308;
	s20 =	simm.s32 $0x11808;
	[sflag:s9] =	ssyncadd.s32 $0xFFFFF800  }
0x3a: {  	[spmem:s2] =	stream.indirect.scatter.add.f32 [tilespmem:s20], [sflag:$0x1], $0x8, s19, s15, $0xb8;
	[tilespmem:$0x19488] =	vst v63  }
0x3b: {  	_ =	swait.ge [sflag:s9], $0x800  }
0x3c: {  	[sflag:s9] =	ssyncset.done $0x0  }
0x3d: {  	s21 =	simm.s32 $0x18408;
	s22 =	simm.s32 $0x12008;
	[sflag:s9] =	ssyncadd.s32 $0xFFFFF800  }
0x3e: {  	[spmem:s2] =	stream.indirect.scatter.add.f32 [tilespmem:s22], [sflag:$0x1], $0x8, s21, s15, $0xb8;
	[tilespmem:$0x19488] =	vst v63  }
0x3f: {  	_ =	swait.ge [sflag:s9], $0x800  }
0x40: {  	[sflag:s9] =	ssyncset.done $0x0  }
0x41: {  	s28 =	simm.s32 $0x18508;
	s29 =	simm.s32 $0x12808;
	[sflag:s9] =	ssyncadd.s32 $0xFFFFF800  }
0x42: {  	[spmem:s2] =	stream.indirect.scatter.add.f32 [tilespmem:s29], [sflag:$0x1], $0x8, s28, s15, $0xb8;
	[tilespmem:$0x19488] =	vst v63  }
0x43: {  	_ =	swait.ge [sflag:s9], $0x800  }
0x44: {  	[sflag:s9] =	ssyncset.done $0x0  }
0x45: {  	s30 =	simm.s32 $0x18608;
	s31 =	simm.s32 $0x13008;
	[sflag:s9] =	ssyncadd.s32 $0xFFFFF800  }
0x46: {  	[spmem:s2] =	stream.indirect.scatter.add.f32 [tilespmem:s31], [sflag:$0x1], $0x8, s30, s15, $0xb8;
	[tilespmem:$0x19488] =	vst v63  }
0x47: {  	_ =	swait.ge [sflag:s9], $0x800  }
0x48: {  	[sflag:s9] =	ssyncset.done $0x0  }
0x49: {  	s7 =	simm.s32 $0x18708;
	s1 =	simm.s32 $0x13808;
	[sflag:s9] =	ssyncadd.s32 $0xFFFFF800  }
0x4a: {  	[spmem:s2] =	stream.indirect.scatter.add.f32 [tilespmem:s1], [sflag:$0x1], $0x8, s7, s15, $0xb8;
	[tilespmem:$0x19488] =	vst v63  }
0x4b: {  	_ =	swait.ge [sflag:s9], $0x800  }
0x4c: {  	[sflag:s9] =	ssyncset.done $0x0  }
0x4d: {  	s4 =	simm.s32 $0x18808;
	s5 =	simm.s32 $0x14008;
	[sflag:s9] =	ssyncadd.s32 $0xFFFFF800  }
0x4e: {  	[spmem:s2] =	stream.indirect.scatter.add.f32 [tilespmem:s5], [sflag:$0x1], $0x8, s4, s15, $0xb8;
	[tilespmem:$0x19488] =	vst v63  }
0x4f: {  	_ =	swait.ge [sflag:s9], $0x800  }
0x50: {  	[sflag:s9] =	ssyncset.done $0x0  }
0x51: {  	s8 =	simm.s32 $0x18908;
	s7 =	simm.s32 $0x14808;
	[sflag:s9] =	ssyncadd.s32 $0xFFFFF800  }
0x52: {  	[spmem:s2] =	stream.indirect.scatter.add.f32 [tilespmem:s7], [sflag:$0x1], $0x8, s8, s15, $0xb8;
	[tilespmem:$0x19488] =	vst v63  }
0x53: {  	_ =	swait.ge [sflag:s9], $0x800  }
0x54: {  	[sflag:s9] =	ssyncset.done $0x0  }
0x55: {  	s10 =	simm.s32 $0x18A08;
	s3 =	simm.s32 $0x15008;
	[sflag:s9] =	ssyncadd.s32 $0xFFFFF800  }
0x56: {  	[spmem:s2] =	stream.indirect.scatter.add.f32 [tilespmem:s3], [sflag:$0x1], $0x8, s10, s15, $0xb8;
	[tilespmem:$0x19488] =	vst v63  }
0x57: {  	_ =	swait.ge [sflag:s9], $0x800  }
0x58: {  	[sflag:s9] =	ssyncset.done $0x0  }
0x59: {  	s12 =	simm.s32 $0x18B08;
	s13 =	simm.s32 $0x15808;
	[sflag:s9] =	ssyncadd.s32 $0xFFFFF800  }
0x5a: {  	[spmem:s2] =	stream.indirect.scatter.add.f32 [tilespmem:s13], [sflag:$0x1], $0x8, s12, s15, $0xb8;
	[tilespmem:$0x19488] =	vst v63  }
0x5b: {  	_ =	swait.ge [sflag:s9], $0x800  }
0x5c: {  	[sflag:s9] =	ssyncset.done $0x0  }
0x5d: {  	s6 =	simm.s32 $0x16008;
	s8 =	simm.s32 $0x18C08;
	[sflag:s9] =	ssyncadd.s32 $0xFFFFF800  }
0x5e: {  	[spmem:s2] =	stream.indirect.scatter.add.f32 [tilespmem:s6], [sflag:$0x1], $0x8, s8, s15, $0xb8;
	[tilespmem:$0x19488] =	vst v63  }
0x5f: {  	_ =	swait.ge [sflag:s9], $0x800  }
0x60: {  	[sflag:s9] =	ssyncset.done $0x0  }
0x61: {  	s10 =	simm.s32 $0x18D08;
	s8 =	simm.s32 $0x16808;
	[sflag:s9] =	ssyncadd.s32 $0xFFFFF800  }
0x62: {  	[spmem:s2] =	stream.indirect.scatter.add.f32 [tilespmem:s8], [sflag:$0x1], $0x8, s10, s15, $0xb8;
	[tilespmem:$0x19488] =	vst v63  }
0x63: {  	_ =	swait.ge [sflag:s9], $0x800  }
0x64: {  	[sflag:s9] =	ssyncset.done $0x0  }
0x65: {  	s12 =	simm.s32 $0x18E08;
	s10 =	simm.s32 $0x17008;
	[sflag:s9] =	ssyncadd.s32 $0xFFFFF800  }
0x66: {  	[spmem:s2] =	stream.indirect.scatter.add.f32 [tilespmem:s10], [sflag:$0x1], $0x8, s12, s15, $0xb8;
	[tilespmem:$0x19488] =	vst v63  }
0x67: {  	_ =	swait.ge [sflag:s9], $0x800  }
0x68: {  	[sflag:s9] =	ssyncset.done $0x0  }
0x69: {  	s23 =	simm.s32 $0x18F08;
	s12 =	simm.s32 $0x17808;
	[sflag:s9] =	ssyncadd.s32 $0xFFFFF800  }
0x6a: {  	[spmem:s2] =	stream.indirect.scatter.add.f32 [tilespmem:s12], [sflag:$0x1], $0x8, s23, s15, $0xb8;
	[tilespmem:$0x19488] =	vst v63  }
0x6b: {  	_ =	swait.ge [sflag:s9], $0x800  }
0x6c: {  	[sflag:s9] =	ssyncset.done $0x0  }
0x6d: {  	s0 =	simm.s32 $0x10008;
	s23 =	sadd.s32 $0x10000, s24;
	[sflag:s9] =	ssyncadd.s32 $0xFFFFF800  }
0x6e: {  	[tilespmem:s0], [sflag:$0x1] =	stream.linear.gather [hbm4b:s23+s11], $0x8000, $0x38;
	[tilespmem:$0x19488] =	vst v63  }
0x6f: {  	_ =	swait.ge [sflag:s9], $0x8000  }
0x70: {  	[sflag:s9] =	ssyncset.done $0x0  }
0x71: {  	s14 =	simm.s32 $0x18008;
	s23 =	rddreg [dreg:$0x6];
	[sflag:s9] =	ssyncadd.s32 $0xFFFF8000  }
0x72: {  	[tilespmem:s14], [sflag:$0x1] =	stream.linear.gather [hbm4b:s23+s11], $0x1000, $0x38;
	[tilespmem:$0x19488] =	vst v63  }
0x73: {  	_ =	swait.ge [sflag:s9], $0x1000  }
0x74: {  	[sflag:s9] =	ssyncset.done $0x0  }
0x75: {  	[sflag:s9] =	ssyncadd.s32 $0xFFFFF000  }
0x76: {  	[spmem:s2] =	stream.indirect.scatter.add.f32 [tilespmem:s0], [sflag:$0x1], $0x8, s14, s15, $0xb8;
	[tilespmem:$0x19488] =	vst v63  }
0x77: {  	_ =	swait.ge [sflag:s9], $0x800  }
0x78: {  	[sflag:s9] =	ssyncset.done $0x0  }
0x79: {  	s14 =	simm.s32 $0x18108;
	[sflag:s9] =	ssyncadd.s32 $0xFFFFF800  }
0x7a: {  	[spmem:s2] =	stream.indirect.scatter.add.f32 [tilespmem:s16], [sflag:$0x1], $0x8, s14, s15, $0xb8;
	[tilespmem:$0x19488] =	vst v63  }
0x7b: {  	_ =	swait.ge [sflag:s9], $0x800  }
0x7c: {  	[sflag:s9] =	ssyncset.done $0x0  }
0x7d: {  	[sflag:s9] =	ssyncadd.s32 $0xFFFFF800  }
0x7e: {  	[spmem:s2] =	stream.indirect.scatter.add.f32 [tilespmem:s18], [sflag:$0x1], $0x8, s17, s15, $0xb8;
	[tilespmem:$0x19488] =	vst v63  }
0x7f: {  	_ =	swait.ge [sflag:s9], $0x800  }
0x80: {  	[sflag:s9] =	ssyncset.done $0x0  }
0x81: {  	[sflag:s9] =	ssyncadd.s32 $0xFFFFF800  }
0x82: {  	[spmem:s2] =	stream.indirect.scatter.add.f32 [tilespmem:s20], [sflag:$0x1], $0x8, s19, s15, $0xb8;
	[tilespmem:$0x19488] =	vst v63  }
0x83: {  	_ =	swait.ge [sflag:s9], $0x800  }
0x84: {  	[sflag:s9] =	ssyncset.done $0x0  }
0x85: {  	[sflag:s9] =	ssyncadd.s32 $0xFFFFF800  }
0x86: {  	[spmem:s2] =	stream.indirect.scatter.add.f32 [tilespmem:s22], [sflag:$0x1], $0x8, s21, s15, $0xb8;
	[tilespmem:$0x19488] =	vst v63  }
0x87: {  	_ =	swait.ge [sflag:s9], $0x800  }
0x88: {  	[sflag:s9] =	ssyncset.done $0x0  }
0x89: {  	[sflag:s9] =	ssyncadd.s32 $0xFFFFF800  }
0x8a: {  	[spmem:s2] =	stream.indirect.scatter.add.f32 [tilespmem:s29], [sflag:$0x1], $0x8, s28, s15, $0xb8;
	[tilespmem:$0x19488] =	vst v63  }
0x8b: {  	_ =	swait.ge [sflag:s9], $0x800  }
0x8c: {  	[sflag:s9] =	ssyncset.done $0x0  }
0x8d: {  	[sflag:s9] =	ssyncadd.s32 $0xFFFFF800  }
0x8e: {  	[spmem:s2] =	stream.indirect.scatter.add.f32 [tilespmem:s31], [sflag:$0x1], $0x8, s30, s15, $0xb8;
	[tilespmem:$0x19488] =	vst v63  }
0x8f: {  	_ =	swait.ge [sflag:s9], $0x800  }
0x90: {  	[sflag:s9] =	ssyncset.done $0x0  }
0x91: {  	s18 =	simm.s32 $0x18708;
	[sflag:s9] =	ssyncadd.s32 $0xFFFFF800  }
0x92: {  	[spmem:s2] =	stream.indirect.scatter.add.f32 [tilespmem:s1], [sflag:$0x1], $0x8, s18, s15, $0xb8;
	[tilespmem:$0x19488] =	vst v63  }
0x93: {  	s1 =	rddreg [dreg:$0x9];
	_ =	swait.ge [sflag:s9], $0x800  }
0x94: {  	[sflag:s9] =	ssyncset.done $0x0  }
0x95: {  	[sflag:s9] =	ssyncadd.s32 $0xFFFFF800  }
0x96: {  	[spmem:s2] =	stream.indirect.scatter.add.f32 [tilespmem:s5], [sflag:$0x1], $0x8, s4, s15, $0xb8;
	[tilespmem:$0x19488] =	vst v63  }
0x97: {  	s4 =	rddreg [dreg:$0xa];
	_ =	swait.ge [sflag:s9], $0x800  }
0x98: {  	[sflag:s9] =	ssyncset.done $0x0  }
0x99: {  	s19 =	simm.s32 $0x18908;
	[sflag:s9] =	ssyncadd.s32 $0xFFFFF800  }
0x9a: {  	[spmem:s2] =	stream.indirect.scatter.add.f32 [tilespmem:s7], [sflag:$0x1], $0x8, s19, s15, $0xb8;
	[tilespmem:$0x19488] =	vst v63  }
0x9b: {  	_ =	swait.ge [sflag:s9], $0x800  }
0x9c: {  	[sflag:s9] =	ssyncset.done $0x0  }
0x9d: {  	s20 =	simm.s32 $0x18A08;
	[sflag:s9] =	ssyncadd.s32 $0xFFFFF800  }
0x9e: {  	[spmem:s2] =	stream.indirect.scatter.add.f32 [tilespmem:s3], [sflag:$0x1], $0x8, s20, s15, $0xb8;
	[tilespmem:$0x19488] =	vst v63  }
0x9f: {  	_ =	swait.ge [sflag:s9], $0x800  }
0xa0: {  	[sflag:s9] =	ssyncset.done $0x0  }
0xa1: {  	s21 =	simm.s32 $0x18B08;
	[sflag:s9] =	ssyncadd.s32 $0xFFFFF800  }
0xa2: {  	[spmem:s2] =	stream.indirect.scatter.add.f32 [tilespmem:s13], [sflag:$0x1], $0x8, s21, s15, $0xb8;
	[tilespmem:$0x19488] =	vst v63  }
0xa3: {  	_ =	swait.ge [sflag:s9], $0x800  }
0xa4: {  	[sflag:s9] =	ssyncset.done $0x0  }
0xa5: {  	s22 =	simm.s32 $0x18C08;
	[sflag:s9] =	ssyncadd.s32 $0xFFFFF800  }
0xa6: {  	[spmem:s2] =	stream.indirect.scatter.add.f32 [tilespmem:s6], [sflag:$0x1], $0x8, s22, s15, $0xb8;
	[tilespmem:$0x19488] =	vst v63  }
0xa7: {  	_ =	swait.ge [sflag:s9], $0x800  }
0xa8: {  	[sflag:s9] =	ssyncset.done $0x0  }
0xa9: {  	s23 =	simm.s32 $0x18D08;
	[sflag:s9] =	ssyncadd.s32 $0xFFFFF800  }
0xaa: {  	[spmem:s2] =	stream.indirect.scatter.add.f32 [tilespmem:s8], [sflag:$0x1], $0x8, s23, s15, $0xb8;
	[tilespmem:$0x19488] =	vst v63  }
0xab: {  	_ =	swait.ge [sflag:s9], $0x800  }
0xac: {  	[sflag:s9] =	ssyncset.done $0x0  }
0xad: {  	s28 =	simm.s32 $0x18E08;
	[sflag:s9] =	ssyncadd.s32 $0xFFFFF800  }
0xae: {  	[spmem:s2] =	stream.indirect.scatter.add.f32 [tilespmem:s10], [sflag:$0x1], $0x8, s28, s15, $0xb8;
	[tilespmem:$0x19488] =	vst v63  }
0xaf: {  	_ =	swait.ge [sflag:s9], $0x800  }
0xb0: {  	[sflag:s9] =	ssyncset.done $0x0  }
0xb1: {  	s29 =	simm.s32 $0x18F08;
	[sflag:s9] =	ssyncadd.s32 $0xFFFFF800  }
0xb2: {  	[spmem:s2] =	stream.indirect.scatter.add.f32 [tilespmem:s12], [sflag:$0x1], $0x8, s29, s15, $0xb8;
	[tilespmem:$0x19488] =	vst v63  }
0xb3: {  	_ =	swait.ge [sflag:s9], $0x800  }
0xb4: {  	[sflag:s9] =	ssyncset.done $0x0  }
0xb5: {  	s30 =	rddreg [dreg:$0x8];
	[sflag:s9] =	ssyncadd.s32 $0xFFFFF800  }
0xb6: {  	[spmem:s2] =	stream.indirect.scatter.add.f32 [tilespmem:s25], [sflag:$0x1], $0x8, s26, s30, $0xb8;
	[tilespmem:$0x19488] =	vst v63  }
0xb7: {  	_ =	swait.ge [sflag:s9], $0x400  }
0xb8: {  	[sflag:s9] =	ssyncset.done $0x0  }
0xb9: {  	[sflag:s9] =	ssyncadd.s32 $0xFFFFFC00  }
0xba: {  	[bflag:$0x0] =	sbarrier.arrive $0xFFFF  }
0xbb: {  	s31 =	rddreg [dreg:$0x7]  }
0xbc: {  	s23 =	sadd.s32 $0x0, s31  }
0xbd: {  	[hbm:s23], [sflag:s1] =	dma.local [spmem:s4], $0x2000  }
0xbe: {  	_ =	swait.ge [sflag:s9], $0x2000  }
0xbf: {  	[sflag:s9] =	ssyncset.done $0x0  }
0xc0: {  	[sflag:s9] =	ssyncadd.s32 $0xFFFFE000  }
0xc1: {  	s23 =	simm.s32 $0x40000;
	[bflag:$0x0] =	sbarrier.arrive $0xFFFF  }
.LBB2_2:
0xc2: {  	s26 =	rddreg [dreg:$0x4];
	s0 =	smov.u32 s23  }
0xc3: {  	[dreg:$0xb] =	wrdreg s0  }
0xc4: {  	[spmem:s4], [sflag:s1] =	dma.local [hbm:s26], $0x2000  }
0xc5: {  	_ =	swait.ge [sflag:s9], $0x2000  }
0xc6: {  	[sflag:s9] =	ssyncset.done $0x0  }
0xc7: {  	s24 =	sadd.s32 $0x20000, s24;
	[sflag:s9] =	ssyncadd.s32 $0xFFFFE000  }
0xc8: {  	s11 =	simm.s32 $0x0;
	s0 =	simm.s32 $0x10008;
	[bflag:$0x0] =	sbarrier.arrive $0xFFFF  }
0xc9: {  	[tilespmem:s0], [sflag:$0x1] =	stream.linear.gather [hbm4b:s24+s11], $0x8000, $0x38;
	[tilespmem:$0x19488] =	vst v63  }
0xca: {  	_ =	swait.ge [sflag:s9], $0x8000  }
0xcb: {  	[sflag:s9] =	ssyncset.done $0x0  }
0xcc: {  	s14 =	simm.s32 $0x18008;
	s7 =	rddreg [dreg:$0x5];
	[sflag:s9] =	ssyncadd.s32 $0xFFFF8000  }
0xcd: {  	[tilespmem:s14], [sflag:$0x1] =	stream.linear.gather [hbm4b:s7+s11], $0x1000, $0x38;
	[tilespmem:$0x19488] =	vst v63  }
0xce: {  	_ =	swait.ge [sflag:s9], $0x1000  }
0xcf: {  	[sflag:s9] =	ssyncset.done $0x0  }
0xd0: {  	[sflag:s9] =	ssyncadd.s32 $0xFFFFF000  }
0xd1: {  	[spmem:s2] =	stream.indirect.scatter.add.f32 [tilespmem:s0], [sflag:$0x1], $0x8, s14, s15, $0xb8;
	[tilespmem:$0x19488] =	vst v63  }
0xd2: {  	_ =	swait.ge [sflag:s9], $0x800  }
0xd3: {  	[sflag:s9] =	ssyncset.done $0x0  }
0xd4: {  	s8 =	simm.s32 $0x18108;
	s16 =	simm.s32 $0x10808;
	[sflag:s9] =	ssyncadd.s32 $0xFFFFF800  }
0xd5: {  	[spmem:s2] =	stream.indirect.scatter.add.f32 [tilespmem:s16], [sflag:$0x1], $0x8, s8, s15, $0xb8;
	[tilespmem:$0x19488] =	vst v63  }
0xd6: {  	_ =	swait.ge [sflag:s9], $0x800  }
0xd7: {  	[sflag:s9] =	ssyncset.done $0x0  }
0xd8: {  	s17 =	simm.s32 $0x18208;
	s18 =	simm.s32 $0x11008;
	[sflag:s9] =	ssyncadd.s32 $0xFFFFF800  }
0xd9: {  	[spmem:s2] =	stream.indirect.scatter.add.f32 [tilespmem:s18], [sflag:$0x1], $0x8, s17, s15, $0xb8;
	[tilespmem:$0x19488] =	vst v63  }
0xda: {  	_ =	swait.ge [sflag:s9], $0x800  }
0xdb: {  	[sflag:s9] =	ssyncset.done $0x0  }
0xdc: {  	s19 =	simm.s32 $0x18308;
	s20 =	simm.s32 $0x11808;
	[sflag:s9] =	ssyncadd.s32 $0xFFFFF800  }
0xdd: {  	[spmem:s2] =	stream.indirect.scatter.add.f32 [tilespmem:s20], [sflag:$0x1], $0x8, s19, s15, $0xb8;
	[tilespmem:$0x19488] =	vst v63  }
0xde: {  	_ =	swait.ge [sflag:s9], $0x800  }
0xdf: {  	[sflag:s9] =	ssyncset.done $0x0  }
0xe0: {  	s21 =	simm.s32 $0x18408;
	s22 =	simm.s32 $0x12008;
	[sflag:s9] =	ssyncadd.s32 $0xFFFFF800  }
0xe1: {  	[spmem:s2] =	stream.indirect.scatter.add.f32 [tilespmem:s22], [sflag:$0x1], $0x8, s21, s15, $0xb8;
	[tilespmem:$0x19488] =	vst v63  }
0xe2: {  	_ =	swait.ge [sflag:s9], $0x800  }
0xe3: {  	[sflag:s9] =	ssyncset.done $0x0  }
0xe4: {  	s28 =	simm.s32 $0x18508;
	s29 =	simm.s32 $0x12808;
	[sflag:s9] =	ssyncadd.s32 $0xFFFFF800  }
0xe5: {  	[spmem:s2] =	stream.indirect.scatter.add.f32 [tilespmem:s29], [sflag:$0x1], $0x8, s28, s15, $0xb8;
	[tilespmem:$0x19488] =	vst v63  }
0xe6: {  	_ =	swait.ge [sflag:s9], $0x800  }
0xe7: {  	[sflag:s9] =	ssyncset.done $0x0  }
0xe8: {  	s30 =	simm.s32 $0x18608;
	s31 =	simm.s32 $0x13008;
	[sflag:s9] =	ssyncadd.s32 $0xFFFFF800  }
0xe9: {  	[spmem:s2] =	stream.indirect.scatter.add.f32 [tilespmem:s31], [sflag:$0x1], $0x8, s30, s15, $0xb8;
	[tilespmem:$0x19488] =	vst v63  }
0xea: {  	_ =	swait.ge [sflag:s9], $0x800  }
0xeb: {  	[sflag:s9] =	ssyncset.done $0x0  }
0xec: {  	s25 =	simm.s32 $0x18708;
	s1 =	simm.s32 $0x13808;
	[sflag:s9] =	ssyncadd.s32 $0xFFFFF800  }
0xed: {  	[spmem:s2] =	stream.indirect.scatter.add.f32 [tilespmem:s1], [sflag:$0x1], $0x8, s25, s15, $0xb8;
	[tilespmem:$0x19488] =	vst v63  }
0xee: {  	_ =	swait.ge [sflag:s9], $0x800  }
0xef: {  	[sflag:s9] =	ssyncset.done $0x0  }
0xf0: {  	s5 =	simm.s32 $0x14008;
	s4 =	simm.s32 $0x18808;
	[sflag:s9] =	ssyncadd.s32 $0xFFFFF800  }
0xf1: {  	[spmem:s2] =	stream.indirect.scatter.add.f32 [tilespmem:s5], [sflag:$0x1], $0x8, s4, s15, $0xb8;
	[tilespmem:$0x19488] =	vst v63  }
0xf2: {  	_ =	swait.ge [sflag:s9], $0x800  }
0xf3: {  	[sflag:s9] =	ssyncset.done $0x0  }
0xf4: {  	s3 =	simm.s32 $0x18908;
	s7 =	simm.s32 $0x14808;
	[sflag:s9] =	ssyncadd.s32 $0xFFFFF800  }
0xf5: {  	[spmem:s2] =	stream.indirect.scatter.add.f32 [tilespmem:s7], [sflag:$0x1], $0x8, s3, s15, $0xb8;
	[tilespmem:$0x19488] =	vst v63  }
0xf6: {  	_ =	swait.ge [sflag:s9], $0x800  }
0xf7: {  	[sflag:s9] =	ssyncset.done $0x0  }
0xf8: {  	s6 =	simm.s32 $0x18A08;
	s3 =	simm.s32 $0x15008;
	[sflag:s9] =	ssyncadd.s32 $0xFFFFF800  }
0xf9: {  	[spmem:s2] =	stream.indirect.scatter.add.f32 [tilespmem:s3], [sflag:$0x1], $0x8, s6, s15, $0xb8;
	[tilespmem:$0x19488] =	vst v63  }
0xfa: {  	_ =	swait.ge [sflag:s9], $0x800  }
0xfb: {  	[sflag:s9] =	ssyncset.done $0x0  }
0xfc: {  	s10 =	simm.s32 $0x18B08;
	s13 =	simm.s32 $0x15808;
	[sflag:s9] =	ssyncadd.s32 $0xFFFFF800  }
0xfd: {  	[spmem:s2] =	stream.indirect.scatter.add.f32 [tilespmem:s13], [sflag:$0x1], $0x8, s10, s15, $0xb8;
	[tilespmem:$0x19488] =	vst v63  }
0xfe: {  	_ =	swait.ge [sflag:s9], $0x800  }
0xff: {  	[sflag:s9] =	ssyncset.done $0x0  }
0x100: {  	s8 =	simm.s32 $0x18C08;
	s6 =	simm.s32 $0x16008;
	[sflag:s9] =	ssyncadd.s32 $0xFFFFF800  }
0x101: {  	[spmem:s2] =	stream.indirect.scatter.add.f32 [tilespmem:s6], [sflag:$0x1], $0x8, s8, s15, $0xb8;
	[tilespmem:$0x19488] =	vst v63  }
0x102: {  	_ =	swait.ge [sflag:s9], $0x800  }
0x103: {  	[sflag:s9] =	ssyncset.done $0x0  }
0x104: {  	s10 =	simm.s32 $0x18D08;
	s8 =	simm.s32 $0x16808;
	[sflag:s9] =	ssyncadd.s32 $0xFFFFF800  }
0x105: {  	[spmem:s2] =	stream.indirect.scatter.add.f32 [tilespmem:s8], [sflag:$0x1], $0x8, s10, s15, $0xb8;
	[tilespmem:$0x19488] =	vst v63  }
0x106: {  	_ =	swait.ge [sflag:s9], $0x800  }
0x107: {  	[sflag:s9] =	ssyncset.done $0x0  }
0x108: {  	s12 =	simm.s32 $0x18E08;
	s10 =	simm.s32 $0x17008;
	[sflag:s9] =	ssyncadd.s32 $0xFFFFF800  }
0x109: {  	[spmem:s2] =	stream.indirect.scatter.add.f32 [tilespmem:s10], [sflag:$0x1], $0x8, s12, s15, $0xb8;
	[tilespmem:$0x19488] =	vst v63  }
0x10a: {  	_ =	swait.ge [sflag:s9], $0x800  }
0x10b: {  	[sflag:s9] =	ssyncset.done $0x0  }
0x10c: {  	s26 =	simm.s32 $0x18F08;
	s12 =	simm.s32 $0x17808;
	[sflag:s9] =	ssyncadd.s32 $0xFFFFF800  }
0x10d: {  	[spmem:s2] =	stream.indirect.scatter.add.f32 [tilespmem:s12], [sflag:$0x1], $0x8, s26, s15, $0xb8;
	[tilespmem:$0x19488] =	vst v63  }
0x10e: {  	_ =	swait.ge [sflag:s9], $0x800  }
0x10f: {  	[sflag:s9] =	ssyncset.done $0x0  }
0x110: {  	s26 =	sadd.s32 $0x10000, s24;
	[sflag:s9] =	ssyncadd.s32 $0xFFFFF800  }
0x111: {  	[tilespmem:s0], [sflag:$0x1] =	stream.linear.gather [hbm4b:s26+s11], $0x8000, $0x38;
	[tilespmem:$0x19488] =	vst v63  }
0x112: {  	_ =	swait.ge [sflag:s9], $0x8000  }
0x113: {  	[sflag:s9] =	ssyncset.done $0x0  }
0x114: {  	s26 =	rddreg [dreg:$0x6];
	[sflag:s9] =	ssyncadd.s32 $0xFFFF8000  }
0x115: {  	[tilespmem:s14], [sflag:$0x1] =	stream.linear.gather [hbm4b:s26+s11], $0x1000, $0x38;
	[tilespmem:$0x19488] =	vst v63  }
0x116: {  	_ =	swait.ge [sflag:s9], $0x1000  }
0x117: {  	[sflag:s9] =	ssyncset.done $0x0  }
0x118: {  	[sflag:s9] =	ssyncadd.s32 $0xFFFFF000  }
0x119: {  	[spmem:s2] =	stream.indirect.scatter.add.f32 [tilespmem:s0], [sflag:$0x1], $0x8, s14, s15, $0xb8;
	[tilespmem:$0x19488] =	vst v63  }
0x11a: {  	_ =	swait.ge [sflag:s9], $0x800  }
0x11b: {  	[sflag:s9] =	ssyncset.done $0x0  }
0x11c: {  	s11 =	simm.s32 $0x18108;
	[sflag:s9] =	ssyncadd.s32 $0xFFFFF800  }
0x11d: {  	[spmem:s2] =	stream.indirect.scatter.add.f32 [tilespmem:s16], [sflag:$0x1], $0x8, s11, s15, $0xb8;
	[tilespmem:$0x19488] =	vst v63  }
0x11e: {  	_ =	swait.ge [sflag:s9], $0x800  }
0x11f: {  	[sflag:s9] =	ssyncset.done $0x0  }
0x120: {  	[sflag:s9] =	ssyncadd.s32 $0xFFFFF800  }
0x121: {  	[spmem:s2] =	stream.indirect.scatter.add.f32 [tilespmem:s18], [sflag:$0x1], $0x8, s17, s15, $0xb8;
	[tilespmem:$0x19488] =	vst v63  }
0x122: {  	_ =	swait.ge [sflag:s9], $0x800  }
0x123: {  	[sflag:s9] =	ssyncset.done $0x0  }
0x124: {  	[sflag:s9] =	ssyncadd.s32 $0xFFFFF800  }
0x125: {  	[spmem:s2] =	stream.indirect.scatter.add.f32 [tilespmem:s20], [sflag:$0x1], $0x8, s19, s15, $0xb8;
	[tilespmem:$0x19488] =	vst v63  }
0x126: {  	_ =	swait.ge [sflag:s9], $0x800  }
0x127: {  	[sflag:s9] =	ssyncset.done $0x0  }
0x128: {  	[sflag:s9] =	ssyncadd.s32 $0xFFFFF800  }
0x129: {  	[spmem:s2] =	stream.indirect.scatter.add.f32 [tilespmem:s22], [sflag:$0x1], $0x8, s21, s15, $0xb8;
	[tilespmem:$0x19488] =	vst v63  }
0x12a: {  	_ =	swait.ge [sflag:s9], $0x800  }
0x12b: {  	[sflag:s9] =	ssyncset.done $0x0  }
0x12c: {  	[sflag:s9] =	ssyncadd.s32 $0xFFFFF800  }
0x12d: {  	[spmem:s2] =	stream.indirect.scatter.add.f32 [tilespmem:s29], [sflag:$0x1], $0x8, s28, s15, $0xb8;
	[tilespmem:$0x19488] =	vst v63  }
0x12e: {  	_ =	swait.ge [sflag:s9], $0x800  }
0x12f: {  	[sflag:s9] =	ssyncset.done $0x0  }
0x130: {  	[sflag:s9] =	ssyncadd.s32 $0xFFFFF800  }
0x131: {  	[spmem:s2] =	stream.indirect.scatter.add.f32 [tilespmem:s31], [sflag:$0x1], $0x8, s30, s15, $0xb8;
	[tilespmem:$0x19488] =	vst v63  }
0x132: {  	_ =	swait.ge [sflag:s9], $0x800  }
0x133: {  	[sflag:s9] =	ssyncset.done $0x0  }
0x134: {  	[sflag:s9] =	ssyncadd.s32 $0xFFFFF800  }
0x135: {  	[spmem:s2] =	stream.indirect.scatter.add.f32 [tilespmem:s1], [sflag:$0x1], $0x8, s25, s15, $0xb8;
	[tilespmem:$0x19488] =	vst v63  }
0x136: {  	s1 =	rddreg [dreg:$0x9];
	_ =	swait.ge [sflag:s9], $0x800  }
0x137: {  	[sflag:s9] =	ssyncset.done $0x0  }
0x138: {  	[sflag:s9] =	ssyncadd.s32 $0xFFFFF800  }
0x139: {  	[spmem:s2] =	stream.indirect.scatter.add.f32 [tilespmem:s5], [sflag:$0x1], $0x8, s4, s15, $0xb8;
	[tilespmem:$0x19488] =	vst v63  }
0x13a: {  	s4 =	rddreg [dreg:$0xa];
	_ =	swait.ge [sflag:s9], $0x800  }
0x13b: {  	[sflag:s9] =	ssyncset.done $0x0  }
0x13c: {  	s14 =	simm.s32 $0x18908;
	[sflag:s9] =	ssyncadd.s32 $0xFFFFF800  }
0x13d: {  	[spmem:s2] =	stream.indirect.scatter.add.f32 [tilespmem:s7], [sflag:$0x1], $0x8, s14, s15, $0xb8;
	[tilespmem:$0x19488] =	vst v63  }
0x13e: {  	_ =	swait.ge [sflag:s9], $0x800  }
0x13f: {  	[sflag:s9] =	ssyncset.done $0x0  }
0x140: {  	s16 =	simm.s32 $0x18A08;
	[sflag:s9] =	ssyncadd.s32 $0xFFFFF800  }
0x141: {  	[spmem:s2] =	stream.indirect.scatter.add.f32 [tilespmem:s3], [sflag:$0x1], $0x8, s16, s15, $0xb8;
	[tilespmem:$0x19488] =	vst v63  }
0x142: {  	_ =	swait.ge [sflag:s9], $0x800  }
0x143: {  	[sflag:s9] =	ssyncset.done $0x0  }
0x144: {  	s17 =	simm.s32 $0x18B08;
	[sflag:s9] =	ssyncadd.s32 $0xFFFFF800  }
0x145: {  	[spmem:s2] =	stream.indirect.scatter.add.f32 [tilespmem:s13], [sflag:$0x1], $0x8, s17, s15, $0xb8;
	[tilespmem:$0x19488] =	vst v63  }
0x146: {  	_ =	swait.ge [sflag:s9], $0x800  }
0x147: {  	[sflag:s9] =	ssyncset.done $0x0  }
0x148: {  	s18 =	simm.s32 $0x18C08;
	[sflag:s9] =	ssyncadd.s32 $0xFFFFF800  }
0x149: {  	[spmem:s2] =	stream.indirect.scatter.add.f32 [tilespmem:s6], [sflag:$0x1], $0x8, s18, s15, $0xb8;
	[tilespmem:$0x19488] =	vst v63  }
0x14a: {  	_ =	swait.ge [sflag:s9], $0x800  }
0x14b: {  	[sflag:s9] =	ssyncset.done $0x0  }
0x14c: {  	s19 =	simm.s32 $0x18D08;
	[sflag:s9] =	ssyncadd.s32 $0xFFFFF800  }
0x14d: {  	[spmem:s2] =	stream.indirect.scatter.add.f32 [tilespmem:s8], [sflag:$0x1], $0x8, s19, s15, $0xb8;
	[tilespmem:$0x19488] =	vst v63  }
0x14e: {  	_ =	swait.ge [sflag:s9], $0x800  }
0x14f: {  	[sflag:s9] =	ssyncset.done $0x0  }
0x150: {  	s20 =	simm.s32 $0x18E08;
	[sflag:s9] =	ssyncadd.s32 $0xFFFFF800  }
0x151: {  	[spmem:s2] =	stream.indirect.scatter.add.f32 [tilespmem:s10], [sflag:$0x1], $0x8, s20, s15, $0xb8;
	[tilespmem:$0x19488] =	vst v63  }
0x152: {  	_ =	swait.ge [sflag:s9], $0x800  }
0x153: {  	[sflag:s9] =	ssyncset.done $0x0  }
0x154: {  	s21 =	simm.s32 $0x18F08;
	[sflag:s9] =	ssyncadd.s32 $0xFFFFF800  }
0x155: {  	[spmem:s2] =	stream.indirect.scatter.add.f32 [tilespmem:s12], [sflag:$0x1], $0x8, s21, s15, $0xb8;
	[tilespmem:$0x19488] =	vst v63  }
0x156: {  	_ =	swait.ge [sflag:s9], $0x800  }
0x157: {  	s28 =	simm.s32 $0x19408;
	[sflag:s9] =	ssyncset.done $0x0  }
0x158: {  	s25 =	simm.s32 $0x19008;
	s22 =	rddreg [dreg:$0x8];
	[sflag:s9] =	ssyncadd.s32 $0xFFFFF800  }
0x159: {  	[spmem:s2] =	stream.indirect.scatter.add.f32 [tilespmem:s25], [sflag:$0x1], $0x8, s28, s22, $0xb8;
	[tilespmem:$0x19488] =	vst v63  }
0x15a: {  	_ =	swait.ge [sflag:s9], $0x400  }
0x15b: {  	[sflag:s9] =	ssyncset.done $0x0  }
0x15c: {  	[sflag:s9] =	ssyncadd.s32 $0xFFFFFC00  }
0x15d: {  	[bflag:$0x0] =	sbarrier.arrive $0xFFFF  }
0x15e: {  	s29 =	rddreg [dreg:$0x7]  }
0x15f: {  	s30 =	rddreg [dreg:$0xb]  }
0x160: {  	p0 =	sne.s32 s23, $0x1C0000;
	s31 =	sadd.s32 s30, s29  }
0x161: {  	[hbm:s31], [sflag:s1] =	dma.local [spmem:s4], $0x2000  }
.Ltmp0:
0x162: {  	_ =	swait.ge [sflag:s9], $0x2000;
	(pc) =	sbr.rel @p0 .LBB2_2-.Ltmp0, $4  }
0x163: {  	[sflag:s9] =	ssyncset.done $0x0  }
0x164: {  	[sflag:s9] =	ssyncadd.s32 $0xFFFFE000  }
0x165: {  	[bflag:$0x0] =	sbarrier.arrive $0xFFFF  }
0x166: {  	s23 =	sadd.s32 $0x40000, s23  }
0x167: {  	s0 =	rddreg [dreg:$0x10]  }
0x168: {  	s23 =	rddreg [dreg:$0xe];
	s0 =	sadd.s32 $0x1, s0  }
0x169: {  	p0 =	sne.s32 s0, s23  }
.Ltmp1:
0x16a: {  	_ = 	snop;
	(pc) =	sbr.rel @p0 .LBB2_1-.Ltmp1, $3  }
0x16b: {  	_ =	sdelay $0x1  }
0x16c: {  	s25 =	simm.s32 $0x19008;
	s26 =	simm.s32 $0x19408  }
0x16d: {  	s3 =	simm.s32 $0x0;
	s5 =	simm.s32 $0x10008;
	s6 =	simm.s32 $0x18008  }
0x16e: {  	_ =	sfence.sel $0x180000  }
0x16f: {  	[bflag:$0x0] =	sbarrier.arrive $0xFFFF  }
0x170: {  	_ =	strace $0x9000004D  }
0x171: {  	s0 =	stileid.u32;
	[bflag:$0x2] =	sbarrier.arrive $0xFFFF  }
0x172: {  	p0 =	sne.s32 s0, $0x0;
	s0 =	rddreg [dreg:$0x3]  }
0x173: {  	s0 =	sadd.s32 @!p0 $0x100000, s0  }
0x174: {  	[sflag:s0] =	ssyncadd.tile.s32 @!p0 $0x1;
	_ =	shalt  }
.Lfunc_end2:
_tile_overlayer_lowered:
.L_overlay_start_2:
0x175: {  	(tag) =	ssettag $0x2  }
0x176: {  	s0 =	rddreg [dreg:$0x0];
	s2 =	stileid.u32  }
0x177: {  	s1 =	rddreg [dreg:$0x1];
	p0 =	sne.s32 s2, $0x0  }
0x178: {  	s3 =	rddreg [dreg:$0x2];
	[bflag:$0x3] =	sbarrier.arrive $0xFFFF;
	s2 =	simm.s32 @!p0 $0x1C01  }
0x179: {  	[timem:s3], [sflag:s2] =	dma.local @!p0 [hbm:s0], s1  }
0x17a: {  	s0 =	simm.s32 @!p0 $0x1  }
0x17b: {  	_ =	swait.ge @!p0 [sflag:s0], s1  }
0x17c: {  	s1 =	ssub.s32 @!p0 $0x0, s1;
	[sflag:s0] =	ssyncset.done @!p0 $0x0  }
0x17d: {  	[sflag:s0] =	ssyncadd.s32 @!p0 s1  }
0x17e: {  	[bflag:$0x3] =	sbarrier.arrive $0xFFFF  }
0x17f: {  	_ =	shalt  }

</sc_bundles>
